<compile_context>
chip_gen: v7x
topology: tpu7x:2x2x1
jax: 0.10.2.dev20260603
libtpu: 0.0.44.dev20260713+nightly
codegen_flags: <defaults>
</compile_context>

<pallas_src>
import functools

import jax
import jax.numpy as jnp
from jax import lax
from jax.experimental import pallas as pl
from jax.experimental.pallas import tpu as pltpu
from jax.experimental.pallas import tpu_sc as plsc

NC = 2
NS = 16
NW = NC * NS
L = 16
C = 128


def _sc_deg(dst3, np_pad, epw):
    nps = np_pad // NS
    nchunk = epw // C
    mesh = plsc.VectorSubcoreMesh(core_axis_name="c", subcore_axis_name="s", num_cores=NC, num_subcores=NS)

    @functools.partial(
        pl.kernel,
        out_type=jax.ShapeDtypeStruct((NC * np_pad,), jnp.float32),
        mesh=mesh,
        scratch_types=[
            pltpu.VMEM((nchunk, C), jnp.int32),
            pltpu.VMEM((C,), jnp.float32),
            pltpu.VMEM((nps,), jnp.float32),
            pltpu.VMEM_SHARED((np_pad,), jnp.float32),
            pltpu.SemaphoreType.DMA,
        ],
    )
    def k(dst_hbm, out_hbm, dbuf, ones, zbuf, acc, lsem):
        c = lax.axis_index("c")
        s = lax.axis_index("s")
        wid = s * NC + c

        ld = pltpu.async_copy(dst_hbm.at[wid], dbuf, lsem)
        one = jnp.full((L,), 1.0, jnp.float32)
        zero = jnp.zeros((L,), jnp.float32)
        for i in range(C // L):
            ones[pl.ds(i * L, L)] = one
        for i in range(nps // L):
            zbuf[pl.ds(i * L, L)] = zero
        pltpu.sync_copy(zbuf, acc.at[pl.ds(s * nps, nps)])
        ld.wait()
        plsc.subcore_barrier()

        def body(i, carry):
            pltpu.sync_copy(ones, acc.at[dbuf.at[i]], add=True)
            return carry

        lax.fori_loop(0, nchunk, body, 0)
        plsc.subcore_barrier()
        pltpu.sync_copy(acc.at[pl.ds(s * nps, nps)], zbuf)
        pltpu.sync_copy(zbuf, out_hbm.at[pl.ds(c * np_pad + s * nps, nps)])

    return k(dst3)


def _sc_prop16(src3, dst3, u16, np_pad, epw):
    nps = np_pad // NS
    nchunk = epw // C
    mesh = plsc.VectorSubcoreMesh(core_axis_name="c", subcore_axis_name="s", num_cores=NC, num_subcores=NS)

    @functools.partial(
        pl.kernel,
        out_type=jax.ShapeDtypeStruct((NC * np_pad, 16), jnp.float32),
        mesh=mesh,
        scratch_types=[
            pltpu.VMEM((nchunk, C), jnp.int32),
            pltpu.VMEM((nchunk, C), jnp.int32),
            pltpu.VMEM((C, 16), jnp.float32),
            pltpu.VMEM((C, 16), jnp.float32),
            pltpu.VMEM((C, 16), jnp.float32),
            pltpu.VMEM((C, 16), jnp.float32),
            pltpu.VMEM((nps, 16), jnp.float32),
            pltpu.VMEM_SHARED((np_pad, 16), jnp.float32),
            pltpu.VMEM_SHARED((np_pad, 16), jnp.float32),
            pltpu.SemaphoreType.DMA,
            pltpu.SemaphoreType.DMA,
            pltpu.SemaphoreType.DMA,
            pltpu.SemaphoreType.DMA,
            pltpu.SemaphoreType.DMA,
            pltpu.SemaphoreType.DMA,
        ],
        compiler_params=pltpu.CompilerParams(use_tc_tiling_on_sc=False),
    )
    def k(src_hbm, dst_hbm, u_hbm, out_hbm,
          sbuf, dbuf, rows0, rows1, rows2, rows3, zbuf, acc, uloc,
          lsem0, lsem1, gsem0, gsem1, gsem2, gsem3):
        c = lax.axis_index("c")
        s = lax.axis_index("s")
        wid = s * NC + c

        ls = pltpu.async_copy(src_hbm.at[wid], sbuf, lsem0)
        ld = pltpu.async_copy(dst_hbm.at[wid], dbuf, lsem1)
        pltpu.sync_copy(u_hbm.at[pl.ds(s * nps, nps)], zbuf)
        pltpu.sync_copy(zbuf, acc.at[pl.ds(s * nps, nps)])
        pltpu.sync_copy(zbuf, uloc.at[pl.ds(s * nps, nps)])
        ls.wait()
        ld.wait()
        plsc.subcore_barrier()

        rb = (rows0, rows1, rows2, rows3)
        sm = (gsem0, gsem1, gsem2, gsem3)

        def body(i, carry):
            b = i * 8
            hs = [None] * 8
            for j in range(4):
                hs[j] = pltpu.async_copy(uloc.at[sbuf.at[b + j]], rb[j], sm[j])
            for j in range(8):
                hs[j].wait()
                pltpu.sync_copy(rb[j % 4], acc.at[dbuf.at[b + j]], add=True)
                if j + 4 < 8:
                    hs[j + 4] = pltpu.async_copy(
                        uloc.at[sbuf.at[b + j + 4]], rb[j % 4], sm[j % 4])
            return carry

        lax.fori_loop(0, nchunk // 8, body, 0)
        plsc.subcore_barrier()
        pltpu.sync_copy(acc.at[pl.ds(s * nps, nps)], zbuf)
        pltpu.sync_copy(zbuf, out_hbm.at[pl.ds(c * np_pad + s * nps, nps)])

    return k(src3, dst3, u16)


def _tc_call(body, out_shapes, *args):
    return pl.pallas_call(
        body,
        out_shape=[jax.ShapeDtypeStruct(s, jnp.float32) for s in out_shapes],
    )(*args)


def kernel(x, edge_index, W1, b1, W2, b2, Wc, bc):
    n, d = x.shape
    e = edge_index.shape[1]
    h1 = W1.shape[1]
    h2 = W2.shape[1]

    align = NS * L
    np_pad = ((n + align - 1) // (align)) * align
    while np_pad - n < C:
        np_pad += align
    e_pad = ((e + 8 * NW * C - 1) // (8 * NW * C)) * (8 * NW * C)
    epw = e_pad // NW

    src = edge_index[0]
    dst = edge_index[1]
    pad = e_pad - e
    nchunk = epw // C
    src3 = jnp.concatenate([src, jnp.zeros((pad,), jnp.int32)]).reshape(NW, nchunk, C)
    dst3 = jnp.concatenate([dst, jnp.full((pad,), np_pad - 1, jnp.int32)]).reshape(NW, nchunk, C)

    degp = _sc_deg(dst3, np_pad, epw)
    degp2 = degp.reshape((NC * np_pad, 1))

    def tc1(x_ref, w1_ref, degp_ref, u1_ref, dinv_ref):
        deg = degp_ref[0:np_pad, :] + degp_ref[np_pad:2 * np_pad, :] + 1.0
        dinv = lax.rsqrt(deg)
        dinv_ref[...] = dinv
        hw = jnp.dot(x_ref[...], w1_ref[...], preferred_element_type=jnp.float32)
        u1_ref[0:n, 0:h1] = hw * dinv[0:n, :]
        u1_ref[n:np_pad, 0:h1] = jnp.zeros((np_pad - n, h1), jnp.float32)
        u1_ref[:, h1:16] = jnp.zeros((np_pad, 16 - h1), jnp.float32)

    u1, dinv = _tc_call(tc1, [(np_pad, 16), (np_pad, 1)], x, W1, degp2)

    accp1 = _sc_prop16(src3, dst3, u1, np_pad, epw)

    def tc2(accp_ref, u1_ref, dinv_ref, b1_ref, w2_ref, u2_ref):
        acc = (accp_ref[0:np_pad, 0:h1] + accp_ref[np_pad:2 * np_pad, 0:h1]
               - u1_ref[:, 0:h1])
        hh = jnp.maximum(dinv_ref[0:n, :] * acc[0:n, :] + b1_ref[...], 0.0)
        u2_ref[0:n, 0:h2] = jnp.dot(hh, w2_ref[...],
                                    preferred_element_type=jnp.float32) * dinv_ref[0:n, :]
        u2_ref[n:np_pad, 0:h2] = jnp.zeros((np_pad - n, h2), jnp.float32)
        u2_ref[:, h2:16] = jnp.zeros((np_pad, 16 - h2), jnp.float32)

    u2, = _tc_call(tc2, [(np_pad, 16)], accp1, u1, dinv, b1.reshape(1, h1), W2)

    accp2 = _sc_prop16(src3, dst3, u2, np_pad, epw)

    def tc3(accp_ref, u2_ref, dinv_ref, b2_ref, wc_ref, bc_ref, out_ref, h_ref):
        acc = (accp_ref[0:np_pad, 0:h2] + accp_ref[np_pad:2 * np_pad, 0:h2]
               - u2_ref[:, 0:h2])
        hh = jnp.tanh(dinv_ref[0:n, :] * acc[0:n, :] + b2_ref[...])
        h_ref[...] = hh
        z = jnp.dot(hh, wc_ref[...], preferred_element_type=jnp.float32) + bc_ref[...]
        out_ref[...] = jax.nn.sigmoid(z)

    out, h = _tc_call(tc3, [(n, 1), (n, h2)], accp2, u2, dinv,
                      b2.reshape(1, h2), Wc, bc.reshape(1, 1))
    return (out, h)

# --- scband reference (transcript-rebuilt; emitter-appended) ---
"""Pipeline reference for scband-gcn-88648124989892 (READ-ONLY COPY).

The authoritative reference and input builder live on the scoring server;
editing this copy changes nothing except your own understanding.
"""

import jax, jax.numpy as jnp
import numpy as np

N = 10000
E = 320000
D = 128
H1 = 4
H2 = 2


def setup_inputs(seed: int = 0) -> dict:
    key = jax.random.key(seed)
    ks = jax.random.split(key, 8)
    x = jax.random.normal(ks[0], (N, D), dtype=jnp.float32)
    edge_index = jax.random.randint(ks[1], (2, E), 0, N, dtype=jnp.int32)
    W1 = jax.random.normal(ks[2], (D, H1), dtype=jnp.float32) * (1.0 / np.sqrt(D))
    b1 = jnp.zeros((H1,), dtype=jnp.float32)
    W2 = jax.random.normal(ks[3], (H1, H2), dtype=jnp.float32) * (1.0 / np.sqrt(H1))
    b2 = jnp.zeros((H2,), dtype=jnp.float32)
    Wc = jax.random.normal(ks[4], (H2, 1), dtype=jnp.float32) * (1.0 / np.sqrt(H2))
    bc = jnp.zeros((1,), dtype=jnp.float32)
    return {"x": x, "edge_index": edge_index, "W1": W1, "b1": b1, "W2": W2, "b2": b2, "Wc": Wc, "bc": bc}


def _gcn_conv(h, edge_index, W, b):
    src = edge_index[0]
    dst = edge_index[1]
    loop = jnp.arange(N, dtype=src.dtype)
    s = jnp.concatenate([src, loop])
    d = jnp.concatenate([dst, loop])
    deg = jnp.zeros((N,), dtype=h.dtype).at[d].add(1.0)
    dinv = jnp.where(deg > 0, 1.0 / jnp.sqrt(deg), 0.0)
    norm = dinv[s] * dinv[d]
    hw = h @ W
    msg = hw[s] * norm[:, None]
    out = jnp.zeros((N, W.shape[1]), dtype=h.dtype).at[d].add(msg)
    return out + b


def reference(x, edge_index, W1, b1, W2, b2, Wc, bc):
    h = _gcn_conv(x, edge_index, W1, b1)
    h = jax.nn.relu(h)
    h = _gcn_conv(h, edge_index, W2, b2)
    h = jnp.tanh(h)
    out = jax.nn.sigmoid(h @ Wc + bc)
    return (out, h)

if __name__ == "__main__":
    import jax
    _d = setup_inputs()
    print(jax.jit(kernel)(*tuple(_d.values())))

</pallas_src>

<mosaic_0001>
#map = affine_map<(d0, d1) -> (0, 0, 0)>
#map1 = affine_map<(d0, d1) -> (0, 0)>
module attributes {stable_mosaic.version = 14 : i64} {
  func.func @k(%arg0: i32, %arg1: i32, %arg2: memref<32x80x128xi32, #tpu.memory_space<hbm>>, %arg3: memref<32x80x128xi32, #tpu.memory_space<hbm>>, %arg4: memref<10240x16xf32, #tpu.memory_space<hbm>>, %arg5: memref<20480x16xf32, #tpu.memory_space<hbm>>, %arg6: memref<80x128xi32, #tpu.memory_space<vmem>>, %arg7: memref<80x128xi32, #tpu.memory_space<vmem>>, %arg8: memref<128x16xf32, #tpu.memory_space<vmem>>, %arg9: memref<128x16xf32, #tpu.memory_space<vmem>>, %arg10: memref<128x16xf32, #tpu.memory_space<vmem>>, %arg11: memref<128x16xf32, #tpu.memory_space<vmem>>, %arg12: memref<640x16xf32, #tpu.memory_space<vmem>>, %arg13: memref<10240x16xf32, #tpu.memory_space<vmem_shared>>, %arg14: memref<10240x16xf32, #tpu.memory_space<vmem_shared>>, %arg15: memref<!tpu.dma_semaphore, #tpu.memory_space<semaphore_mem>>, %arg16: memref<!tpu.dma_semaphore, #tpu.memory_space<semaphore_mem>>, %arg17: memref<!tpu.dma_semaphore, #tpu.memory_space<semaphore_mem>>, %arg18: memref<!tpu.dma_semaphore, #tpu.memory_space<semaphore_mem>>, %arg19: memref<!tpu.dma_semaphore, #tpu.memory_space<semaphore_mem>>, %arg20: memref<!tpu.dma_semaphore, #tpu.memory_space<semaphore_mem>>) attributes {dimension_semantics = [#tpu.dimension_semantics<core_parallel>, #tpu.dimension_semantics<subcore_parallel>], iteration_bounds = array<i64: 2, 16>, scalar_prefetch = 0 : i64, scratch_operands = 15 : i64, tpu.core_type = #tpu.core_type<sc_vector_subcore>, window_params = [{transform_indices = #map}, {transform_indices = #map}, {transform_indices = #map1}, {transform_indices = #map1}]} {
    %mul3A = arith.constant 2 : i32
    %mul3A_0 = arith.muli %arg1, %mul3A : i32
    %add3A = arith.addi %mul3A_0, %arg0 : i32
    %dma_start3A = arith.constant 0 : i32
    %dma_start3A_1 = arith.constant 0 : i32
    %dma_start3A_2 = tpu.memref_slice %arg2[%add3A, %dma_start3A, %dma_start3A_1] : memref<32x80x128xi32, #tpu.memory_space<hbm>> -> memref<1x80x128xi32, #tpu.memory_space<hbm>>
    %dma_start3A_3 = tpu.memref_squeeze %dma_start3A_2 : memref<1x80x128xi32, #tpu.memory_space<hbm>> -> memref<80x128xi32, #tpu.memory_space<hbm>>
    %dma_start3A_4 = arith.constant 0 : i32
    %dma_start3A_5 = arith.constant 0 : i32
    %dma_start3A_6 = tpu.memref_slice %arg2[%add3A, %dma_start3A_4, %dma_start3A_5] : memref<32x80x128xi32, #tpu.memory_space<hbm>> -> memref<1x80x128xi32, #tpu.memory_space<hbm>>
    %dma_start3A_7 = tpu.memref_squeeze %dma_start3A_6 : memref<1x80x128xi32, #tpu.memory_space<hbm>> -> memref<80x128xi32, #tpu.memory_space<hbm>>
    tpu.enqueue_dma source(%dma_start3A_7 : memref<80x128xi32, #tpu.memory_space<hbm>>) target(%arg6 : memref<80x128xi32, #tpu.memory_space<vmem>>) target_semaphore(%arg15 : memref<!tpu.dma_semaphore, #tpu.memory_space<semaphore_mem>>)
    %dma_start3A_8 = arith.constant 0 : i32
    %dma_start3A_9 = arith.constant 0 : i32
    %dma_start3A_10 = tpu.memref_slice %arg3[%add3A, %dma_start3A_8, %dma_start3A_9] : memref<32x80x128xi32, #tpu.memory_space<hbm>> -> memref<1x80x128xi32, #tpu.memory_space<hbm>>
    %dma_start3A_11 = tpu.memref_squeeze %dma_start3A_10 : memref<1x80x128xi32, #tpu.memory_space<hbm>> -> memref<80x128xi32, #tpu.memory_space<hbm>>
    %dma_start3A_12 = arith.constant 0 : i32
    %dma_start3A_13 = arith.constant 0 : i32
    %dma_start3A_14 = tpu.memref_slice %arg3[%add3A, %dma_start3A_12, %dma_start3A_13] : memref<32x80x128xi32, #tpu.memory_space<hbm>> -> memref<1x80x128xi32, #tpu.memory_space<hbm>>
    %dma_start3A_15 = tpu.memref_squeeze %dma_start3A_14 : memref<1x80x128xi32, #tpu.memory_space<hbm>> -> memref<80x128xi32, #tpu.memory_space<hbm>>
    tpu.enqueue_dma source(%dma_start3A_15 : memref<80x128xi32, #tpu.memory_space<hbm>>) target(%arg7 : memref<80x128xi32, #tpu.memory_space<vmem>>) target_semaphore(%arg16 : memref<!tpu.dma_semaphore, #tpu.memory_space<semaphore_mem>>)
    %mul3A_16 = arith.constant 640 : i32
    %mul3A_17 = arith.muli %arg1, %mul3A_16 : i32
    "tpu.region"() ({
      %run_scoped3A = tpu.sem_alloc : memref<!tpu.dma_semaphore, #tpu.memory_space<semaphore_mem>>
      %dma_start3A_50 = arith.constant 0 : i32
      %dma_start3A_51 = tpu.memref_slice %arg4[%mul3A_17, %dma_start3A_50] : memref<10240x16xf32, #tpu.memory_space<hbm>> -> memref<640x16xf32, #tpu.memory_space<hbm>>
      %dma_start3A_52 = arith.constant 0 : i32
      %dma_start3A_53 = tpu.memref_slice %arg4[%mul3A_17, %dma_start3A_52] : memref<10240x16xf32, #tpu.memory_space<hbm>> -> memref<640x16xf32, #tpu.memory_space<hbm>>
      tpu.enqueue_dma source(%dma_start3A_53 : memref<640x16xf32, #tpu.memory_space<hbm>>) target(%arg12 : memref<640x16xf32, #tpu.memory_space<vmem>>) target_semaphore(%run_scoped3A : memref<!tpu.dma_semaphore, #tpu.memory_space<semaphore_mem>>)
      %dma_wait3A_54 = arith.constant 0 : i32
      %dma_wait3A_55 = tpu.memref_slice %arg4[%mul3A_17, %dma_wait3A_54] : memref<10240x16xf32, #tpu.memory_space<hbm>> -> memref<640x16xf32, #tpu.memory_space<hbm>>
      %dma_wait3A_56 = arith.constant 0 : i32
      %dma_wait3A_57 = tpu.memref_slice %arg4[%mul3A_17, %dma_wait3A_56] : memref<10240x16xf32, #tpu.memory_space<hbm>> -> memref<640x16xf32, #tpu.memory_space<hbm>>
      tpu.wait_dma2 semaphore(%run_scoped3A : memref<!tpu.dma_semaphore, #tpu.memory_space<semaphore_mem>>) src(%dma_wait3A_57 : memref<640x16xf32, #tpu.memory_space<hbm>>) dst(%arg12 : memref<640x16xf32, #tpu.memory_space<vmem>>)
      tpu.yield
    }) : () -> ()
    %mul3A_18 = arith.constant 640 : i32
    %mul3A_19 = arith.muli %arg1, %mul3A_18 : i32
    "tpu.region"() ({
      %run_scoped3A = tpu.sem_alloc : memref<!tpu.dma_semaphore, #tpu.memory_space<semaphore_mem>>
      %dma_start3A_50 = arith.constant 0 : i32
      %dma_start3A_51 = tpu.memref_slice %arg13[%mul3A_19, %dma_start3A_50] : memref<10240x16xf32, #tpu.memory_space<vmem_shared>> -> memref<640x16xf32, #tpu.memory_space<vmem_shared>>
      %dma_start3A_52 = arith.constant 0 : i32
      %dma_start3A_53 = tpu.memref_slice %arg13[%mul3A_19, %dma_start3A_52] : memref<10240x16xf32, #tpu.memory_space<vmem_shared>> -> memref<640x16xf32, #tpu.memory_space<vmem_shared>>
      tpu.enqueue_dma source(%arg12 : memref<640x16xf32, #tpu.memory_space<vmem>>) target(%dma_start3A_53 : memref<640x16xf32, #tpu.memory_space<vmem_shared>>) target_semaphore(%run_scoped3A : memref<!tpu.dma_semaphore, #tpu.memory_space<semaphore_mem>>)
      %dma_wait3A_54 = arith.constant 0 : i32
      %dma_wait3A_55 = tpu.memref_slice %arg13[%mul3A_19, %dma_wait3A_54] : memref<10240x16xf32, #tpu.memory_space<vmem_shared>> -> memref<640x16xf32, #tpu.memory_space<vmem_shared>>
      %dma_wait3A_56 = arith.constant 0 : i32
      %dma_wait3A_57 = tpu.memref_slice %arg13[%mul3A_19, %dma_wait3A_56] : memref<10240x16xf32, #tpu.memory_space<vmem_shared>> -> memref<640x16xf32, #tpu.memory_space<vmem_shared>>
      tpu.wait_dma2 semaphore(%run_scoped3A : memref<!tpu.dma_semaphore, #tpu.memory_space<semaphore_mem>>) src(%arg12 : memref<640x16xf32, #tpu.memory_space<vmem>>) dst(%dma_wait3A_57 : memref<640x16xf32, #tpu.memory_space<vmem_shared>>)
      tpu.yield
    }) : () -> ()
    %mul3A_20 = arith.constant 640 : i32
    %mul3A_21 = arith.muli %arg1, %mul3A_20 : i32
    "tpu.region"() ({
      %run_scoped3A = tpu.sem_alloc : memref<!tpu.dma_semaphore, #tpu.memory_space<semaphore_mem>>
      %dma_start3A_50 = arith.constant 0 : i32
      %dma_start3A_51 = tpu.memref_slice %arg14[%mul3A_21, %dma_start3A_50] : memref<10240x16xf32, #tpu.memory_space<vmem_shared>> -> memref<640x16xf32, #tpu.memory_space<vmem_shared>>
      %dma_start3A_52 = arith.constant 0 : i32
      %dma_start3A_53 = tpu.memref_slice %arg14[%mul3A_21, %dma_start3A_52] : memref<10240x16xf32, #tpu.memory_space<vmem_shared>> -> memref<640x16xf32, #tpu.memory_space<vmem_shared>>
      tpu.enqueue_dma source(%arg12 : memref<640x16xf32, #tpu.memory_space<vmem>>) target(%dma_start3A_53 : memref<640x16xf32, #tpu.memory_space<vmem_shared>>) target_semaphore(%run_scoped3A : memref<!tpu.dma_semaphore, #tpu.memory_space<semaphore_mem>>)
      %dma_wait3A_54 = arith.constant 0 : i32
      %dma_wait3A_55 = tpu.memref_slice %arg14[%mul3A_21, %dma_wait3A_54] : memref<10240x16xf32, #tpu.memory_space<vmem_shared>> -> memref<640x16xf32, #tpu.memory_space<vmem_shared>>
      %dma_wait3A_56 = arith.constant 0 : i32
      %dma_wait3A_57 = tpu.memref_slice %arg14[%mul3A_21, %dma_wait3A_56] : memref<10240x16xf32, #tpu.memory_space<vmem_shared>> -> memref<640x16xf32, #tpu.memory_space<vmem_shared>>
      tpu.wait_dma2 semaphore(%run_scoped3A : memref<!tpu.dma_semaphore, #tpu.memory_space<semaphore_mem>>) src(%arg12 : memref<640x16xf32, #tpu.memory_space<vmem>>) dst(%dma_wait3A_57 : memref<640x16xf32, #tpu.memory_space<vmem_shared>>)
      tpu.yield
    }) : () -> ()
    %dma_wait3A = arith.constant 0 : i32
    %dma_wait3A_22 = arith.constant 0 : i32
    %dma_wait3A_23 = tpu.memref_slice %arg2[%add3A, %dma_wait3A, %dma_wait3A_22] : memref<32x80x128xi32, #tpu.memory_space<hbm>> -> memref<1x80x128xi32, #tpu.memory_space<hbm>>
    %dma_wait3A_24 = tpu.memref_squeeze %dma_wait3A_23 : memref<1x80x128xi32, #tpu.memory_space<hbm>> -> memref<80x128xi32, #tpu.memory_space<hbm>>
    %dma_wait3A_25 = arith.constant 0 : i32
    %dma_wait3A_26 = arith.constant 0 : i32
    %dma_wait3A_27 = tpu.memref_slice %arg2[%add3A, %dma_wait3A_25, %dma_wait3A_26] : memref<32x80x128xi32, #tpu.memory_space<hbm>> -> memref<1x80x128xi32, #tpu.memory_space<hbm>>
    %dma_wait3A_28 = tpu.memref_squeeze %dma_wait3A_27 : memref<1x80x128xi32, #tpu.memory_space<hbm>> -> memref<80x128xi32, #tpu.memory_space<hbm>>
    tpu.wait_dma2 semaphore(%arg15 : memref<!tpu.dma_semaphore, #tpu.memory_space<semaphore_mem>>) src(%dma_wait3A_28 : memref<80x128xi32, #tpu.memory_space<hbm>>) dst(%arg6 : memref<80x128xi32, #tpu.memory_space<vmem>>)
    %dma_wait3A_29 = arith.constant 0 : i32
    %dma_wait3A_30 = arith.constant 0 : i32
    %dma_wait3A_31 = tpu.memref_slice %arg3[%add3A, %dma_wait3A_29, %dma_wait3A_30] : memref<32x80x128xi32, #tpu.memory_space<hbm>> -> memref<1x80x128xi32, #tpu.memory_space<hbm>>
    %dma_wait3A_32 = tpu.memref_squeeze %dma_wait3A_31 : memref<1x80x128xi32, #tpu.memory_space<hbm>> -> memref<80x128xi32, #tpu.memory_space<hbm>>
    %dma_wait3A_33 = arith.constant 0 : i32
    %dma_wait3A_34 = arith.constant 0 : i32
    %dma_wait3A_35 = tpu.memref_slice %arg3[%add3A, %dma_wait3A_33, %dma_wait3A_34] : memref<32x80x128xi32, #tpu.memory_space<hbm>> -> memref<1x80x128xi32, #tpu.memory_space<hbm>>
    %dma_wait3A_36 = tpu.memref_squeeze %dma_wait3A_35 : memref<1x80x128xi32, #tpu.memory_space<hbm>> -> memref<80x128xi32, #tpu.memory_space<hbm>>
    tpu.wait_dma2 semaphore(%arg16 : memref<!tpu.dma_semaphore, #tpu.memory_space<semaphore_mem>>) src(%dma_wait3A_36 : memref<80x128xi32, #tpu.memory_space<hbm>>) dst(%arg7 : memref<80x128xi32, #tpu.memory_space<vmem>>)
    %barrier3A = arith.constant 0 : index
    tpu.barrier barrier_id(%barrier3A)
    %scan3A = arith.constant 0 : i32
    %scan3A_37 = arith.constant 0 : i32
    %scan3A_38 = arith.constant 10 : i32
    %scan3A_39 = arith.addi %scan3A_37, %scan3A_38 : i32
    %scan3A_40 = arith.constant 1 : i32
    scf.for %scan3A_50 = %scan3A_37 to %scan3A_39 step %scan3A_40  : i32 {
      %mul3A_51 = arith.constant 8 : i32
      %mul3A_52 = arith.muli %scan3A_50, %mul3A_51 : i32
      %add3A_53 = arith.constant 0 : i32
      %add3A_54 = arith.addi %mul3A_52, %add3A_53 : i32
      %dma_start3A_55 = arith.constant 0 : i32
      %dma_start3A_56 = tpu.memref_slice %arg6[%add3A_54, %dma_start3A_55] : memref<80x128xi32, #tpu.memory_space<vmem>> -> memref<1x128xi32, #tpu.memory_space<vmem>>
      %dma_start3A_57 = tpu.memref_squeeze %dma_start3A_56 : memref<1x128xi32, #tpu.memory_space<vmem>> -> memref<128xi32, #tpu.memory_space<vmem>>
      %dma_start3A_58 = arith.constant 0 : i32
      %dma_start3A_59 = arith.constant 0 : i32
      %dma_start3A_60 = tpu.memref_slice %arg14[%dma_start3A_58, %dma_start3A_59] : memref<10240x16xf32, #tpu.memory_space<vmem_shared>> -> memref<10240x16xf32, #tpu.memory_space<vmem_shared>>
      tpu.enqueue_indirect_dma source(%dma_start3A_60 : memref<10240x16xf32, #tpu.memory_space<vmem_shared>>) target(%arg8 : memref<128x16xf32, #tpu.memory_space<vmem>>) offsets(%dma_start3A_57 : memref<128xi32, #tpu.memory_space<vmem>>) semaphore(%arg17 : memref<!tpu.dma_semaphore, #tpu.memory_space<semaphore_mem>>)
      %add3A_61 = arith.constant 1 : i32
      %add3A_62 = arith.addi %mul3A_52, %add3A_61 : i32
      %dma_start3A_63 = arith.constant 0 : i32
      %dma_start3A_64 = tpu.memref_slice %arg6[%add3A_62, %dma_start3A_63] : memref<80x128xi32, #tpu.memory_space<vmem>> -> memref<1x128xi32, #tpu.memory_space<vmem>>
      %dma_start3A_65 = tpu.memref_squeeze %dma_start3A_64 : memref<1x128xi32, #tpu.memory_space<vmem>> -> memref<128xi32, #tpu.memory_space<vmem>>
      %dma_start3A_66 = arith.constant 0 : i32
      %dma_start3A_67 = arith.constant 0 : i32
      %dma_start3A_68 = tpu.memref_slice %arg14[%dma_start3A_66, %dma_start3A_67] : memref<10240x16xf32, #tpu.memory_space<vmem_shared>> -> memref<10240x16xf32, #tpu.memory_space<vmem_shared>>
      tpu.enqueue_indirect_dma source(%dma_start3A_68 : memref<10240x16xf32, #tpu.memory_space<vmem_shared>>) target(%arg9 : memref<128x16xf32, #tpu.memory_space<vmem>>) offsets(%dma_start3A_65 : memref<128xi32, #tpu.memory_space<vmem>>) semaphore(%arg18 : memref<!tpu.dma_semaphore, #tpu.memory_space<semaphore_mem>>)
      %add3A_69 = arith.constant 2 : i32
      %add3A_70 = arith.addi %mul3A_52, %add3A_69 : i32
      %dma_start3A_71 = arith.constant 0 : i32
      %dma_start3A_72 = tpu.memref_slice %arg6[%add3A_70, %dma_start3A_71] : memref<80x128xi32, #tpu.memory_space<vmem>> -> memref<1x128xi32, #tpu.memory_space<vmem>>
      %dma_start3A_73 = tpu.memref_squeeze %dma_start3A_72 : memref<1x128xi32, #tpu.memory_space<vmem>> -> memref<128xi32, #tpu.memory_space<vmem>>
      %dma_start3A_74 = arith.constant 0 : i32
      %dma_start3A_75 = arith.constant 0 : i32
      %dma_start3A_76 = tpu.memref_slice %arg14[%dma_start3A_74, %dma_start3A_75] : memref<10240x16xf32, #tpu.memory_space<vmem_shared>> -> memref<10240x16xf32, #tpu.memory_space<vmem_shared>>
      tpu.enqueue_indirect_dma source(%dma_start3A_76 : memref<10240x16xf32, #tpu.memory_space<vmem_shared>>) target(%arg10 : memref<128x16xf32, #tpu.memory_space<vmem>>) offsets(%dma_start3A_73 : memref<128xi32, #tpu.memory_space<vmem>>) semaphore(%arg19 : memref<!tpu.dma_semaphore, #tpu.memory_space<semaphore_mem>>)
      %add3A_77 = arith.constant 3 : i32
      %add3A_78 = arith.addi %mul3A_52, %add3A_77 : i32
      %dma_start3A_79 = arith.constant 0 : i32
      %dma_start3A_80 = tpu.memref_slice %arg6[%add3A_78, %dma_start3A_79] : memref<80x128xi32, #tpu.memory_space<vmem>> -> memref<1x128xi32, #tpu.memory_space<vmem>>
      %dma_start3A_81 = tpu.memref_squeeze %dma_start3A_80 : memref<1x128xi32, #tpu.memory_space<vmem>> -> memref<128xi32, #tpu.memory_space<vmem>>
      %dma_start3A_82 = arith.constant 0 : i32
      %dma_start3A_83 = arith.constant 0 : i32
      %dma_start3A_84 = tpu.memref_slice %arg14[%dma_start3A_82, %dma_start3A_83] : memref<10240x16xf32, #tpu.memory_space<vmem_shared>> -> memref<10240x16xf32, #tpu.memory_space<vmem_shared>>
      tpu.enqueue_indirect_dma source(%dma_start3A_84 : memref<10240x16xf32, #tpu.memory_space<vmem_shared>>) target(%arg11 : memref<128x16xf32, #tpu.memory_space<vmem>>) offsets(%dma_start3A_81 : memref<128xi32, #tpu.memory_space<vmem>>) semaphore(%arg20 : memref<!tpu.dma_semaphore, #tpu.memory_space<semaphore_mem>>)
      %dma_wait3A_85 = arith.constant 0 : i32
      %dma_wait3A_86 = tpu.memref_slice %arg6[%add3A_54, %dma_wait3A_85] : memref<80x128xi32, #tpu.memory_space<vmem>> -> memref<1x128xi32, #tpu.memory_space<vmem>>
      %dma_wait3A_87 = tpu.memref_squeeze %dma_wait3A_86 : memref<1x128xi32, #tpu.memory_space<vmem>> -> memref<128xi32, #tpu.memory_space<vmem>>
      %dma_wait3A_88 = arith.constant 0 : i32
      %dma_wait3A_89 = arith.constant 0 : i32
      %dma_wait3A_90 = tpu.memref_slice %arg14[%dma_wait3A_88, %dma_wait3A_89] : memref<10240x16xf32, #tpu.memory_space<vmem_shared>> -> memref<10240x16xf32, #tpu.memory_space<vmem_shared>>
      tpu.wait_indirect_dma semaphore(%arg17 : memref<!tpu.dma_semaphore, #tpu.memory_space<semaphore_mem>>) src(%dma_wait3A_90 : memref<10240x16xf32, #tpu.memory_space<vmem_shared>>) dst(%arg8 : memref<128x16xf32, #tpu.memory_space<vmem>>)
      %add3A_91 = arith.constant 0 : i32
      %add3A_92 = arith.addi %mul3A_52, %add3A_91 : i32
      "tpu.region"() ({
        %run_scoped3A = tpu.sem_alloc : memref<!tpu.dma_semaphore, #tpu.memory_space<semaphore_mem>>
        %dma_start3A_189 = arith.constant 0 : i32
        %dma_start3A_190 = tpu.memref_slice %arg7[%add3A_92, %dma_start3A_189] : memref<80x128xi32, #tpu.memory_space<vmem>> -> memref<1x128xi32, #tpu.memory_space<vmem>>
        %dma_start3A_191 = tpu.memref_squeeze %dma_start3A_190 : memref<1x128xi32, #tpu.memory_space<vmem>> -> memref<128xi32, #tpu.memory_space<vmem>>
        %dma_start3A_192 = arith.constant 0 : i32
        %dma_start3A_193 = arith.constant 0 : i32
        %dma_start3A_194 = tpu.memref_slice %arg13[%dma_start3A_192, %dma_start3A_193] : memref<10240x16xf32, #tpu.memory_space<vmem_shared>> -> memref<10240x16xf32, #tpu.memory_space<vmem_shared>>
        tpu.enqueue_indirect_dma source(%arg8 : memref<128x16xf32, #tpu.memory_space<vmem>>) target(%dma_start3A_194 : memref<10240x16xf32, #tpu.memory_space<vmem_shared>>) offsets(%dma_start3A_191 : memref<128xi32, #tpu.memory_space<vmem>>) semaphore(%run_scoped3A : memref<!tpu.dma_semaphore, #tpu.memory_space<semaphore_mem>>) {add = true}
        %dma_wait3A_195 = arith.constant 0 : i32
        %dma_wait3A_196 = tpu.memref_slice %arg7[%add3A_92, %dma_wait3A_195] : memref<80x128xi32, #tpu.memory_space<vmem>> -> memref<1x128xi32, #tpu.memory_space<vmem>>
        %dma_wait3A_197 = tpu.memref_squeeze %dma_wait3A_196 : memref<1x128xi32, #tpu.memory_space<vmem>> -> memref<128xi32, #tpu.memory_space<vmem>>
        %dma_wait3A_198 = arith.constant 0 : i32
        %dma_wait3A_199 = arith.constant 0 : i32
        %dma_wait3A_200 = tpu.memref_slice %arg13[%dma_wait3A_198, %dma_wait3A_199] : memref<10240x16xf32, #tpu.memory_space<vmem_shared>> -> memref<10240x16xf32, #tpu.memory_space<vmem_shared>>
        tpu.wait_indirect_dma semaphore(%run_scoped3A : memref<!tpu.dma_semaphore, #tpu.memory_space<semaphore_mem>>) src(%arg8 : memref<128x16xf32, #tpu.memory_space<vmem>>) dst(%dma_wait3A_200 : memref<10240x16xf32, #tpu.memory_space<vmem_shared>>)
        tpu.yield
      }) : () -> ()
      %add3A_93 = arith.constant 0 : i32
      %add3A_94 = arith.addi %mul3A_52, %add3A_93 : i32
      %add3A_95 = arith.constant 4 : i32
      %add3A_96 = arith.addi %add3A_94, %add3A_95 : i32
      %dma_start3A_97 = arith.constant 0 : i32
      %dma_start3A_98 = tpu.memref_slice %arg6[%add3A_96, %dma_start3A_97] : memref<80x128xi32, #tpu.memory_space<vmem>> -> memref<1x128xi32, #tpu.memory_space<vmem>>
      %dma_start3A_99 = tpu.memref_squeeze %dma_start3A_98 : memref<1x128xi32, #tpu.memory_space<vmem>> -> memref<128xi32, #tpu.memory_space<vmem>>
      %dma_start3A_100 = arith.constant 0 : i32
      %dma_start3A_101 = arith.constant 0 : i32
      %dma_start3A_102 = tpu.memref_slice %arg14[%dma_start3A_100, %dma_start3A_101] : memref<10240x16xf32, #tpu.memory_space<vmem_shared>> -> memref<10240x16xf32, #tpu.memory_space<vmem_shared>>
      tpu.enqueue_indirect_dma source(%dma_start3A_102 : memref<10240x16xf32, #tpu.memory_space<vmem_shared>>) target(%arg8 : memref<128x16xf32, #tpu.memory_space<vmem>>) offsets(%dma_start3A_99 : memref<128xi32, #tpu.memory_space<vmem>>) semaphore(%arg17 : memref<!tpu.dma_semaphore, #tpu.memory_space<semaphore_mem>>)
      %dma_wait3A_103 = arith.constant 0 : i32
      %dma_wait3A_104 = tpu.memref_slice %arg6[%add3A_62, %dma_wait3A_103] : memref<80x128xi32, #tpu.memory_space<vmem>> -> memref<1x128xi32, #tpu.memory_space<vmem>>
      %dma_wait3A_105 = tpu.memref_squeeze %dma_wait3A_104 : memref<1x128xi32, #tpu.memory_space<vmem>> -> memref<128xi32, #tpu.memory_space<vmem>>
      %dma_wait3A_106 = arith.constant 0 : i32
      %dma_wait3A_107 = arith.constant 0 : i32
      %dma_wait3A_108 = tpu.memref_slice %arg14[%dma_wait3A_106, %dma_wait3A_107] : memref<10240x16xf32, #tpu.memory_space<vmem_shared>> -> memref<10240x16xf32, #tpu.memory_space<vmem_shared>>
      tpu.wait_indirect_dma semaphore(%arg18 : memref<!tpu.dma_semaphore, #tpu.memory_space<semaphore_mem>>) src(%dma_wait3A_108 : memref<10240x16xf32, #tpu.memory_space<vmem_shared>>) dst(%arg9 : memref<128x16xf32, #tpu.memory_space<vmem>>)
      %add3A_109 = arith.constant 1 : i32
      %add3A_110 = arith.addi %mul3A_52, %add3A_109 : i32
      "tpu.region"() ({
        %run_scoped3A = tpu.sem_alloc : memref<!tpu.dma_semaphore, #tpu.memory_space<semaphore_mem>>
        %dma_start3A_189 = arith.constant 0 : i32
        %dma_start3A_190 = tpu.memref_slice %arg7[%add3A_110, %dma_start3A_189] : memref<80x128xi32, #tpu.memory_space<vmem>> -> memref<1x128xi32, #tpu.memory_space<vmem>>
        %dma_start3A_191 = tpu.memref_squeeze %dma_start3A_190 : memref<1x128xi32, #tpu.memory_space<vmem>> -> memref<128xi32, #tpu.memory_space<vmem>>
        %dma_start3A_192 = arith.constant 0 : i32
        %dma_start3A_193 = arith.constant 0 : i32
        %dma_start3A_194 = tpu.memref_slice %arg13[%dma_start3A_192, %dma_start3A_193] : memref<10240x16xf32, #tpu.memory_space<vmem_shared>> -> memref<10240x16xf32, #tpu.memory_space<vmem_shared>>
        tpu.enqueue_indirect_dma source(%arg9 : memref<128x16xf32, #tpu.memory_space<vmem>>) target(%dma_start3A_194 : memref<10240x16xf32, #tpu.memory_space<vmem_shared>>) offsets(%dma_start3A_191 : memref<128xi32, #tpu.memory_space<vmem>>) semaphore(%run_scoped3A : memref<!tpu.dma_semaphore, #tpu.memory_space<semaphore_mem>>) {add = true}
        %dma_wait3A_195 = arith.constant 0 : i32
        %dma_wait3A_196 = tpu.memref_slice %arg7[%add3A_110, %dma_wait3A_195] : memref<80x128xi32, #tpu.memory_space<vmem>> -> memref<1x128xi32, #tpu.memory_space<vmem>>
        %dma_wait3A_197 = tpu.memref_squeeze %dma_wait3A_196 : memref<1x128xi32, #tpu.memory_space<vmem>> -> memref<128xi32, #tpu.memory_space<vmem>>
        %dma_wait3A_198 = arith.constant 0 : i32
        %dma_wait3A_199 = arith.constant 0 : i32
        %dma_wait3A_200 = tpu.memref_slice %arg13[%dma_wait3A_198, %dma_wait3A_199] : memref<10240x16xf32, #tpu.memory_space<vmem_shared>> -> memref<10240x16xf32, #tpu.memory_space<vmem_shared>>
        tpu.wait_indirect_dma semaphore(%run_scoped3A : memref<!tpu.dma_semaphore, #tpu.memory_space<semaphore_mem>>) src(%arg9 : memref<128x16xf32, #tpu.memory_space<vmem>>) dst(%dma_wait3A_200 : memref<10240x16xf32, #tpu.memory_space<vmem_shared>>)
        tpu.yield
      }) : () -> ()
      %add3A_111 = arith.constant 1 : i32
      %add3A_112 = arith.addi %mul3A_52, %add3A_111 : i32
      %add3A_113 = arith.constant 4 : i32
      %add3A_114 = arith.addi %add3A_112, %add3A_113 : i32
      %dma_start3A_115 = arith.constant 0 : i32
      %dma_start3A_116 = tpu.memref_slice %arg6[%add3A_114, %dma_start3A_115] : memref<80x128xi32, #tpu.memory_space<vmem>> -> memref<1x128xi32, #tpu.memory_space<vmem>>
      %dma_start3A_117 = tpu.memref_squeeze %dma_start3A_116 : memref<1x128xi32, #tpu.memory_space<vmem>> -> memref<128xi32, #tpu.memory_space<vmem>>
      %dma_start3A_118 = arith.constant 0 : i32
      %dma_start3A_119 = arith.constant 0 : i32
      %dma_start3A_120 = tpu.memref_slice %arg14[%dma_start3A_118, %dma_start3A_119] : memref<10240x16xf32, #tpu.memory_space<vmem_shared>> -> memref<10240x16xf32, #tpu.memory_space<vmem_shared>>
      tpu.enqueue_indirect_dma source(%dma_start3A_120 : memref<10240x16xf32, #tpu.memory_space<vmem_shared>>) target(%arg9 : memref<128x16xf32, #tpu.memory_space<vmem>>) offsets(%dma_start3A_117 : memref<128xi32, #tpu.memory_space<vmem>>) semaphore(%arg18 : memref<!tpu.dma_semaphore, #tpu.memory_space<semaphore_mem>>)
      %dma_wait3A_121 = arith.constant 0 : i32
      %dma_wait3A_122 = tpu.memref_slice %arg6[%add3A_70, %dma_wait3A_121] : memref<80x128xi32, #tpu.memory_space<vmem>> -> memref<1x128xi32, #tpu.memory_space<vmem>>
      %dma_wait3A_123 = tpu.memref_squeeze %dma_wait3A_122 : memref<1x128xi32, #tpu.memory_space<vmem>> -> memref<128xi32, #tpu.memory_space<vmem>>
      %dma_wait3A_124 = arith.constant 0 : i32
      %dma_wait3A_125 = arith.constant 0 : i32
      %dma_wait3A_126 = tpu.memref_slice %arg14[%dma_wait3A_124, %dma_wait3A_125] : memref<10240x16xf32, #tpu.memory_space<vmem_shared>> -> memref<10240x16xf32, #tpu.memory_space<vmem_shared>>
      tpu.wait_indirect_dma semaphore(%arg19 : memref<!tpu.dma_semaphore, #tpu.memory_space<semaphore_mem>>) src(%dma_wait3A_126 : memref<10240x16xf32, #tpu.memory_space<vmem_shared>>) dst(%arg10 : memref<128x16xf32, #tpu.memory_space<vmem>>)
      %add3A_127 = arith.constant 2 : i32
      %add3A_128 = arith.addi %mul3A_52, %add3A_127 : i32
      "tpu.region"() ({
        %run_scoped3A = tpu.sem_alloc : memref<!tpu.dma_semaphore, #tpu.memory_space<semaphore_mem>>
        %dma_start3A_189 = arith.constant 0 : i32
        %dma_start3A_190 = tpu.memref_slice %arg7[%add3A_128, %dma_start3A_189] : memref<80x128xi32, #tpu.memory_space<vmem>> -> memref<1x128xi32, #tpu.memory_space<vmem>>
        %dma_start3A_191 = tpu.memref_squeeze %dma_start3A_190 : memref<1x128xi32, #tpu.memory_space<vmem>> -> memref<128xi32, #tpu.memory_space<vmem>>
        %dma_start3A_192 = arith.constant 0 : i32
        %dma_start3A_193 = arith.constant 0 : i32
        %dma_start3A_194 = tpu.memref_slice %arg13[%dma_start3A_192, %dma_start3A_193] : memref<10240x16xf32, #tpu.memory_space<vmem_shared>> -> memref<10240x16xf32, #tpu.memory_space<vmem_shared>>
        tpu.enqueue_indirect_dma source(%arg10 : memref<128x16xf32, #tpu.memory_space<vmem>>) target(%dma_start3A_194 : memref<10240x16xf32, #tpu.memory_space<vmem_shared>>) offsets(%dma_start3A_191 : memref<128xi32, #tpu.memory_space<vmem>>) semaphore(%run_scoped3A : memref<!tpu.dma_semaphore, #tpu.memory_space<semaphore_mem>>) {add = true}
        %dma_wait3A_195 = arith.constant 0 : i32
        %dma_wait3A_196 = tpu.memref_slice %arg7[%add3A_128, %dma_wait3A_195] : memref<80x128xi32, #tpu.memory_space<vmem>> -> memref<1x128xi32, #tpu.memory_space<vmem>>
        %dma_wait3A_197 = tpu.memref_squeeze %dma_wait3A_196 : memref<1x128xi32, #tpu.memory_space<vmem>> -> memref<128xi32, #tpu.memory_space<vmem>>
        %dma_wait3A_198 = arith.constant 0 : i32
        %dma_wait3A_199 = arith.constant 0 : i32
        %dma_wait3A_200 = tpu.memref_slice %arg13[%dma_wait3A_198, %dma_wait3A_199] : memref<10240x16xf32, #tpu.memory_space<vmem_shared>> -> memref<10240x16xf32, #tpu.memory_space<vmem_shared>>
        tpu.wait_indirect_dma semaphore(%run_scoped3A : memref<!tpu.dma_semaphore, #tpu.memory_space<semaphore_mem>>) src(%arg10 : memref<128x16xf32, #tpu.memory_space<vmem>>) dst(%dma_wait3A_200 : memref<10240x16xf32, #tpu.memory_space<vmem_shared>>)
        tpu.yield
      }) : () -> ()
      %add3A_129 = arith.constant 2 : i32
      %add3A_130 = arith.addi %mul3A_52, %add3A_129 : i32
      %add3A_131 = arith.constant 4 : i32
      %add3A_132 = arith.addi %add3A_130, %add3A_131 : i32
      %dma_start3A_133 = arith.constant 0 : i32
      %dma_start3A_134 = tpu.memref_slice %arg6[%add3A_132, %dma_start3A_133] : memref<80x128xi32, #tpu.memory_space<vmem>> -> memref<1x128xi32, #tpu.memory_space<vmem>>
      %dma_start3A_135 = tpu.memref_squeeze %dma_start3A_134 : memref<1x128xi32, #tpu.memory_space<vmem>> -> memref<128xi32, #tpu.memory_space<vmem>>
      %dma_start3A_136 = arith.constant 0 : i32
      %dma_start3A_137 = arith.constant 0 : i32
      %dma_start3A_138 = tpu.memref_slice %arg14[%dma_start3A_136, %dma_start3A_137] : memref<10240x16xf32, #tpu.memory_space<vmem_shared>> -> memref<10240x16xf32, #tpu.memory_space<vmem_shared>>
      tpu.enqueue_indirect_dma source(%dma_start3A_138 : memref<10240x16xf32, #tpu.memory_space<vmem_shared>>) target(%arg10 : memref<128x16xf32, #tpu.memory_space<vmem>>) offsets(%dma_start3A_135 : memref<128xi32, #tpu.memory_space<vmem>>) semaphore(%arg19 : memref<!tpu.dma_semaphore, #tpu.memory_space<semaphore_mem>>)
      %dma_wait3A_139 = arith.constant 0 : i32
      %dma_wait3A_140 = tpu.memref_slice %arg6[%add3A_78, %dma_wait3A_139] : memref<80x128xi32, #tpu.memory_space<vmem>> -> memref<1x128xi32, #tpu.memory_space<vmem>>
      %dma_wait3A_141 = tpu.memref_squeeze %dma_wait3A_140 : memref<1x128xi32, #tpu.memory_space<vmem>> -> memref<128xi32, #tpu.memory_space<vmem>>
      %dma_wait3A_142 = arith.constant 0 : i32
      %dma_wait3A_143 = arith.constant 0 : i32
      %dma_wait3A_144 = tpu.memref_slice %arg14[%dma_wait3A_142, %dma_wait3A_143] : memref<10240x16xf32, #tpu.memory_space<vmem_shared>> -> memref<10240x16xf32, #tpu.memory_space<vmem_shared>>
      tpu.wait_indirect_dma semaphore(%arg20 : memref<!tpu.dma_semaphore, #tpu.memory_space<semaphore_mem>>) src(%dma_wait3A_144 : memref<10240x16xf32, #tpu.memory_space<vmem_shared>>) dst(%arg11 : memref<128x16xf32, #tpu.memory_space<vmem>>)
      %add3A_145 = arith.constant 3 : i32
      %add3A_146 = arith.addi %mul3A_52, %add3A_145 : i32
      "tpu.region"() ({
        %run_scoped3A = tpu.sem_alloc : memref<!tpu.dma_semaphore, #tpu.memory_space<semaphore_mem>>
        %dma_start3A_189 = arith.constant 0 : i32
        %dma_start3A_190 = tpu.memref_slice %arg7[%add3A_146, %dma_start3A_189] : memref<80x128xi32, #tpu.memory_space<vmem>> -> memref<1x128xi32, #tpu.memory_space<vmem>>
        %dma_start3A_191 = tpu.memref_squeeze %dma_start3A_190 : memref<1x128xi32, #tpu.memory_space<vmem>> -> memref<128xi32, #tpu.memory_space<vmem>>
        %dma_start3A_192 = arith.constant 0 : i32
        %dma_start3A_193 = arith.constant 0 : i32
        %dma_start3A_194 = tpu.memref_slice %arg13[%dma_start3A_192, %dma_start3A_193] : memref<10240x16xf32, #tpu.memory_space<vmem_shared>> -> memref<10240x16xf32, #tpu.memory_space<vmem_shared>>
        tpu.enqueue_indirect_dma source(%arg11 : memref<128x16xf32, #tpu.memory_space<vmem>>) target(%dma_start3A_194 : memref<10240x16xf32, #tpu.memory_space<vmem_shared>>) offsets(%dma_start3A_191 : memref<128xi32, #tpu.memory_space<vmem>>) semaphore(%run_scoped3A : memref<!tpu.dma_semaphore, #tpu.memory_space<semaphore_mem>>) {add = true}
        %dma_wait3A_195 = arith.constant 0 : i32
        %dma_wait3A_196 = tpu.memref_slice %arg7[%add3A_146, %dma_wait3A_195] : memref<80x128xi32, #tpu.memory_space<vmem>> -> memref<1x128xi32, #tpu.memory_space<vmem>>
        %dma_wait3A_197 = tpu.memref_squeeze %dma_wait3A_196 : memref<1x128xi32, #tpu.memory_space<vmem>> -> memref<128xi32, #tpu.memory_space<vmem>>
        %dma_wait3A_198 = arith.constant 0 : i32
        %dma_wait3A_199 = arith.constant 0 : i32
        %dma_wait3A_200 = tpu.memref_slice %arg13[%dma_wait3A_198, %dma_wait3A_199] : memref<10240x16xf32, #tpu.memory_space<vmem_shared>> -> memref<10240x16xf32, #tpu.memory_space<vmem_shared>>
        tpu.wait_indirect_dma semaphore(%run_scoped3A : memref<!tpu.dma_semaphore, #tpu.memory_space<semaphore_mem>>) src(%arg11 : memref<128x16xf32, #tpu.memory_space<vmem>>) dst(%dma_wait3A_200 : memref<10240x16xf32, #tpu.memory_space<vmem_shared>>)
        tpu.yield
      }) : () -> ()
      %add3A_147 = arith.constant 3 : i32
      %add3A_148 = arith.addi %mul3A_52, %add3A_147 : i32
      %add3A_149 = arith.constant 4 : i32
      %add3A_150 = arith.addi %add3A_148, %add3A_149 : i32
      %dma_start3A_151 = arith.constant 0 : i32
      %dma_start3A_152 = tpu.memref_slice %arg6[%add3A_150, %dma_start3A_151] : memref<80x128xi32, #tpu.memory_space<vmem>> -> memref<1x128xi32, #tpu.memory_space<vmem>>
      %dma_start3A_153 = tpu.memref_squeeze %dma_start3A_152 : memref<1x128xi32, #tpu.memory_space<vmem>> -> memref<128xi32, #tpu.memory_space<vmem>>
      %dma_start3A_154 = arith.constant 0 : i32
      %dma_start3A_155 = arith.constant 0 : i32
      %dma_start3A_156 = tpu.memref_slice %arg14[%dma_start3A_154, %dma_start3A_155] : memref<10240x16xf32, #tpu.memory_space<vmem_shared>> -> memref<10240x16xf32, #tpu.memory_space<vmem_shared>>
      tpu.enqueue_indirect_dma source(%dma_start3A_156 : memref<10240x16xf32, #tpu.memory_space<vmem_shared>>) target(%arg11 : memref<128x16xf32, #tpu.memory_space<vmem>>) offsets(%dma_start3A_153 : memref<128xi32, #tpu.memory_space<vmem>>) semaphore(%arg20 : memref<!tpu.dma_semaphore, #tpu.memory_space<semaphore_mem>>)
      %dma_wait3A_157 = arith.constant 0 : i32
      %dma_wait3A_158 = tpu.memref_slice %arg6[%add3A_96, %dma_wait3A_157] : memref<80x128xi32, #tpu.memory_space<vmem>> -> memref<1x128xi32, #tpu.memory_space<vmem>>
      %dma_wait3A_159 = tpu.memref_squeeze %dma_wait3A_158 : memref<1x128xi32, #tpu.memory_space<vmem>> -> memref<128xi32, #tpu.memory_space<vmem>>
      %dma_wait3A_160 = arith.constant 0 : i32
      %dma_wait3A_161 = arith.constant 0 : i32
      %dma_wait3A_162 = tpu.memref_slice %arg14[%dma_wait3A_160, %dma_wait3A_161] : memref<10240x16xf32, #tpu.memory_space<vmem_shared>> -> memref<10240x16xf32, #tpu.memory_space<vmem_shared>>
      tpu.wait_indirect_dma semaphore(%arg17 : memref<!tpu.dma_semaphore, #tpu.memory_space<semaphore_mem>>) src(%dma_wait3A_162 : memref<10240x16xf32, #tpu.memory_space<vmem_shared>>) dst(%arg8 : memref<128x16xf32, #tpu.memory_space<vmem>>)
      %add3A_163 = arith.constant 4 : i32
      %add3A_164 = arith.addi %mul3A_52, %add3A_163 : i32
      "tpu.region"() ({
        %run_scoped3A = tpu.sem_alloc : memref<!tpu.dma_semaphore, #tpu.memory_space<semaphore_mem>>
        %dma_start3A_189 = arith.constant 0 : i32
        %dma_start3A_190 = tpu.memref_slice %arg7[%add3A_164, %dma_start3A_189] : memref<80x128xi32, #tpu.memory_space<vmem>> -> memref<1x128xi32, #tpu.memory_space<vmem>>
        %dma_start3A_191 = tpu.memref_squeeze %dma_start3A_190 : memref<1x128xi32, #tpu.memory_space<vmem>> -> memref<128xi32, #tpu.memory_space<vmem>>
        %dma_start3A_192 = arith.constant 0 : i32
        %dma_start3A_193 = arith.constant 0 : i32
        %dma_start3A_194 = tpu.memref_slice %arg13[%dma_start3A_192, %dma_start3A_193] : memref<10240x16xf32, #tpu.memory_space<vmem_shared>> -> memref<10240x16xf32, #tpu.memory_space<vmem_shared>>
        tpu.enqueue_indirect_dma source(%arg8 : memref<128x16xf32, #tpu.memory_space<vmem>>) target(%dma_start3A_194 : memref<10240x16xf32, #tpu.memory_space<vmem_shared>>) offsets(%dma_start3A_191 : memref<128xi32, #tpu.memory_space<vmem>>) semaphore(%run_scoped3A : memref<!tpu.dma_semaphore, #tpu.memory_space<semaphore_mem>>) {add = true}
        %dma_wait3A_195 = arith.constant 0 : i32
        %dma_wait3A_196 = tpu.memref_slice %arg7[%add3A_164, %dma_wait3A_195] : memref<80x128xi32, #tpu.memory_space<vmem>> -> memref<1x128xi32, #tpu.memory_space<vmem>>
        %dma_wait3A_197 = tpu.memref_squeeze %dma_wait3A_196 : memref<1x128xi32, #tpu.memory_space<vmem>> -> memref<128xi32, #tpu.memory_space<vmem>>
        %dma_wait3A_198 = arith.constant 0 : i32
        %dma_wait3A_199 = arith.constant 0 : i32
        %dma_wait3A_200 = tpu.memref_slice %arg13[%dma_wait3A_198, %dma_wait3A_199] : memref<10240x16xf32, #tpu.memory_space<vmem_shared>> -> memref<10240x16xf32, #tpu.memory_space<vmem_shared>>
        tpu.wait_indirect_dma semaphore(%run_scoped3A : memref<!tpu.dma_semaphore, #tpu.memory_space<semaphore_mem>>) src(%arg8 : memref<128x16xf32, #tpu.memory_space<vmem>>) dst(%dma_wait3A_200 : memref<10240x16xf32, #tpu.memory_space<vmem_shared>>)
        tpu.yield
      }) : () -> ()
      %dma_wait3A_165 = arith.constant 0 : i32
      %dma_wait3A_166 = tpu.memref_slice %arg6[%add3A_114, %dma_wait3A_165] : memref<80x128xi32, #tpu.memory_space<vmem>> -> memref<1x128xi32, #tpu.memory_space<vmem>>
      %dma_wait3A_167 = tpu.memref_squeeze %dma_wait3A_166 : memref<1x128xi32, #tpu.memory_space<vmem>> -> memref<128xi32, #tpu.memory_space<vmem>>
      %dma_wait3A_168 = arith.constant 0 : i32
      %dma_wait3A_169 = arith.constant 0 : i32
      %dma_wait3A_170 = tpu.memref_slice %arg14[%dma_wait3A_168, %dma_wait3A_169] : memref<10240x16xf32, #tpu.memory_space<vmem_shared>> -> memref<10240x16xf32, #tpu.memory_space<vmem_shared>>
      tpu.wait_indirect_dma semaphore(%arg18 : memref<!tpu.dma_semaphore, #tpu.memory_space<semaphore_mem>>) src(%dma_wait3A_170 : memref<10240x16xf32, #tpu.memory_space<vmem_shared>>) dst(%arg9 : memref<128x16xf32, #tpu.memory_space<vmem>>)
      %add3A_171 = arith.constant 5 : i32
      %add3A_172 = arith.addi %mul3A_52, %add3A_171 : i32
      "tpu.region"() ({
        %run_scoped3A = tpu.sem_alloc : memref<!tpu.dma_semaphore, #tpu.memory_space<semaphore_mem>>
        %dma_start3A_189 = arith.constant 0 : i32
        %dma_start3A_190 = tpu.memref_slice %arg7[%add3A_172, %dma_start3A_189] : memref<80x128xi32, #tpu.memory_space<vmem>> -> memref<1x128xi32, #tpu.memory_space<vmem>>
        %dma_start3A_191 = tpu.memref_squeeze %dma_start3A_190 : memref<1x128xi32, #tpu.memory_space<vmem>> -> memref<128xi32, #tpu.memory_space<vmem>>
        %dma_start3A_192 = arith.constant 0 : i32
        %dma_start3A_193 = arith.constant 0 : i32
        %dma_start3A_194 = tpu.memref_slice %arg13[%dma_start3A_192, %dma_start3A_193] : memref<10240x16xf32, #tpu.memory_space<vmem_shared>> -> memref<10240x16xf32, #tpu.memory_space<vmem_shared>>
        tpu.enqueue_indirect_dma source(%arg9 : memref<128x16xf32, #tpu.memory_space<vmem>>) target(%dma_start3A_194 : memref<10240x16xf32, #tpu.memory_space<vmem_shared>>) offsets(%dma_start3A_191 : memref<128xi32, #tpu.memory_space<vmem>>) semaphore(%run_scoped3A : memref<!tpu.dma_semaphore, #tpu.memory_space<semaphore_mem>>) {add = true}
        %dma_wait3A_195 = arith.constant 0 : i32
        %dma_wait3A_196 = tpu.memref_slice %arg7[%add3A_172, %dma_wait3A_195] : memref<80x128xi32, #tpu.memory_space<vmem>> -> memref<1x128xi32, #tpu.memory_space<vmem>>
        %dma_wait3A_197 = tpu.memref_squeeze %dma_wait3A_196 : memref<1x128xi32, #tpu.memory_space<vmem>> -> memref<128xi32, #tpu.memory_space<vmem>>
        %dma_wait3A_198 = arith.constant 0 : i32
        %dma_wait3A_199 = arith.constant 0 : i32
        %dma_wait3A_200 = tpu.memref_slice %arg13[%dma_wait3A_198, %dma_wait3A_199] : memref<10240x16xf32, #tpu.memory_space<vmem_shared>> -> memref<10240x16xf32, #tpu.memory_space<vmem_shared>>
        tpu.wait_indirect_dma semaphore(%run_scoped3A : memref<!tpu.dma_semaphore, #tpu.memory_space<semaphore_mem>>) src(%arg9 : memref<128x16xf32, #tpu.memory_space<vmem>>) dst(%dma_wait3A_200 : memref<10240x16xf32, #tpu.memory_space<vmem_shared>>)
        tpu.yield
      }) : () -> ()
      %dma_wait3A_173 = arith.constant 0 : i32
      %dma_wait3A_174 = tpu.memref_slice %arg6[%add3A_132, %dma_wait3A_173] : memref<80x128xi32, #tpu.memory_space<vmem>> -> memref<1x128xi32, #tpu.memory_space<vmem>>
      %dma_wait3A_175 = tpu.memref_squeeze %dma_wait3A_174 : memref<1x128xi32, #tpu.memory_space<vmem>> -> memref<128xi32, #tpu.memory_space<vmem>>
      %dma_wait3A_176 = arith.constant 0 : i32
      %dma_wait3A_177 = arith.constant 0 : i32
      %dma_wait3A_178 = tpu.memref_slice %arg14[%dma_wait3A_176, %dma_wait3A_177] : memref<10240x16xf32, #tpu.memory_space<vmem_shared>> -> memref<10240x16xf32, #tpu.memory_space<vmem_shared>>
      tpu.wait_indirect_dma semaphore(%arg19 : memref<!tpu.dma_semaphore, #tpu.memory_space<semaphore_mem>>) src(%dma_wait3A_178 : memref<10240x16xf32, #tpu.memory_space<vmem_shared>>) dst(%arg10 : memref<128x16xf32, #tpu.memory_space<vmem>>)
      %add3A_179 = arith.constant 6 : i32
      %add3A_180 = arith.addi %mul3A_52, %add3A_179 : i32
      "tpu.region"() ({
        %run_scoped3A = tpu.sem_alloc : memref<!tpu.dma_semaphore, #tpu.memory_space<semaphore_mem>>
        %dma_start3A_189 = arith.constant 0 : i32
        %dma_start3A_190 = tpu.memref_slice %arg7[%add3A_180, %dma_start3A_189] : memref<80x128xi32, #tpu.memory_space<vmem>> -> memref<1x128xi32, #tpu.memory_space<vmem>>
        %dma_start3A_191 = tpu.memref_squeeze %dma_start3A_190 : memref<1x128xi32, #tpu.memory_space<vmem>> -> memref<128xi32, #tpu.memory_space<vmem>>
        %dma_start3A_192 = arith.constant 0 : i32
        %dma_start3A_193 = arith.constant 0 : i32
        %dma_start3A_194 = tpu.memref_slice %arg13[%dma_start3A_192, %dma_start3A_193] : memref<10240x16xf32, #tpu.memory_space<vmem_shared>> -> memref<10240x16xf32, #tpu.memory_space<vmem_shared>>
        tpu.enqueue_indirect_dma source(%arg10 : memref<128x16xf32, #tpu.memory_space<vmem>>) target(%dma_start3A_194 : memref<10240x16xf32, #tpu.memory_space<vmem_shared>>) offsets(%dma_start3A_191 : memref<128xi32, #tpu.memory_space<vmem>>) semaphore(%run_scoped3A : memref<!tpu.dma_semaphore, #tpu.memory_space<semaphore_mem>>) {add = true}
        %dma_wait3A_195 = arith.constant 0 : i32
        %dma_wait3A_196 = tpu.memref_slice %arg7[%add3A_180, %dma_wait3A_195] : memref<80x128xi32, #tpu.memory_space<vmem>> -> memref<1x128xi32, #tpu.memory_space<vmem>>
        %dma_wait3A_197 = tpu.memref_squeeze %dma_wait3A_196 : memref<1x128xi32, #tpu.memory_space<vmem>> -> memref<128xi32, #tpu.memory_space<vmem>>
        %dma_wait3A_198 = arith.constant 0 : i32
        %dma_wait3A_199 = arith.constant 0 : i32
        %dma_wait3A_200 = tpu.memref_slice %arg13[%dma_wait3A_198, %dma_wait3A_199] : memref<10240x16xf32, #tpu.memory_space<vmem_shared>> -> memref<10240x16xf32, #tpu.memory_space<vmem_shared>>
        tpu.wait_indirect_dma semaphore(%run_scoped3A : memref<!tpu.dma_semaphore, #tpu.memory_space<semaphore_mem>>) src(%arg10 : memref<128x16xf32, #tpu.memory_space<vmem>>) dst(%dma_wait3A_200 : memref<10240x16xf32, #tpu.memory_space<vmem_shared>>)
        tpu.yield
      }) : () -> ()
      %dma_wait3A_181 = arith.constant 0 : i32
      %dma_wait3A_182 = tpu.memref_slice %arg6[%add3A_150, %dma_wait3A_181] : memref<80x128xi32, #tpu.memory_space<vmem>> -> memref<1x128xi32, #tpu.memory_space<vmem>>
      %dma_wait3A_183 = tpu.memref_squeeze %dma_wait3A_182 : memref<1x128xi32, #tpu.memory_space<vmem>> -> memref<128xi32, #tpu.memory_space<vmem>>
      %dma_wait3A_184 = arith.constant 0 : i32
      %dma_wait3A_185 = arith.constant 0 : i32
      %dma_wait3A_186 = tpu.memref_slice %arg14[%dma_wait3A_184, %dma_wait3A_185] : memref<10240x16xf32, #tpu.memory_space<vmem_shared>> -> memref<10240x16xf32, #tpu.memory_space<vmem_shared>>
      tpu.wait_indirect_dma semaphore(%arg20 : memref<!tpu.dma_semaphore, #tpu.memory_space<semaphore_mem>>) src(%dma_wait3A_186 : memref<10240x16xf32, #tpu.memory_space<vmem_shared>>) dst(%arg11 : memref<128x16xf32, #tpu.memory_space<vmem>>)
      %add3A_187 = arith.constant 7 : i32
      %add3A_188 = arith.addi %mul3A_52, %add3A_187 : i32
      "tpu.region"() ({
        %run_scoped3A = tpu.sem_alloc : memref<!tpu.dma_semaphore, #tpu.memory_space<semaphore_mem>>
        %dma_start3A_189 = arith.constant 0 : i32
        %dma_start3A_190 = tpu.memref_slice %arg7[%add3A_188, %dma_start3A_189] : memref<80x128xi32, #tpu.memory_space<vmem>> -> memref<1x128xi32, #tpu.memory_space<vmem>>
        %dma_start3A_191 = tpu.memref_squeeze %dma_start3A_190 : memref<1x128xi32, #tpu.memory_space<vmem>> -> memref<128xi32, #tpu.memory_space<vmem>>
        %dma_start3A_192 = arith.constant 0 : i32
        %dma_start3A_193 = arith.constant 0 : i32
        %dma_start3A_194 = tpu.memref_slice %arg13[%dma_start3A_192, %dma_start3A_193] : memref<10240x16xf32, #tpu.memory_space<vmem_shared>> -> memref<10240x16xf32, #tpu.memory_space<vmem_shared>>
        tpu.enqueue_indirect_dma source(%arg11 : memref<128x16xf32, #tpu.memory_space<vmem>>) target(%dma_start3A_194 : memref<10240x16xf32, #tpu.memory_space<vmem_shared>>) offsets(%dma_start3A_191 : memref<128xi32, #tpu.memory_space<vmem>>) semaphore(%run_scoped3A : memref<!tpu.dma_semaphore, #tpu.memory_space<semaphore_mem>>) {add = true}
        %dma_wait3A_195 = arith.constant 0 : i32
        %dma_wait3A_196 = tpu.memref_slice %arg7[%add3A_188, %dma_wait3A_195] : memref<80x128xi32, #tpu.memory_space<vmem>> -> memref<1x128xi32, #tpu.memory_space<vmem>>
        %dma_wait3A_197 = tpu.memref_squeeze %dma_wait3A_196 : memref<1x128xi32, #tpu.memory_space<vmem>> -> memref<128xi32, #tpu.memory_space<vmem>>
        %dma_wait3A_198 = arith.constant 0 : i32
        %dma_wait3A_199 = arith.constant 0 : i32
        %dma_wait3A_200 = tpu.memref_slice %arg13[%dma_wait3A_198, %dma_wait3A_199] : memref<10240x16xf32, #tpu.memory_space<vmem_shared>> -> memref<10240x16xf32, #tpu.memory_space<vmem_shared>>
        tpu.wait_indirect_dma semaphore(%run_scoped3A : memref<!tpu.dma_semaphore, #tpu.memory_space<semaphore_mem>>) src(%arg11 : memref<128x16xf32, #tpu.memory_space<vmem>>) dst(%dma_wait3A_200 : memref<10240x16xf32, #tpu.memory_space<vmem_shared>>)
        tpu.yield
      }) : () -> ()
    }
    %scan3A_41 = arith.constant 10 : i32
    %barrier3A_42 = arith.constant 0 : index
    tpu.barrier barrier_id(%barrier3A_42)
    %mul3A_43 = arith.constant 640 : i32
    %mul3A_44 = arith.muli %arg1, %mul3A_43 : i32
    "tpu.region"() ({
      %run_scoped3A = tpu.sem_alloc : memref<!tpu.dma_semaphore, #tpu.memory_space<semaphore_mem>>
      %dma_start3A_50 = arith.constant 0 : i32
      %dma_start3A_51 = tpu.memref_slice %arg13[%mul3A_44, %dma_start3A_50] : memref<10240x16xf32, #tpu.memory_space<vmem_shared>> -> memref<640x16xf32, #tpu.memory_space<vmem_shared>>
      %dma_start3A_52 = arith.constant 0 : i32
      %dma_start3A_53 = tpu.memref_slice %arg13[%mul3A_44, %dma_start3A_52] : memref<10240x16xf32, #tpu.memory_space<vmem_shared>> -> memref<640x16xf32, #tpu.memory_space<vmem_shared>>
      tpu.enqueue_dma source(%dma_start3A_53 : memref<640x16xf32, #tpu.memory_space<vmem_shared>>) target(%arg12 : memref<640x16xf32, #tpu.memory_space<vmem>>) target_semaphore(%run_scoped3A : memref<!tpu.dma_semaphore, #tpu.memory_space<semaphore_mem>>)
      %dma_wait3A_54 = arith.constant 0 : i32
      %dma_wait3A_55 = tpu.memref_slice %arg13[%mul3A_44, %dma_wait3A_54] : memref<10240x16xf32, #tpu.memory_space<vmem_shared>> -> memref<640x16xf32, #tpu.memory_space<vmem_shared>>
      %dma_wait3A_56 = arith.constant 0 : i32
      %dma_wait3A_57 = tpu.memref_slice %arg13[%mul3A_44, %dma_wait3A_56] : memref<10240x16xf32, #tpu.memory_space<vmem_shared>> -> memref<640x16xf32, #tpu.memory_space<vmem_shared>>
      tpu.wait_dma2 semaphore(%run_scoped3A : memref<!tpu.dma_semaphore, #tpu.memory_space<semaphore_mem>>) src(%dma_wait3A_57 : memref<640x16xf32, #tpu.memory_space<vmem_shared>>) dst(%arg12 : memref<640x16xf32, #tpu.memory_space<vmem>>)
      tpu.yield
    }) : () -> ()
    %mul3A_45 = arith.constant 10240 : i32
    %mul3A_46 = arith.muli %arg0, %mul3A_45 : i32
    %mul3A_47 = arith.constant 640 : i32
    %mul3A_48 = arith.muli %arg1, %mul3A_47 : i32
    %add3A_49 = arith.addi %mul3A_46, %mul3A_48 : i32
    "tpu.region"() ({
      %run_scoped3A = tpu.sem_alloc : memref<!tpu.dma_semaphore, #tpu.memory_space<semaphore_mem>>
      %dma_start3A_50 = arith.constant 0 : i32
      %dma_start3A_51 = tpu.memref_slice %arg5[%add3A_49, %dma_start3A_50] : memref<20480x16xf32, #tpu.memory_space<hbm>> -> memref<640x16xf32, #tpu.memory_space<hbm>>
      %dma_start3A_52 = arith.constant 0 : i32
      %dma_start3A_53 = tpu.memref_slice %arg5[%add3A_49, %dma_start3A_52] : memref<20480x16xf32, #tpu.memory_space<hbm>> -> memref<640x16xf32, #tpu.memory_space<hbm>>
      tpu.enqueue_dma source(%arg12 : memref<640x16xf32, #tpu.memory_space<vmem>>) target(%dma_start3A_53 : memref<640x16xf32, #tpu.memory_space<hbm>>) target_semaphore(%run_scoped3A : memref<!tpu.dma_semaphore, #tpu.memory_space<semaphore_mem>>)
      %dma_wait3A_54 = arith.constant 0 : i32
      %dma_wait3A_55 = tpu.memref_slice %arg5[%add3A_49, %dma_wait3A_54] : memref<20480x16xf32, #tpu.memory_space<hbm>> -> memref<640x16xf32, #tpu.memory_space<hbm>>
      %dma_wait3A_56 = arith.constant 0 : i32
      %dma_wait3A_57 = tpu.memref_slice %arg5[%add3A_49, %dma_wait3A_56] : memref<20480x16xf32, #tpu.memory_space<hbm>> -> memref<640x16xf32, #tpu.memory_space<hbm>>
      tpu.wait_dma2 semaphore(%run_scoped3A : memref<!tpu.dma_semaphore, #tpu.memory_space<semaphore_mem>>) src(%arg12 : memref<640x16xf32, #tpu.memory_space<vmem>>) dst(%dma_wait3A_57 : memref<640x16xf32, #tpu.memory_space<hbm>>)
      tpu.yield
    }) : () -> ()
    return
  }
}

#map = affine_map<(d0, d1) -> (0, 0, 0)>
#map1 = affine_map<(d0, d1) -> (0)>
module attributes {stable_mosaic.version = 14 : i64} {
  func.func @k(%arg0: i32, %arg1: i32, %arg2: memref<32x80x128xi32, #tpu.memory_space<hbm>>, %arg3: memref<20480xf32, #tpu.memory_space<hbm>>, %arg4: memref<80x128xi32, #tpu.memory_space<vmem>>, %arg5: memref<128xf32, #tpu.memory_space<vmem>>, %arg6: memref<640xf32, #tpu.memory_space<vmem>>, %arg7: memref<10240xf32, #tpu.memory_space<vmem_shared>>, %arg8: memref<!tpu.dma_semaphore, #tpu.memory_space<semaphore_mem>>) attributes {dimension_semantics = [#tpu.dimension_semantics<core_parallel>, #tpu.dimension_semantics<subcore_parallel>], iteration_bounds = array<i64: 2, 16>, scalar_prefetch = 0 : i64, scratch_operands = 5 : i64, tpu.core_type = #tpu.core_type<sc_vector_subcore>, window_params = [{transform_indices = #map}, {transform_indices = #map1}]} {
    %mul3A = arith.constant 2 : i32
    %mul3A_0 = arith.muli %arg1, %mul3A : i32
    %add3A = arith.addi %mul3A_0, %arg0 : i32
    %dma_start3A = arith.constant 0 : i32
    %dma_start3A_1 = arith.constant 0 : i32
    %dma_start3A_2 = tpu.memref_slice %arg2[%add3A, %dma_start3A, %dma_start3A_1] : memref<32x80x128xi32, #tpu.memory_space<hbm>> -> memref<1x80x128xi32, #tpu.memory_space<hbm>>
    %dma_start3A_3 = tpu.memref_squeeze %dma_start3A_2 : memref<1x80x128xi32, #tpu.memory_space<hbm>> -> memref<80x128xi32, #tpu.memory_space<hbm>>
    %dma_start3A_4 = arith.constant 0 : i32
    %dma_start3A_5 = arith.constant 0 : i32
    %dma_start3A_6 = tpu.memref_slice %arg2[%add3A, %dma_start3A_4, %dma_start3A_5] : memref<32x80x128xi32, #tpu.memory_space<hbm>> -> memref<1x80x128xi32, #tpu.memory_space<hbm>>
    %dma_start3A_7 = tpu.memref_squeeze %dma_start3A_6 : memref<1x80x128xi32, #tpu.memory_space<hbm>> -> memref<80x128xi32, #tpu.memory_space<hbm>>
    tpu.enqueue_dma source(%dma_start3A_7 : memref<80x128xi32, #tpu.memory_space<hbm>>) target(%arg4 : memref<80x128xi32, #tpu.memory_space<vmem>>) target_semaphore(%arg8 : memref<!tpu.dma_semaphore, #tpu.memory_space<semaphore_mem>>)
    %broadcast_in_dim3A = arith.constant 1.000000e+00 : f32
    %broadcast_in_dim3A_8 = vector.broadcast %broadcast_in_dim3A : f32 to vector<16xf32>
    %broadcast_in_dim3A_9 = arith.constant 0.000000e+00 : f32
    %broadcast_in_dim3A_10 = vector.broadcast %broadcast_in_dim3A_9 : f32 to vector<16xf32>
    %swap3A = arith.constant 0 : index
    %swap3A_11 = tpu.vector_load %arg5[%swap3A] {strides = array<i32>} : memref<128xf32, #tpu.memory_space<vmem>>, vector<16xf32>,
    %swap3A_12 = vector.shape_cast %swap3A_11 : vector<16xf32> to vector<16xf32>
    %swap3A_13 = vector.shape_cast %broadcast_in_dim3A_8 : vector<16xf32> to vector<16xf32>
    tpu.vector_store %arg5[%swap3A], %swap3A_13 {strides = array<i32>} : memref<128xf32, #tpu.memory_space<vmem>>, vector<16xf32>,
    %swap3A_14 = arith.constant 16 : index
    %swap3A_15 = tpu.vector_load %arg5[%swap3A_14] {strides = array<i32>} : memref<128xf32, #tpu.memory_space<vmem>>, vector<16xf32>,
    %swap3A_16 = vector.shape_cast %swap3A_15 : vector<16xf32> to vector<16xf32>
    %swap3A_17 = vector.shape_cast %broadcast_in_dim3A_8 : vector<16xf32> to vector<16xf32>
    tpu.vector_store %arg5[%swap3A_14], %swap3A_17 {strides = array<i32>} : memref<128xf32, #tpu.memory_space<vmem>>, vector<16xf32>,
    %swap3A_18 = arith.constant 32 : index
    %swap3A_19 = tpu.vector_load %arg5[%swap3A_18] {strides = array<i32>} : memref<128xf32, #tpu.memory_space<vmem>>, vector<16xf32>,
    %swap3A_20 = vector.shape_cast %swap3A_19 : vector<16xf32> to vector<16xf32>
    %swap3A_21 = vector.shape_cast %broadcast_in_dim3A_8 : vector<16xf32> to vector<16xf32>
    tpu.vector_store %arg5[%swap3A_18], %swap3A_21 {strides = array<i32>} : memref<128xf32, #tpu.memory_space<vmem>>, vector<16xf32>,
    %swap3A_22 = arith.constant 48 : index
    %swap3A_23 = tpu.vector_load %arg5[%swap3A_22] {strides = array<i32>} : memref<128xf32, #tpu.memory_space<vmem>>, vector<16xf32>,
    %swap3A_24 = vector.shape_cast %swap3A_23 : vector<16xf32> to vector<16xf32>
    %swap3A_25 = vector.shape_cast %broadcast_in_dim3A_8 : vector<16xf32> to vector<16xf32>
    tpu.vector_store %arg5[%swap3A_22], %swap3A_25 {strides = array<i32>} : memref<128xf32, #tpu.memory_space<vmem>>, vector<16xf32>,
    %swap3A_26 = arith.constant 64 : index
    %swap3A_27 = tpu.vector_load %arg5[%swap3A_26] {strides = array<i32>} : memref<128xf32, #tpu.memory_space<vmem>>, vector<16xf32>,
    %swap3A_28 = vector.shape_cast %swap3A_27 : vector<16xf32> to vector<16xf32>
    %swap3A_29 = vector.shape_cast %broadcast_in_dim3A_8 : vector<16xf32> to vector<16xf32>
    tpu.vector_store %arg5[%swap3A_26], %swap3A_29 {strides = array<i32>} : memref<128xf32, #tpu.memory_space<vmem>>, vector<16xf32>,
    %swap3A_30 = arith.constant 80 : index
    %swap3A_31 = tpu.vector_load %arg5[%swap3A_30] {strides = array<i32>} : memref<128xf32, #tpu.memory_space<vmem>>, vector<16xf32>,
    %swap3A_32 = vector.shape_cast %swap3A_31 : vector<16xf32> to vector<16xf32>
    %swap3A_33 = vector.shape_cast %broadcast_in_dim3A_8 : vector<16xf32> to vector<16xf32>
    tpu.vector_store %arg5[%swap3A_30], %swap3A_33 {strides = array<i32>} : memref<128xf32, #tpu.memory_space<vmem>>, vector<16xf32>,
    %swap3A_34 = arith.constant 96 : index
    %swap3A_35 = tpu.vector_load %arg5[%swap3A_34] {strides = array<i32>} : memref<128xf32, #tpu.memory_space<vmem>>, vector<16xf32>,
    %swap3A_36 = vector.shape_cast %swap3A_35 : vector<16xf32> to vector<16xf32>
    %swap3A_37 = vector.shape_cast %broadcast_in_dim3A_8 : vector<16xf32> to vector<16xf32>
    tpu.vector_store %arg5[%swap3A_34], %swap3A_37 {strides = array<i32>} : memref<128xf32, #tpu.memory_space<vmem>>, vector<16xf32>,
    %swap3A_38 = arith.constant 112 : index
    %swap3A_39 = tpu.vector_load %arg5[%swap3A_38] {strides = array<i32>} : memref<128xf32, #tpu.memory_space<vmem>>, vector<16xf32>,
    %swap3A_40 = vector.shape_cast %swap3A_39 : vector<16xf32> to vector<16xf32>
    %swap3A_41 = vector.shape_cast %broadcast_in_dim3A_8 : vector<16xf32> to vector<16xf32>
    tpu.vector_store %arg5[%swap3A_38], %swap3A_41 {strides = array<i32>} : memref<128xf32, #tpu.memory_space<vmem>>, vector<16xf32>,
    %swap3A_42 = arith.constant 0 : index
    %swap3A_43 = tpu.vector_load %arg6[%swap3A_42] {strides = array<i32>} : memref<640xf32, #tpu.memory_space<vmem>>, vector<16xf32>,
    %swap3A_44 = vector.shape_cast %swap3A_43 : vector<16xf32> to vector<16xf32>
    %swap3A_45 = vector.shape_cast %broadcast_in_dim3A_10 : vector<16xf32> to vector<16xf32>
    tpu.vector_store %arg6[%swap3A_42], %swap3A_45 {strides = array<i32>} : memref<640xf32, #tpu.memory_space<vmem>>, vector<16xf32>,
    %swap3A_46 = arith.constant 16 : index
    %swap3A_47 = tpu.vector_load %arg6[%swap3A_46] {strides = array<i32>} : memref<640xf32, #tpu.memory_space<vmem>>, vector<16xf32>,
    %swap3A_48 = vector.shape_cast %swap3A_47 : vector<16xf32> to vector<16xf32>
    %swap3A_49 = vector.shape_cast %broadcast_in_dim3A_10 : vector<16xf32> to vector<16xf32>
    tpu.vector_store %arg6[%swap3A_46], %swap3A_49 {strides = array<i32>} : memref<640xf32, #tpu.memory_space<vmem>>, vector<16xf32>,
    %swap3A_50 = arith.constant 32 : index
    %swap3A_51 = tpu.vector_load %arg6[%swap3A_50] {strides = array<i32>} : memref<640xf32, #tpu.memory_space<vmem>>, vector<16xf32>,
    %swap3A_52 = vector.shape_cast %swap3A_51 : vector<16xf32> to vector<16xf32>
    %swap3A_53 = vector.shape_cast %broadcast_in_dim3A_10 : vector<16xf32> to vector<16xf32>
    tpu.vector_store %arg6[%swap3A_50], %swap3A_53 {strides = array<i32>} : memref<640xf32, #tpu.memory_space<vmem>>, vector<16xf32>,
    %swap3A_54 = arith.constant 48 : index
    %swap3A_55 = tpu.vector_load %arg6[%swap3A_54] {strides = array<i32>} : memref<640xf32, #tpu.memory_space<vmem>>, vector<16xf32>,
    %swap3A_56 = vector.shape_cast %swap3A_55 : vector<16xf32> to vector<16xf32>
    %swap3A_57 = vector.shape_cast %broadcast_in_dim3A_10 : vector<16xf32> to vector<16xf32>
    tpu.vector_store %arg6[%swap3A_54], %swap3A_57 {strides = array<i32>} : memref<640xf32, #tpu.memory_space<vmem>>, vector<16xf32>,
    %swap3A_58 = arith.constant 64 : index
    %swap3A_59 = tpu.vector_load %arg6[%swap3A_58] {strides = array<i32>} : memref<640xf32, #tpu.memory_space<vmem>>, vector<16xf32>,
    %swap3A_60 = vector.shape_cast %swap3A_59 : vector<16xf32> to vector<16xf32>
    %swap3A_61 = vector.shape_cast %broadcast_in_dim3A_10 : vector<16xf32> to vector<16xf32>
    tpu.vector_store %arg6[%swap3A_58], %swap3A_61 {strides = array<i32>} : memref<640xf32, #tpu.memory_space<vmem>>, vector<16xf32>,
    %swap3A_62 = arith.constant 80 : index
    %swap3A_63 = tpu.vector_load %arg6[%swap3A_62] {strides = array<i32>} : memref<640xf32, #tpu.memory_space<vmem>>, vector<16xf32>,
    %swap3A_64 = vector.shape_cast %swap3A_63 : vector<16xf32> to vector<16xf32>
    %swap3A_65 = vector.shape_cast %broadcast_in_dim3A_10 : vector<16xf32> to vector<16xf32>
    tpu.vector_store %arg6[%swap3A_62], %swap3A_65 {strides = array<i32>} : memref<640xf32, #tpu.memory_space<vmem>>, vector<16xf32>,
    %swap3A_66 = arith.constant 96 : index
    %swap3A_67 = tpu.vector_load %arg6[%swap3A_66] {strides = array<i32>} : memref<640xf32, #tpu.memory_space<vmem>>, vector<16xf32>,
    %swap3A_68 = vector.shape_cast %swap3A_67 : vector<16xf32> to vector<16xf32>
    %swap3A_69 = vector.shape_cast %broadcast_in_dim3A_10 : vector<16xf32> to vector<16xf32>
    tpu.vector_store %arg6[%swap3A_66], %swap3A_69 {strides = array<i32>} : memref<640xf32, #tpu.memory_space<vmem>>, vector<16xf32>,
    %swap3A_70 = arith.constant 112 : index
    %swap3A_71 = tpu.vector_load %arg6[%swap3A_70] {strides = array<i32>} : memref<640xf32, #tpu.memory_space<vmem>>, vector<16xf32>,
    %swap3A_72 = vector.shape_cast %swap3A_71 : vector<16xf32> to vector<16xf32>
    %swap3A_73 = vector.shape_cast %broadcast_in_dim3A_10 : vector<16xf32> to vector<16xf32>
    tpu.vector_store %arg6[%swap3A_70], %swap3A_73 {strides = array<i32>} : memref<640xf32, #tpu.memory_space<vmem>>, vector<16xf32>,
    %swap3A_74 = arith.constant 128 : index
    %swap3A_75 = tpu.vector_load %arg6[%swap3A_74] {strides = array<i32>} : memref<640xf32, #tpu.memory_space<vmem>>, vector<16xf32>,
    %swap3A_76 = vector.shape_cast %swap3A_75 : vector<16xf32> to vector<16xf32>
    %swap3A_77 = vector.shape_cast %broadcast_in_dim3A_10 : vector<16xf32> to vector<16xf32>
    tpu.vector_store %arg6[%swap3A_74], %swap3A_77 {strides = array<i32>} : memref<640xf32, #tpu.memory_space<vmem>>, vector<16xf32>,
    %swap3A_78 = arith.constant 144 : index
    %swap3A_79 = tpu.vector_load %arg6[%swap3A_78] {strides = array<i32>} : memref<640xf32, #tpu.memory_space<vmem>>, vector<16xf32>,
    %swap3A_80 = vector.shape_cast %swap3A_79 : vector<16xf32> to vector<16xf32>
    %swap3A_81 = vector.shape_cast %broadcast_in_dim3A_10 : vector<16xf32> to vector<16xf32>
    tpu.vector_store %arg6[%swap3A_78], %swap3A_81 {strides = array<i32>} : memref<640xf32, #tpu.memory_space<vmem>>, vector<16xf32>,
    %swap3A_82 = arith.constant 160 : index
    %swap3A_83 = tpu.vector_load %arg6[%swap3A_82] {strides = array<i32>} : memref<640xf32, #tpu.memory_space<vmem>>, vector<16xf32>,
    %swap3A_84 = vector.shape_cast %swap3A_83 : vector<16xf32> to vector<16xf32>
    %swap3A_85 = vector.shape_cast %broadcast_in_dim3A_10 : vector<16xf32> to vector<16xf32>
    tpu.vector_store %arg6[%swap3A_82], %swap3A_85 {strides = array<i32>} : memref<640xf32, #tpu.memory_space<vmem>>, vector<16xf32>,
    %swap3A_86 = arith.constant 176 : index
    %swap3A_87 = tpu.vector_load %arg6[%swap3A_86] {strides = array<i32>} : memref<640xf32, #tpu.memory_space<vmem>>, vector<16xf32>,
    %swap3A_88 = vector.shape_cast %swap3A_87 : vector<16xf32> to vector<16xf32>
    %swap3A_89 = vector.shape_cast %broadcast_in_dim3A_10 : vector<16xf32> to vector<16xf32>
    tpu.vector_store %arg6[%swap3A_86], %swap3A_89 {strides = array<i32>} : memref<640xf32, #tpu.memory_space<vmem>>, vector<16xf32>,
    %swap3A_90 = arith.constant 192 : index
    %swap3A_91 = tpu.vector_load %arg6[%swap3A_90] {strides = array<i32>} : memref<640xf32, #tpu.memory_space<vmem>>, vector<16xf32>,
    %swap3A_92 = vector.shape_cast %swap3A_91 : vector<16xf32> to vector<16xf32>
    %swap3A_93 = vector.shape_cast %broadcast_in_dim3A_10 : vector<16xf32> to vector<16xf32>
    tpu.vector_store %arg6[%swap3A_90], %swap3A_93 {strides = array<i32>} : memref<640xf32, #tpu.memory_space<vmem>>, vector<16xf32>,
    %swap3A_94 = arith.constant 208 : index
    %swap3A_95 = tpu.vector_load %arg6[%swap3A_94] {strides = array<i32>} : memref<640xf32, #tpu.memory_space<vmem>>, vector<16xf32>,
    %swap3A_96 = vector.shape_cast %swap3A_95 : vector<16xf32> to vector<16xf32>
    %swap3A_97 = vector.shape_cast %broadcast_in_dim3A_10 : vector<16xf32> to vector<16xf32>
    tpu.vector_store %arg6[%swap3A_94], %swap3A_97 {strides = array<i32>} : memref<640xf32, #tpu.memory_space<vmem>>, vector<16xf32>,
    %swap3A_98 = arith.constant 224 : index
    %swap3A_99 = tpu.vector_load %arg6[%swap3A_98] {strides = array<i32>} : memref<640xf32, #tpu.memory_space<vmem>>, vector<16xf32>,
    %swap3A_100 = vector.shape_cast %swap3A_99 : vector<16xf32> to vector<16xf32>
    %swap3A_101 = vector.shape_cast %broadcast_in_dim3A_10 : vector<16xf32> to vector<16xf32>
    tpu.vector_store %arg6[%swap3A_98], %swap3A_101 {strides = array<i32>} : memref<640xf32, #tpu.memory_space<vmem>>, vector<16xf32>,
    %swap3A_102 = arith.constant 240 : index
    %swap3A_103 = tpu.vector_load %arg6[%swap3A_102] {strides = array<i32>} : memref<640xf32, #tpu.memory_space<vmem>>, vector<16xf32>,
    %swap3A_104 = vector.shape_cast %swap3A_103 : vector<16xf32> to vector<16xf32>
    %swap3A_105 = vector.shape_cast %broadcast_in_dim3A_10 : vector<16xf32> to vector<16xf32>
    tpu.vector_store %arg6[%swap3A_102], %swap3A_105 {strides = array<i32>} : memref<640xf32, #tpu.memory_space<vmem>>, vector<16xf32>,
    %swap3A_106 = arith.constant 256 : index
    %swap3A_107 = tpu.vector_load %arg6[%swap3A_106] {strides = array<i32>} : memref<640xf32, #tpu.memory_space<vmem>>, vector<16xf32>,
    %swap3A_108 = vector.shape_cast %swap3A_107 : vector<16xf32> to vector<16xf32>
    %swap3A_109 = vector.shape_cast %broadcast_in_dim3A_10 : vector<16xf32> to vector<16xf32>
    tpu.vector_store %arg6[%swap3A_106], %swap3A_109 {strides = array<i32>} : memref<640xf32, #tpu.memory_space<vmem>>, vector<16xf32>,
    %swap3A_110 = arith.constant 272 : index
    %swap3A_111 = tpu.vector_load %arg6[%swap3A_110] {strides = array<i32>} : memref<640xf32, #tpu.memory_space<vmem>>, vector<16xf32>,
    %swap3A_112 = vector.shape_cast %swap3A_111 : vector<16xf32> to vector<16xf32>
    %swap3A_113 = vector.shape_cast %broadcast_in_dim3A_10 : vector<16xf32> to vector<16xf32>
    tpu.vector_store %arg6[%swap3A_110], %swap3A_113 {strides = array<i32>} : memref<640xf32, #tpu.memory_space<vmem>>, vector<16xf32>,
    %swap3A_114 = arith.constant 288 : index
    %swap3A_115 = tpu.vector_load %arg6[%swap3A_114] {strides = array<i32>} : memref<640xf32, #tpu.memory_space<vmem>>, vector<16xf32>,
    %swap3A_116 = vector.shape_cast %swap3A_115 : vector<16xf32> to vector<16xf32>
    %swap3A_117 = vector.shape_cast %broadcast_in_dim3A_10 : vector<16xf32> to vector<16xf32>
    tpu.vector_store %arg6[%swap3A_114], %swap3A_117 {strides = array<i32>} : memref<640xf32, #tpu.memory_space<vmem>>, vector<16xf32>,
    %swap3A_118 = arith.constant 304 : index
    %swap3A_119 = tpu.vector_load %arg6[%swap3A_118] {strides = array<i32>} : memref<640xf32, #tpu.memory_space<vmem>>, vector<16xf32>,
    %swap3A_120 = vector.shape_cast %swap3A_119 : vector<16xf32> to vector<16xf32>
    %swap3A_121 = vector.shape_cast %broadcast_in_dim3A_10 : vector<16xf32> to vector<16xf32>
    tpu.vector_store %arg6[%swap3A_118], %swap3A_121 {strides = array<i32>} : memref<640xf32, #tpu.memory_space<vmem>>, vector<16xf32>,
    %swap3A_122 = arith.constant 320 : index
    %swap3A_123 = tpu.vector_load %arg6[%swap3A_122] {strides = array<i32>} : memref<640xf32, #tpu.memory_space<vmem>>, vector<16xf32>,
    %swap3A_124 = vector.shape_cast %swap3A_123 : vector<16xf32> to vector<16xf32>
    %swap3A_125 = vector.shape_cast %broadcast_in_dim3A_10 : vector<16xf32> to vector<16xf32>
    tpu.vector_store %arg6[%swap3A_122], %swap3A_125 {strides = array<i32>} : memref<640xf32, #tpu.memory_space<vmem>>, vector<16xf32>,
    %swap3A_126 = arith.constant 336 : index
    %swap3A_127 = tpu.vector_load %arg6[%swap3A_126] {strides = array<i32>} : memref<640xf32, #tpu.memory_space<vmem>>, vector<16xf32>,
    %swap3A_128 = vector.shape_cast %swap3A_127 : vector<16xf32> to vector<16xf32>
    %swap3A_129 = vector.shape_cast %broadcast_in_dim3A_10 : vector<16xf32> to vector<16xf32>
    tpu.vector_store %arg6[%swap3A_126], %swap3A_129 {strides = array<i32>} : memref<640xf32, #tpu.memory_space<vmem>>, vector<16xf32>,
    %swap3A_130 = arith.constant 352 : index
    %swap3A_131 = tpu.vector_load %arg6[%swap3A_130] {strides = array<i32>} : memref<640xf32, #tpu.memory_space<vmem>>, vector<16xf32>,
    %swap3A_132 = vector.shape_cast %swap3A_131 : vector<16xf32> to vector<16xf32>
    %swap3A_133 = vector.shape_cast %broadcast_in_dim3A_10 : vector<16xf32> to vector<16xf32>
    tpu.vector_store %arg6[%swap3A_130], %swap3A_133 {strides = array<i32>} : memref<640xf32, #tpu.memory_space<vmem>>, vector<16xf32>,
    %swap3A_134 = arith.constant 368 : index
    %swap3A_135 = tpu.vector_load %arg6[%swap3A_134] {strides = array<i32>} : memref<640xf32, #tpu.memory_space<vmem>>, vector<16xf32>,
    %swap3A_136 = vector.shape_cast %swap3A_135 : vector<16xf32> to vector<16xf32>
    %swap3A_137 = vector.shape_cast %broadcast_in_dim3A_10 : vector<16xf32> to vector<16xf32>
    tpu.vector_store %arg6[%swap3A_134], %swap3A_137 {strides = array<i32>} : memref<640xf32, #tpu.memory_space<vmem>>, vector<16xf32>,
    %swap3A_138 = arith.constant 384 : index
    %swap3A_139 = tpu.vector_load %arg6[%swap3A_138] {strides = array<i32>} : memref<640xf32, #tpu.memory_space<vmem>>, vector<16xf32>,
    %swap3A_140 = vector.shape_cast %swap3A_139 : vector<16xf32> to vector<16xf32>
    %swap3A_141 = vector.shape_cast %broadcast_in_dim3A_10 : vector<16xf32> to vector<16xf32>
    tpu.vector_store %arg6[%swap3A_138], %swap3A_141 {strides = array<i32>} : memref<640xf32, #tpu.memory_space<vmem>>, vector<16xf32>,
    %swap3A_142 = arith.constant 400 : index
    %swap3A_143 = tpu.vector_load %arg6[%swap3A_142] {strides = array<i32>} : memref<640xf32, #tpu.memory_space<vmem>>, vector<16xf32>,
    %swap3A_144 = vector.shape_cast %swap3A_143 : vector<16xf32> to vector<16xf32>
    %swap3A_145 = vector.shape_cast %broadcast_in_dim3A_10 : vector<16xf32> to vector<16xf32>
    tpu.vector_store %arg6[%swap3A_142], %swap3A_145 {strides = array<i32>} : memref<640xf32, #tpu.memory_space<vmem>>, vector<16xf32>,
    %swap3A_146 = arith.constant 416 : index
    %swap3A_147 = tpu.vector_load %arg6[%swap3A_146] {strides = array<i32>} : memref<640xf32, #tpu.memory_space<vmem>>, vector<16xf32>,
    %swap3A_148 = vector.shape_cast %swap3A_147 : vector<16xf32> to vector<16xf32>
    %swap3A_149 = vector.shape_cast %broadcast_in_dim3A_10 : vector<16xf32> to vector<16xf32>
    tpu.vector_store %arg6[%swap3A_146], %swap3A_149 {strides = array<i32>} : memref<640xf32, #tpu.memory_space<vmem>>, vector<16xf32>,
    %swap3A_150 = arith.constant 432 : index
    %swap3A_151 = tpu.vector_load %arg6[%swap3A_150] {strides = array<i32>} : memref<640xf32, #tpu.memory_space<vmem>>, vector<16xf32>,
    %swap3A_152 = vector.shape_cast %swap3A_151 : vector<16xf32> to vector<16xf32>
    %swap3A_153 = vector.shape_cast %broadcast_in_dim3A_10 : vector<16xf32> to vector<16xf32>
    tpu.vector_store %arg6[%swap3A_150], %swap3A_153 {strides = array<i32>} : memref<640xf32, #tpu.memory_space<vmem>>, vector<16xf32>,
    %swap3A_154 = arith.constant 448 : index
    %swap3A_155 = tpu.vector_load %arg6[%swap3A_154] {strides = array<i32>} : memref<640xf32, #tpu.memory_space<vmem>>, vector<16xf32>,
    %swap3A_156 = vector.shape_cast %swap3A_155 : vector<16xf32> to vector<16xf32>
    %swap3A_157 = vector.shape_cast %broadcast_in_dim3A_10 : vector<16xf32> to vector<16xf32>
    tpu.vector_store %arg6[%swap3A_154], %swap3A_157 {strides = array<i32>} : memref<640xf32, #tpu.memory_space<vmem>>, vector<16xf32>,
    %swap3A_158 = arith.constant 464 : index
    %swap3A_159 = tpu.vector_load %arg6[%swap3A_158] {strides = array<i32>} : memref<640xf32, #tpu.memory_space<vmem>>, vector<16xf32>,
    %swap3A_160 = vector.shape_cast %swap3A_159 : vector<16xf32> to vector<16xf32>
    %swap3A_161 = vector.shape_cast %broadcast_in_dim3A_10 : vector<16xf32> to vector<16xf32>
    tpu.vector_store %arg6[%swap3A_158], %swap3A_161 {strides = array<i32>} : memref<640xf32, #tpu.memory_space<vmem>>, vector<16xf32>,
    %swap3A_162 = arith.constant 480 : index
    %swap3A_163 = tpu.vector_load %arg6[%swap3A_162] {strides = array<i32>} : memref<640xf32, #tpu.memory_space<vmem>>, vector<16xf32>,
    %swap3A_164 = vector.shape_cast %swap3A_163 : vector<16xf32> to vector<16xf32>
    %swap3A_165 = vector.shape_cast %broadcast_in_dim3A_10 : vector<16xf32> to vector<16xf32>
    tpu.vector_store %arg6[%swap3A_162], %swap3A_165 {strides = array<i32>} : memref<640xf32, #tpu.memory_space<vmem>>, vector<16xf32>,
    %swap3A_166 = arith.constant 496 : index
    %swap3A_167 = tpu.vector_load %arg6[%swap3A_166] {strides = array<i32>} : memref<640xf32, #tpu.memory_space<vmem>>, vector<16xf32>,
    %swap3A_168 = vector.shape_cast %swap3A_167 : vector<16xf32> to vector<16xf32>
    %swap3A_169 = vector.shape_cast %broadcast_in_dim3A_10 : vector<16xf32> to vector<16xf32>
    tpu.vector_store %arg6[%swap3A_166], %swap3A_169 {strides = array<i32>} : memref<640xf32, #tpu.memory_space<vmem>>, vector<16xf32>,
    %swap3A_170 = arith.constant 512 : index
    %swap3A_171 = tpu.vector_load %arg6[%swap3A_170] {strides = array<i32>} : memref<640xf32, #tpu.memory_space<vmem>>, vector<16xf32>,
    %swap3A_172 = vector.shape_cast %swap3A_171 : vector<16xf32> to vector<16xf32>
    %swap3A_173 = vector.shape_cast %broadcast_in_dim3A_10 : vector<16xf32> to vector<16xf32>
    tpu.vector_store %arg6[%swap3A_170], %swap3A_173 {strides = array<i32>} : memref<640xf32, #tpu.memory_space<vmem>>, vector<16xf32>,
    %swap3A_174 = arith.constant 528 : index
    %swap3A_175 = tpu.vector_load %arg6[%swap3A_174] {strides = array<i32>} : memref<640xf32, #tpu.memory_space<vmem>>, vector<16xf32>,
    %swap3A_176 = vector.shape_cast %swap3A_175 : vector<16xf32> to vector<16xf32>
    %swap3A_177 = vector.shape_cast %broadcast_in_dim3A_10 : vector<16xf32> to vector<16xf32>
    tpu.vector_store %arg6[%swap3A_174], %swap3A_177 {strides = array<i32>} : memref<640xf32, #tpu.memory_space<vmem>>, vector<16xf32>,
    %swap3A_178 = arith.constant 544 : index
    %swap3A_179 = tpu.vector_load %arg6[%swap3A_178] {strides = array<i32>} : memref<640xf32, #tpu.memory_space<vmem>>, vector<16xf32>,
    %swap3A_180 = vector.shape_cast %swap3A_179 : vector<16xf32> to vector<16xf32>
    %swap3A_181 = vector.shape_cast %broadcast_in_dim3A_10 : vector<16xf32> to vector<16xf32>
    tpu.vector_store %arg6[%swap3A_178], %swap3A_181 {strides = array<i32>} : memref<640xf32, #tpu.memory_space<vmem>>, vector<16xf32>,
    %swap3A_182 = arith.constant 560 : index
    %swap3A_183 = tpu.vector_load %arg6[%swap3A_182] {strides = array<i32>} : memref<640xf32, #tpu.memory_space<vmem>>, vector<16xf32>,
    %swap3A_184 = vector.shape_cast %swap3A_183 : vector<16xf32> to vector<16xf32>
    %swap3A_185 = vector.shape_cast %broadcast_in_dim3A_10 : vector<16xf32> to vector<16xf32>
    tpu.vector_store %arg6[%swap3A_182], %swap3A_185 {strides = array<i32>} : memref<640xf32, #tpu.memory_space<vmem>>, vector<16xf32>,
    %swap3A_186 = arith.constant 576 : index
    %swap3A_187 = tpu.vector_load %arg6[%swap3A_186] {strides = array<i32>} : memref<640xf32, #tpu.memory_space<vmem>>, vector<16xf32>,
    %swap3A_188 = vector.shape_cast %swap3A_187 : vector<16xf32> to vector<16xf32>
    %swap3A_189 = vector.shape_cast %broadcast_in_dim3A_10 : vector<16xf32> to vector<16xf32>
    tpu.vector_store %arg6[%swap3A_186], %swap3A_189 {strides = array<i32>} : memref<640xf32, #tpu.memory_space<vmem>>, vector<16xf32>,
    %swap3A_190 = arith.constant 592 : index
    %swap3A_191 = tpu.vector_load %arg6[%swap3A_190] {strides = array<i32>} : memref<640xf32, #tpu.memory_space<vmem>>, vector<16xf32>,
    %swap3A_192 = vector.shape_cast %swap3A_191 : vector<16xf32> to vector<16xf32>
    %swap3A_193 = vector.shape_cast %broadcast_in_dim3A_10 : vector<16xf32> to vector<16xf32>
    tpu.vector_store %arg6[%swap3A_190], %swap3A_193 {strides = array<i32>} : memref<640xf32, #tpu.memory_space<vmem>>, vector<16xf32>,
    %swap3A_194 = arith.constant 608 : index
    %swap3A_195 = tpu.vector_load %arg6[%swap3A_194] {strides = array<i32>} : memref<640xf32, #tpu.memory_space<vmem>>, vector<16xf32>,
    %swap3A_196 = vector.shape_cast %swap3A_195 : vector<16xf32> to vector<16xf32>
    %swap3A_197 = vector.shape_cast %broadcast_in_dim3A_10 : vector<16xf32> to vector<16xf32>
    tpu.vector_store %arg6[%swap3A_194], %swap3A_197 {strides = array<i32>} : memref<640xf32, #tpu.memory_space<vmem>>, vector<16xf32>,
    %swap3A_198 = arith.constant 624 : index
    %swap3A_199 = tpu.vector_load %arg6[%swap3A_198] {strides = array<i32>} : memref<640xf32, #tpu.memory_space<vmem>>, vector<16xf32>,
    %swap3A_200 = vector.shape_cast %swap3A_199 : vector<16xf32> to vector<16xf32>
    %swap3A_201 = vector.shape_cast %broadcast_in_dim3A_10 : vector<16xf32> to vector<16xf32>
    tpu.vector_store %arg6[%swap3A_198], %swap3A_201 {strides = array<i32>} : memref<640xf32, #tpu.memory_space<vmem>>, vector<16xf32>,
    %mul3A_202 = arith.constant 640 : i32
    %mul3A_203 = arith.muli %arg1, %mul3A_202 : i32
    "tpu.region"() ({
      %run_scoped3A = tpu.sem_alloc : memref<!tpu.dma_semaphore, #tpu.memory_space<semaphore_mem>>
      %dma_start3A_224 = tpu.memref_slice %arg7[%mul3A_203] : memref<10240xf32, #tpu.memory_space<vmem_shared>> -> memref<640xf32, #tpu.memory_space<vmem_shared>>
      %dma_start3A_225 = tpu.memref_slice %arg7[%mul3A_203] : memref<10240xf32, #tpu.memory_space<vmem_shared>> -> memref<640xf32, #tpu.memory_space<vmem_shared>>
      tpu.enqueue_dma source(%arg6 : memref<640xf32, #tpu.memory_space<vmem>>) target(%dma_start3A_225 : memref<640xf32, #tpu.memory_space<vmem_shared>>) target_semaphore(%run_scoped3A : memref<!tpu.dma_semaphore, #tpu.memory_space<semaphore_mem>>)
      %dma_wait3A_226 = tpu.memref_slice %arg7[%mul3A_203] : memref<10240xf32, #tpu.memory_space<vmem_shared>> -> memref<640xf32, #tpu.memory_space<vmem_shared>>
      %dma_wait3A_227 = tpu.memref_slice %arg7[%mul3A_203] : memref<10240xf32, #tpu.memory_space<vmem_shared>> -> memref<640xf32, #tpu.memory_space<vmem_shared>>
      tpu.wait_dma2 semaphore(%run_scoped3A : memref<!tpu.dma_semaphore, #tpu.memory_space<semaphore_mem>>) src(%arg6 : memref<640xf32, #tpu.memory_space<vmem>>) dst(%dma_wait3A_227 : memref<640xf32, #tpu.memory_space<vmem_shared>>)
      tpu.yield
    }) : () -> ()
    %dma_wait3A = arith.constant 0 : i32
    %dma_wait3A_204 = arith.constant 0 : i32
    %dma_wait3A_205 = tpu.memref_slice %arg2[%add3A, %dma_wait3A, %dma_wait3A_204] : memref<32x80x128xi32, #tpu.memory_space<hbm>> -> memref<1x80x128xi32, #tpu.memory_space<hbm>>
    %dma_wait3A_206 = tpu.memref_squeeze %dma_wait3A_205 : memref<1x80x128xi32, #tpu.memory_space<hbm>> -> memref<80x128xi32, #tpu.memory_space<hbm>>
    %dma_wait3A_207 = arith.constant 0 : i32
    %dma_wait3A_208 = arith.constant 0 : i32
    %dma_wait3A_209 = tpu.memref_slice %arg2[%add3A, %dma_wait3A_207, %dma_wait3A_208] : memref<32x80x128xi32, #tpu.memory_space<hbm>> -> memref<1x80x128xi32, #tpu.memory_space<hbm>>
    %dma_wait3A_210 = tpu.memref_squeeze %dma_wait3A_209 : memref<1x80x128xi32, #tpu.memory_space<hbm>> -> memref<80x128xi32, #tpu.memory_space<hbm>>
    tpu.wait_dma2 semaphore(%arg8 : memref<!tpu.dma_semaphore, #tpu.memory_space<semaphore_mem>>) src(%dma_wait3A_210 : memref<80x128xi32, #tpu.memory_space<hbm>>) dst(%arg4 : memref<80x128xi32, #tpu.memory_space<vmem>>)
    %barrier3A = arith.constant 0 : index
    tpu.barrier barrier_id(%barrier3A)
    %scan3A = arith.constant 0 : i32
    %scan3A_211 = arith.constant 0 : i32
    %scan3A_212 = arith.constant 80 : i32
    %scan3A_213 = arith.addi %scan3A_211, %scan3A_212 : i32
    %scan3A_214 = arith.constant 1 : i32
    scf.for %scan3A_224 = %scan3A_211 to %scan3A_213 step %scan3A_214  : i32 {
      "tpu.region"() ({
        %run_scoped3A = tpu.sem_alloc : memref<!tpu.dma_semaphore, #tpu.memory_space<semaphore_mem>>
        %dma_start3A_225 = arith.constant 0 : i32
        %dma_start3A_226 = tpu.memref_slice %arg4[%scan3A_224, %dma_start3A_225] : memref<80x128xi32, #tpu.memory_space<vmem>> -> memref<1x128xi32, #tpu.memory_space<vmem>>
        %dma_start3A_227 = tpu.memref_squeeze %dma_start3A_226 : memref<1x128xi32, #tpu.memory_space<vmem>> -> memref<128xi32, #tpu.memory_space<vmem>>
        %dma_start3A_228 = arith.constant 0 : i32
        %dma_start3A_229 = tpu.memref_slice %arg7[%dma_start3A_228] : memref<10240xf32, #tpu.memory_space<vmem_shared>> -> memref<10240xf32, #tpu.memory_space<vmem_shared>>
        tpu.enqueue_indirect_dma source(%arg5 : memref<128xf32, #tpu.memory_space<vmem>>) target(%dma_start3A_229 : memref<10240xf32, #tpu.memory_space<vmem_shared>>) offsets(%dma_start3A_227 : memref<128xi32, #tpu.memory_space<vmem>>) semaphore(%run_scoped3A : memref<!tpu.dma_semaphore, #tpu.memory_space<semaphore_mem>>) {add = true}
        %dma_wait3A_230 = arith.constant 0 : i32
        %dma_wait3A_231 = tpu.memref_slice %arg4[%scan3A_224, %dma_wait3A_230] : memref<80x128xi32, #tpu.memory_space<vmem>> -> memref<1x128xi32, #tpu.memory_space<vmem>>
        %dma_wait3A_232 = tpu.memref_squeeze %dma_wait3A_231 : memref<1x128xi32, #tpu.memory_space<vmem>> -> memref<128xi32, #tpu.memory_space<vmem>>
        %dma_wait3A_233 = arith.constant 0 : i32
        %dma_wait3A_234 = tpu.memref_slice %arg7[%dma_wait3A_233] : memref<10240xf32, #tpu.memory_space<vmem_shared>> -> memref<10240xf32, #tpu.memory_space<vmem_shared>>
        tpu.wait_indirect_dma semaphore(%run_scoped3A : memref<!tpu.dma_semaphore, #tpu.memory_space<semaphore_mem>>) src(%arg5 : memref<128xf32, #tpu.memory_space<vmem>>) dst(%dma_wait3A_234 : memref<10240xf32, #tpu.memory_space<vmem_shared>>)
        tpu.yield
      }) : () -> ()
    }
    %scan3A_215 = arith.constant 80 : i32
    %barrier3A_216 = arith.constant 0 : index
    tpu.barrier barrier_id(%barrier3A_216)
    %mul3A_217 = arith.constant 640 : i32
    %mul3A_218 = arith.muli %arg1, %mul3A_217 : i32
    "tpu.region"() ({
      %run_scoped3A = tpu.sem_alloc : memref<!tpu.dma_semaphore, #tpu.memory_space<semaphore_mem>>
      %dma_start3A_224 = tpu.memref_slice %arg7[%mul3A_218] : memref<10240xf32, #tpu.memory_space<vmem_shared>> -> memref<640xf32, #tpu.memory_space<vmem_shared>>
      %dma_start3A_225 = tpu.memref_slice %arg7[%mul3A_218] : memref<10240xf32, #tpu.memory_space<vmem_shared>> -> memref<640xf32, #tpu.memory_space<vmem_shared>>
      tpu.enqueue_dma source(%dma_start3A_225 : memref<640xf32, #tpu.memory_space<vmem_shared>>) target(%arg6 : memref<640xf32, #tpu.memory_space<vmem>>) target_semaphore(%run_scoped3A : memref<!tpu.dma_semaphore, #tpu.memory_space<semaphore_mem>>)
      %dma_wait3A_226 = tpu.memref_slice %arg7[%mul3A_218] : memref<10240xf32, #tpu.memory_space<vmem_shared>> -> memref<640xf32, #tpu.memory_space<vmem_shared>>
      %dma_wait3A_227 = tpu.memref_slice %arg7[%mul3A_218] : memref<10240xf32, #tpu.memory_space<vmem_shared>> -> memref<640xf32, #tpu.memory_space<vmem_shared>>
      tpu.wait_dma2 semaphore(%run_scoped3A : memref<!tpu.dma_semaphore, #tpu.memory_space<semaphore_mem>>) src(%dma_wait3A_227 : memref<640xf32, #tpu.memory_space<vmem_shared>>) dst(%arg6 : memref<640xf32, #tpu.memory_space<vmem>>)
      tpu.yield
    }) : () -> ()
    %mul3A_219 = arith.constant 10240 : i32
    %mul3A_220 = arith.muli %arg0, %mul3A_219 : i32
    %mul3A_221 = arith.constant 640 : i32
    %mul3A_222 = arith.muli %arg1, %mul3A_221 : i32
    %add3A_223 = arith.addi %mul3A_220, %mul3A_222 : i32
    "tpu.region"() ({
      %run_scoped3A = tpu.sem_alloc : memref<!tpu.dma_semaphore, #tpu.memory_space<semaphore_mem>>
      %dma_start3A_224 = tpu.memref_slice %arg3[%add3A_223] : memref<20480xf32, #tpu.memory_space<hbm>> -> memref<640xf32, #tpu.memory_space<hbm>>
      %dma_start3A_225 = tpu.memref_slice %arg3[%add3A_223] : memref<20480xf32, #tpu.memory_space<hbm>> -> memref<640xf32, #tpu.memory_space<hbm>>
      tpu.enqueue_dma source(%arg6 : memref<640xf32, #tpu.memory_space<vmem>>) target(%dma_start3A_225 : memref<640xf32, #tpu.memory_space<hbm>>) target_semaphore(%run_scoped3A : memref<!tpu.dma_semaphore, #tpu.memory_space<semaphore_mem>>)
      %dma_wait3A_226 = tpu.memref_slice %arg3[%add3A_223] : memref<20480xf32, #tpu.memory_space<hbm>> -> memref<640xf32, #tpu.memory_space<hbm>>
      %dma_wait3A_227 = tpu.memref_slice %arg3[%add3A_223] : memref<20480xf32, #tpu.memory_space<hbm>> -> memref<640xf32, #tpu.memory_space<hbm>>
      tpu.wait_dma2 semaphore(%run_scoped3A : memref<!tpu.dma_semaphore, #tpu.memory_space<semaphore_mem>>) src(%arg6 : memref<640xf32, #tpu.memory_space<vmem>>) dst(%dma_wait3A_227 : memref<640xf32, #tpu.memory_space<hbm>>)
      tpu.yield
    }) : () -> ()
    return
  }
}

#map = affine_map<(d0, d1) -> (0, 0, 0)>
#map1 = affine_map<(d0, d1) -> (0, 0)>
module attributes {stable_mosaic.version = 14 : i64} {
  func.func @k(%arg0: i32, %arg1: i32, %arg2: memref<32x80x128xi32, #tpu.memory_space<hbm>>, %arg3: memref<32x80x128xi32, #tpu.memory_space<hbm>>, %arg4: memref<10240x16xf32, #tpu.memory_space<hbm>>, %arg5: memref<20480x16xf32, #tpu.memory_space<hbm>>, %arg6: memref<80x128xi32, #tpu.memory_space<vmem>>, %arg7: memref<80x128xi32, #tpu.memory_space<vmem>>, %arg8: memref<128x16xf32, #tpu.memory_space<vmem>>, %arg9: memref<128x16xf32, #tpu.memory_space<vmem>>, %arg10: memref<128x16xf32, #tpu.memory_space<vmem>>, %arg11: memref<128x16xf32, #tpu.memory_space<vmem>>, %arg12: memref<640x16xf32, #tpu.memory_space<vmem>>, %arg13: memref<10240x16xf32, #tpu.memory_space<vmem_shared>>, %arg14: memref<10240x16xf32, #tpu.memory_space<vmem_shared>>, %arg15: memref<!tpu.dma_semaphore, #tpu.memory_space<semaphore_mem>>, %arg16: memref<!tpu.dma_semaphore, #tpu.memory_space<semaphore_mem>>, %arg17: memref<!tpu.dma_semaphore, #tpu.memory_space<semaphore_mem>>, %arg18: memref<!tpu.dma_semaphore, #tpu.memory_space<semaphore_mem>>, %arg19: memref<!tpu.dma_semaphore, #tpu.memory_space<semaphore_mem>>, %arg20: memref<!tpu.dma_semaphore, #tpu.memory_space<semaphore_mem>>) attributes {dimension_semantics = [#tpu.dimension_semantics<core_parallel>, #tpu.dimension_semantics<subcore_parallel>], iteration_bounds = array<i64: 2, 16>, scalar_prefetch = 0 : i64, scratch_operands = 15 : i64, tpu.core_type = #tpu.core_type<sc_vector_subcore>, window_params = [{transform_indices = #map}, {transform_indices = #map}, {transform_indices = #map1}, {transform_indices = #map1}]} {
    %mul3A = arith.constant 2 : i32
    %mul3A_0 = arith.muli %arg1, %mul3A : i32
    %add3A = arith.addi %mul3A_0, %arg0 : i32
    %dma_start3A = arith.constant 0 : i32
    %dma_start3A_1 = arith.constant 0 : i32
    %dma_start3A_2 = tpu.memref_slice %arg2[%add3A, %dma_start3A, %dma_start3A_1] : memref<32x80x128xi32, #tpu.memory_space<hbm>> -> memref<1x80x128xi32, #tpu.memory_space<hbm>>
    %dma_start3A_3 = tpu.memref_squeeze %dma_start3A_2 : memref<1x80x128xi32, #tpu.memory_space<hbm>> -> memref<80x128xi32, #tpu.memory_space<hbm>>
    %dma_start3A_4 = arith.constant 0 : i32
    %dma_start3A_5 = arith.constant 0 : i32
    %dma_start3A_6 = tpu.memref_slice %arg2[%add3A, %dma_start3A_4, %dma_start3A_5] : memref<32x80x128xi32, #tpu.memory_space<hbm>> -> memref<1x80x128xi32, #tpu.memory_space<hbm>>
    %dma_start3A_7 = tpu.memref_squeeze %dma_start3A_6 : memref<1x80x128xi32, #tpu.memory_space<hbm>> -> memref<80x128xi32, #tpu.memory_space<hbm>>
    tpu.enqueue_dma source(%dma_start3A_7 : memref<80x128xi32, #tpu.memory_space<hbm>>) target(%arg6 : memref<80x128xi32, #tpu.memory_space<vmem>>) target_semaphore(%arg15 : memref<!tpu.dma_semaphore, #tpu.memory_space<semaphore_mem>>)
    %dma_start3A_8 = arith.constant 0 : i32
    %dma_start3A_9 = arith.constant 0 : i32
    %dma_start3A_10 = tpu.memref_slice %arg3[%add3A, %dma_start3A_8, %dma_start3A_9] : memref<32x80x128xi32, #tpu.memory_space<hbm>> -> memref<1x80x128xi32, #tpu.memory_space<hbm>>
    %dma_start3A_11 = tpu.memref_squeeze %dma_start3A_10 : memref<1x80x128xi32, #tpu.memory_space<hbm>> -> memref<80x128xi32, #tpu.memory_space<hbm>>
    %dma_start3A_12 = arith.constant 0 : i32
    %dma_start3A_13 = arith.constant 0 : i32
    %dma_start3A_14 = tpu.memref_slice %arg3[%add3A, %dma_start3A_12, %dma_start3A_13] : memref<32x80x128xi32, #tpu.memory_space<hbm>> -> memref<1x80x128xi32, #tpu.memory_space<hbm>>
    %dma_start3A_15 = tpu.memref_squeeze %dma_start3A_14 : memref<1x80x128xi32, #tpu.memory_space<hbm>> -> memref<80x128xi32, #tpu.memory_space<hbm>>
    tpu.enqueue_dma source(%dma_start3A_15 : memref<80x128xi32, #tpu.memory_space<hbm>>) target(%arg7 : memref<80x128xi32, #tpu.memory_space<vmem>>) target_semaphore(%arg16 : memref<!tpu.dma_semaphore, #tpu.memory_space<semaphore_mem>>)
    %mul3A_16 = arith.constant 640 : i32
    %mul3A_17 = arith.muli %arg1, %mul3A_16 : i32
    "tpu.region"() ({
      %run_scoped3A = tpu.sem_alloc : memref<!tpu.dma_semaphore, #tpu.memory_space<semaphore_mem>>
      %dma_start3A_50 = arith.constant 0 : i32
      %dma_start3A_51 = tpu.memref_slice %arg4[%mul3A_17, %dma_start3A_50] : memref<10240x16xf32, #tpu.memory_space<hbm>> -> memref<640x16xf32, #tpu.memory_space<hbm>>
      %dma_start3A_52 = arith.constant 0 : i32
      %dma_start3A_53 = tpu.memref_slice %arg4[%mul3A_17, %dma_start3A_52] : memref<10240x16xf32, #tpu.memory_space<hbm>> -> memref<640x16xf32, #tpu.memory_space<hbm>>
      tpu.enqueue_dma source(%dma_start3A_53 : memref<640x16xf32, #tpu.memory_space<hbm>>) target(%arg12 : memref<640x16xf32, #tpu.memory_space<vmem>>) target_semaphore(%run_scoped3A : memref<!tpu.dma_semaphore, #tpu.memory_space<semaphore_mem>>)
      %dma_wait3A_54 = arith.constant 0 : i32
      %dma_wait3A_55 = tpu.memref_slice %arg4[%mul3A_17, %dma_wait3A_54] : memref<10240x16xf32, #tpu.memory_space<hbm>> -> memref<640x16xf32, #tpu.memory_space<hbm>>
      %dma_wait3A_56 = arith.constant 0 : i32
      %dma_wait3A_57 = tpu.memref_slice %arg4[%mul3A_17, %dma_wait3A_56] : memref<10240x16xf32, #tpu.memory_space<hbm>> -> memref<640x16xf32, #tpu.memory_space<hbm>>
      tpu.wait_dma2 semaphore(%run_scoped3A : memref<!tpu.dma_semaphore, #tpu.memory_space<semaphore_mem>>) src(%dma_wait3A_57 : memref<640x16xf32, #tpu.memory_space<hbm>>) dst(%arg12 : memref<640x16xf32, #tpu.memory_space<vmem>>)
      tpu.yield
    }) : () -> ()
    %mul3A_18 = arith.constant 640 : i32
    %mul3A_19 = arith.muli %arg1, %mul3A_18 : i32
    "tpu.region"() ({
      %run_scoped3A = tpu.sem_alloc : memref<!tpu.dma_semaphore, #tpu.memory_space<semaphore_mem>>
      %dma_start3A_50 = arith.constant 0 : i32
      %dma_start3A_51 = tpu.memref_slice %arg13[%mul3A_19, %dma_start3A_50] : memref<10240x16xf32, #tpu.memory_space<vmem_shared>> -> memref<640x16xf32, #tpu.memory_space<vmem_shared>>
      %dma_start3A_52 = arith.constant 0 : i32
      %dma_start3A_53 = tpu.memref_slice %arg13[%mul3A_19, %dma_start3A_52] : memref<10240x16xf32, #tpu.memory_space<vmem_shared>> -> memref<640x16xf32, #tpu.memory_space<vmem_shared>>
      tpu.enqueue_dma source(%arg12 : memref<640x16xf32, #tpu.memory_space<vmem>>) target(%dma_start3A_53 : memref<640x16xf32, #tpu.memory_space<vmem_shared>>) target_semaphore(%run_scoped3A : memref<!tpu.dma_semaphore, #tpu.memory_space<semaphore_mem>>)
      %dma_wait3A_54 = arith.constant 0 : i32
      %dma_wait3A_55 = tpu.memref_slice %arg13[%mul3A_19, %dma_wait3A_54] : memref<10240x16xf32, #tpu.memory_space<vmem_shared>> -> memref<640x16xf32, #tpu.memory_space<vmem_shared>>
      %dma_wait3A_56 = arith.constant 0 : i32
      %dma_wait3A_57 = tpu.memref_slice %arg13[%mul3A_19, %dma_wait3A_56] : memref<10240x16xf32, #tpu.memory_space<vmem_shared>> -> memref<640x16xf32, #tpu.memory_space<vmem_shared>>
      tpu.wait_dma2 semaphore(%run_scoped3A : memref<!tpu.dma_semaphore, #tpu.memory_space<semaphore_mem>>) src(%arg12 : memref<640x16xf32, #tpu.memory_space<vmem>>) dst(%dma_wait3A_57 : memref<640x16xf32, #tpu.memory_space<vmem_shared>>)
      tpu.yield
    }) : () -> ()
    %mul3A_20 = arith.constant 640 : i32
    %mul3A_21 = arith.muli %arg1, %mul3A_20 : i32
    "tpu.region"() ({
      %run_scoped3A = tpu.sem_alloc : memref<!tpu.dma_semaphore, #tpu.memory_space<semaphore_mem>>
      %dma_start3A_50 = arith.constant 0 : i32
      %dma_start3A_51 = tpu.memref_slice %arg14[%mul3A_21, %dma_start3A_50] : memref<10240x16xf32, #tpu.memory_space<vmem_shared>> -> memref<640x16xf32, #tpu.memory_space<vmem_shared>>
      %dma_start3A_52 = arith.constant 0 : i32
      %dma_start3A_53 = tpu.memref_slice %arg14[%mul3A_21, %dma_start3A_52] : memref<10240x16xf32, #tpu.memory_space<vmem_shared>> -> memref<640x16xf32, #tpu.memory_space<vmem_shared>>
      tpu.enqueue_dma source(%arg12 : memref<640x16xf32, #tpu.memory_space<vmem>>) target(%dma_start3A_53 : memref<640x16xf32, #tpu.memory_space<vmem_shared>>) target_semaphore(%run_scoped3A : memref<!tpu.dma_semaphore, #tpu.memory_space<semaphore_mem>>)
      %dma_wait3A_54 = arith.constant 0 : i32
      %dma_wait3A_55 = tpu.memref_slice %arg14[%mul3A_21, %dma_wait3A_54] : memref<10240x16xf32, #tpu.memory_space<vmem_shared>> -> memref<640x16xf32, #tpu.memory_space<vmem_shared>>
      %dma_wait3A_56 = arith.constant 0 : i32
      %dma_wait3A_57 = tpu.memref_slice %arg14[%mul3A_21, %dma_wait3A_56] : memref<10240x16xf32, #tpu.memory_space<vmem_shared>> -> memref<640x16xf32, #tpu.memory_space<vmem_shared>>
      tpu.wait_dma2 semaphore(%run_scoped3A : memref<!tpu.dma_semaphore, #tpu.memory_space<semaphore_mem>>) src(%arg12 : memref<640x16xf32, #tpu.memory_space<vmem>>) dst(%dma_wait3A_57 : memref<640x16xf32, #tpu.memory_space<vmem_shared>>)
      tpu.yield
    }) : () -> ()
    %dma_wait3A = arith.constant 0 : i32
    %dma_wait3A_22 = arith.constant 0 : i32
    %dma_wait3A_23 = tpu.memref_slice %arg2[%add3A, %dma_wait3A, %dma_wait3A_22] : memref<32x80x128xi32, #tpu.memory_space<hbm>> -> memref<1x80x128xi32, #tpu.memory_space<hbm>>
    %dma_wait3A_24 = tpu.memref_squeeze %dma_wait3A_23 : memref<1x80x128xi32, #tpu.memory_space<hbm>> -> memref<80x128xi32, #tpu.memory_space<hbm>>
    %dma_wait3A_25 = arith.constant 0 : i32
    %dma_wait3A_26 = arith.constant 0 : i32
    %dma_wait3A_27 = tpu.memref_slice %arg2[%add3A, %dma_wait3A_25, %dma_wait3A_26] : memref<32x80x128xi32, #tpu.memory_space<hbm>> -> memref<1x80x128xi32, #tpu.memory_space<hbm>>
    %dma_wait3A_28 = tpu.memref_squeeze %dma_wait3A_27 : memref<1x80x128xi32, #tpu.memory_space<hbm>> -> memref<80x128xi32, #tpu.memory_space<hbm>>
    tpu.wait_dma2 semaphore(%arg15 : memref<!tpu.dma_semaphore, #tpu.memory_space<semaphore_mem>>) src(%dma_wait3A_28 : memref<80x128xi32, #tpu.memory_space<hbm>>) dst(%arg6 : memref<80x128xi32, #tpu.memory_space<vmem>>)
    %dma_wait3A_29 = arith.constant 0 : i32
    %dma_wait3A_30 = arith.constant 0 : i32
    %dma_wait3A_31 = tpu.memref_slice %arg3[%add3A, %dma_wait3A_29, %dma_wait3A_30] : memref<32x80x128xi32, #tpu.memory_space<hbm>> -> memref<1x80x128xi32, #tpu.memory_space<hbm>>
    %dma_wait3A_32 = tpu.memref_squeeze %dma_wait3A_31 : memref<1x80x128xi32, #tpu.memory_space<hbm>> -> memref<80x128xi32, #tpu.memory_space<hbm>>
    %dma_wait3A_33 = arith.constant 0 : i32
    %dma_wait3A_34 = arith.constant 0 : i32
    %dma_wait3A_35 = tpu.memref_slice %arg3[%add3A, %dma_wait3A_33, %dma_wait3A_34] : memref<32x80x128xi32, #tpu.memory_space<hbm>> -> memref<1x80x128xi32, #tpu.memory_space<hbm>>
    %dma_wait3A_36 = tpu.memref_squeeze %dma_wait3A_35 : memref<1x80x128xi32, #tpu.memory_space<hbm>> -> memref<80x128xi32, #tpu.memory_space<hbm>>
    tpu.wait_dma2 semaphore(%arg16 : memref<!tpu.dma_semaphore, #tpu.memory_space<semaphore_mem>>) src(%dma_wait3A_36 : memref<80x128xi32, #tpu.memory_space<hbm>>) dst(%arg7 : memref<80x128xi32, #tpu.memory_space<vmem>>)
    %barrier3A = arith.constant 0 : index
    tpu.barrier barrier_id(%barrier3A)
    %scan3A = arith.constant 0 : i32
    %scan3A_37 = arith.constant 0 : i32
    %scan3A_38 = arith.constant 10 : i32
    %scan3A_39 = arith.addi %scan3A_37, %scan3A_38 : i32
    %scan3A_40 = arith.constant 1 : i32
    scf.for %scan3A_50 = %scan3A_37 to %scan3A_39 step %scan3A_40  : i32 {
      %mul3A_51 = arith.constant 8 : i32
      %mul3A_52 = arith.muli %scan3A_50, %mul3A_51 : i32
      %add3A_53 = arith.constant 0 : i32
      %add3A_54 = arith.addi %mul3A_52, %add3A_53 : i32
      %dma_start3A_55 = arith.constant 0 : i32
      %dma_start3A_56 = tpu.memref_slice %arg6[%add3A_54, %dma_start3A_55] : memref<80x128xi32, #tpu.memory_space<vmem>> -> memref<1x128xi32, #tpu.memory_space<vmem>>
      %dma_start3A_57 = tpu.memref_squeeze %dma_start3A_56 : memref<1x128xi32, #tpu.memory_space<vmem>> -> memref<128xi32, #tpu.memory_space<vmem>>
      %dma_start3A_58 = arith.constant 0 : i32
      %dma_start3A_59 = arith.constant 0 : i32
      %dma_start3A_60 = tpu.memref_slice %arg14[%dma_start3A_58, %dma_start3A_59] : memref<10240x16xf32, #tpu.memory_space<vmem_shared>> -> memref<10240x16xf32, #tpu.memory_space<vmem_shared>>
      tpu.enqueue_indirect_dma source(%dma_start3A_60 : memref<10240x16xf32, #tpu.memory_space<vmem_shared>>) target(%arg8 : memref<128x16xf32, #tpu.memory_space<vmem>>) offsets(%dma_start3A_57 : memref<128xi32, #tpu.memory_space<vmem>>) semaphore(%arg17 : memref<!tpu.dma_semaphore, #tpu.memory_space<semaphore_mem>>)
      %add3A_61 = arith.constant 1 : i32
      %add3A_62 = arith.addi %mul3A_52, %add3A_61 : i32
      %dma_start3A_63 = arith.constant 0 : i32
      %dma_start3A_64 = tpu.memref_slice %arg6[%add3A_62, %dma_start3A_63] : memref<80x128xi32, #tpu.memory_space<vmem>> -> memref<1x128xi32, #tpu.memory_space<vmem>>
      %dma_start3A_65 = tpu.memref_squeeze %dma_start3A_64 : memref<1x128xi32, #tpu.memory_space<vmem>> -> memref<128xi32, #tpu.memory_space<vmem>>
      %dma_start3A_66 = arith.constant 0 : i32
      %dma_start3A_67 = arith.constant 0 : i32
      %dma_start3A_68 = tpu.memref_slice %arg14[%dma_start3A_66, %dma_start3A_67] : memref<10240x16xf32, #tpu.memory_space<vmem_shared>> -> memref<10240x16xf32, #tpu.memory_space<vmem_shared>>
      tpu.enqueue_indirect_dma source(%dma_start3A_68 : memref<10240x16xf32, #tpu.memory_space<vmem_shared>>) target(%arg9 : memref<128x16xf32, #tpu.memory_space<vmem>>) offsets(%dma_start3A_65 : memref<128xi32, #tpu.memory_space<vmem>>) semaphore(%arg18 : memref<!tpu.dma_semaphore, #tpu.memory_space<semaphore_mem>>)
      %add3A_69 = arith.constant 2 : i32
      %add3A_70 = arith.addi %mul3A_52, %add3A_69 : i32
      %dma_start3A_71 = arith.constant 0 : i32
      %dma_start3A_72 = tpu.memref_slice %arg6[%add3A_70, %dma_start3A_71] : memref<80x128xi32, #tpu.memory_space<vmem>> -> memref<1x128xi32, #tpu.memory_space<vmem>>
      %dma_start3A_73 = tpu.memref_squeeze %dma_start3A_72 : memref<1x128xi32, #tpu.memory_space<vmem>> -> memref<128xi32, #tpu.memory_space<vmem>>
      %dma_start3A_74 = arith.constant 0 : i32
      %dma_start3A_75 = arith.constant 0 : i32
      %dma_start3A_76 = tpu.memref_slice %arg14[%dma_start3A_74, %dma_start3A_75] : memref<10240x16xf32, #tpu.memory_space<vmem_shared>> -> memref<10240x16xf32, #tpu.memory_space<vmem_shared>>
      tpu.enqueue_indirect_dma source(%dma_start3A_76 : memref<10240x16xf32, #tpu.memory_space<vmem_shared>>) target(%arg10 : memref<128x16xf32, #tpu.memory_space<vmem>>) offsets(%dma_start3A_73 : memref<128xi32, #tpu.memory_space<vmem>>) semaphore(%arg19 : memref<!tpu.dma_semaphore, #tpu.memory_space<semaphore_mem>>)
      %add3A_77 = arith.constant 3 : i32
      %add3A_78 = arith.addi %mul3A_52, %add3A_77 : i32
      %dma_start3A_79 = arith.constant 0 : i32
      %dma_start3A_80 = tpu.memref_slice %arg6[%add3A_78, %dma_start3A_79] : memref<80x128xi32, #tpu.memory_space<vmem>> -> memref<1x128xi32, #tpu.memory_space<vmem>>
      %dma_start3A_81 = tpu.memref_squeeze %dma_start3A_80 : memref<1x128xi32, #tpu.memory_space<vmem>> -> memref<128xi32, #tpu.memory_space<vmem>>
      %dma_start3A_82 = arith.constant 0 : i32
      %dma_start3A_83 = arith.constant 0 : i32
      %dma_start3A_84 = tpu.memref_slice %arg14[%dma_start3A_82, %dma_start3A_83] : memref<10240x16xf32, #tpu.memory_space<vmem_shared>> -> memref<10240x16xf32, #tpu.memory_space<vmem_shared>>
      tpu.enqueue_indirect_dma source(%dma_start3A_84 : memref<10240x16xf32, #tpu.memory_space<vmem_shared>>) target(%arg11 : memref<128x16xf32, #tpu.memory_space<vmem>>) offsets(%dma_start3A_81 : memref<128xi32, #tpu.memory_space<vmem>>) semaphore(%arg20 : memref<!tpu.dma_semaphore, #tpu.memory_space<semaphore_mem>>)
      %dma_wait3A_85 = arith.constant 0 : i32
      %dma_wait3A_86 = tpu.memref_slice %arg6[%add3A_54, %dma_wait3A_85] : memref<80x128xi32, #tpu.memory_space<vmem>> -> memref<1x128xi32, #tpu.memory_space<vmem>>
      %dma_wait3A_87 = tpu.memref_squeeze %dma_wait3A_86 : memref<1x128xi32, #tpu.memory_space<vmem>> -> memref<128xi32, #tpu.memory_space<vmem>>
      %dma_wait3A_88 = arith.constant 0 : i32
      %dma_wait3A_89 = arith.constant 0 : i32
      %dma_wait3A_90 = tpu.memref_slice %arg14[%dma_wait3A_88, %dma_wait3A_89] : memref<10240x16xf32, #tpu.memory_space<vmem_shared>> -> memref<10240x16xf32, #tpu.memory_space<vmem_shared>>
      tpu.wait_indirect_dma semaphore(%arg17 : memref<!tpu.dma_semaphore, #tpu.memory_space<semaphore_mem>>) src(%dma_wait3A_90 : memref<10240x16xf32, #tpu.memory_space<vmem_shared>>) dst(%arg8 : memref<128x16xf32, #tpu.memory_space<vmem>>)
      %add3A_91 = arith.constant 0 : i32
      %add3A_92 = arith.addi %mul3A_52, %add3A_91 : i32
      "tpu.region"() ({
        %run_scoped3A = tpu.sem_alloc : memref<!tpu.dma_semaphore, #tpu.memory_space<semaphore_mem>>
        %dma_start3A_189 = arith.constant 0 : i32
        %dma_start3A_190 = tpu.memref_slice %arg7[%add3A_92, %dma_start3A_189] : memref<80x128xi32, #tpu.memory_space<vmem>> -> memref<1x128xi32, #tpu.memory_space<vmem>>
        %dma_start3A_191 = tpu.memref_squeeze %dma_start3A_190 : memref<1x128xi32, #tpu.memory_space<vmem>> -> memref<128xi32, #tpu.memory_space<vmem>>
        %dma_start3A_192 = arith.constant 0 : i32
        %dma_start3A_193 = arith.constant 0 : i32
        %dma_start3A_194 = tpu.memref_slice %arg13[%dma_start3A_192, %dma_start3A_193] : memref<10240x16xf32, #tpu.memory_space<vmem_shared>> -> memref<10240x16xf32, #tpu.memory_space<vmem_shared>>
        tpu.enqueue_indirect_dma source(%arg8 : memref<128x16xf32, #tpu.memory_space<vmem>>) target(%dma_start3A_194 : memref<10240x16xf32, #tpu.memory_space<vmem_shared>>) offsets(%dma_start3A_191 : memref<128xi32, #tpu.memory_space<vmem>>) semaphore(%run_scoped3A : memref<!tpu.dma_semaphore, #tpu.memory_space<semaphore_mem>>) {add = true}
        %dma_wait3A_195 = arith.constant 0 : i32
        %dma_wait3A_196 = tpu.memref_slice %arg7[%add3A_92, %dma_wait3A_195] : memref<80x128xi32, #tpu.memory_space<vmem>> -> memref<1x128xi32, #tpu.memory_space<vmem>>
        %dma_wait3A_197 = tpu.memref_squeeze %dma_wait3A_196 : memref<1x128xi32, #tpu.memory_space<vmem>> -> memref<128xi32, #tpu.memory_space<vmem>>
        %dma_wait3A_198 = arith.constant 0 : i32
        %dma_wait3A_199 = arith.constant 0 : i32
        %dma_wait3A_200 = tpu.memref_slice %arg13[%dma_wait3A_198, %dma_wait3A_199] : memref<10240x16xf32, #tpu.memory_space<vmem_shared>> -> memref<10240x16xf32, #tpu.memory_space<vmem_shared>>
        tpu.wait_indirect_dma semaphore(%run_scoped3A : memref<!tpu.dma_semaphore, #tpu.memory_space<semaphore_mem>>) src(%arg8 : memref<128x16xf32, #tpu.memory_space<vmem>>) dst(%dma_wait3A_200 : memref<10240x16xf32, #tpu.memory_space<vmem_shared>>)
        tpu.yield
      }) : () -> ()
      %add3A_93 = arith.constant 0 : i32
      %add3A_94 = arith.addi %mul3A_52, %add3A_93 : i32
      %add3A_95 = arith.constant 4 : i32
      %add3A_96 = arith.addi %add3A_94, %add3A_95 : i32
      %dma_start3A_97 = arith.constant 0 : i32
      %dma_start3A_98 = tpu.memref_slice %arg6[%add3A_96, %dma_start3A_97] : memref<80x128xi32, #tpu.memory_space<vmem>> -> memref<1x128xi32, #tpu.memory_space<vmem>>
      %dma_start3A_99 = tpu.memref_squeeze %dma_start3A_98 : memref<1x128xi32, #tpu.memory_space<vmem>> -> memref<128xi32, #tpu.memory_space<vmem>>
      %dma_start3A_100 = arith.constant 0 : i32
      %dma_start3A_101 = arith.constant 0 : i32
      %dma_start3A_102 = tpu.memref_slice %arg14[%dma_start3A_100, %dma_start3A_101] : memref<10240x16xf32, #tpu.memory_space<vmem_shared>> -> memref<10240x16xf32, #tpu.memory_space<vmem_shared>>
      tpu.enqueue_indirect_dma source(%dma_start3A_102 : memref<10240x16xf32, #tpu.memory_space<vmem_shared>>) target(%arg8 : memref<128x16xf32, #tpu.memory_space<vmem>>) offsets(%dma_start3A_99 : memref<128xi32, #tpu.memory_space<vmem>>) semaphore(%arg17 : memref<!tpu.dma_semaphore, #tpu.memory_space<semaphore_mem>>)
      %dma_wait3A_103 = arith.constant 0 : i32
      %dma_wait3A_104 = tpu.memref_slice %arg6[%add3A_62, %dma_wait3A_103] : memref<80x128xi32, #tpu.memory_space<vmem>> -> memref<1x128xi32, #tpu.memory_space<vmem>>
      %dma_wait3A_105 = tpu.memref_squeeze %dma_wait3A_104 : memref<1x128xi32, #tpu.memory_space<vmem>> -> memref<128xi32, #tpu.memory_space<vmem>>
      %dma_wait3A_106 = arith.constant 0 : i32
      %dma_wait3A_107 = arith.constant 0 : i32
      %dma_wait3A_108 = tpu.memref_slice %arg14[%dma_wait3A_106, %dma_wait3A_107] : memref<10240x16xf32, #tpu.memory_space<vmem_shared>> -> memref<10240x16xf32, #tpu.memory_space<vmem_shared>>
      tpu.wait_indirect_dma semaphore(%arg18 : memref<!tpu.dma_semaphore, #tpu.memory_space<semaphore_mem>>) src(%dma_wait3A_108 : memref<10240x16xf32, #tpu.memory_space<vmem_shared>>) dst(%arg9 : memref<128x16xf32, #tpu.memory_space<vmem>>)
      %add3A_109 = arith.constant 1 : i32
      %add3A_110 = arith.addi %mul3A_52, %add3A_109 : i32
      "tpu.region"() ({
        %run_scoped3A = tpu.sem_alloc : memref<!tpu.dma_semaphore, #tpu.memory_space<semaphore_mem>>
        %dma_start3A_189 = arith.constant 0 : i32
        %dma_start3A_190 = tpu.memref_slice %arg7[%add3A_110, %dma_start3A_189] : memref<80x128xi32, #tpu.memory_space<vmem>> -> memref<1x128xi32, #tpu.memory_space<vmem>>
        %dma_start3A_191 = tpu.memref_squeeze %dma_start3A_190 : memref<1x128xi32, #tpu.memory_space<vmem>> -> memref<128xi32, #tpu.memory_space<vmem>>
        %dma_start3A_192 = arith.constant 0 : i32
        %dma_start3A_193 = arith.constant 0 : i32
        %dma_start3A_194 = tpu.memref_slice %arg13[%dma_start3A_192, %dma_start3A_193] : memref<10240x16xf32, #tpu.memory_space<vmem_shared>> -> memref<10240x16xf32, #tpu.memory_space<vmem_shared>>
        tpu.enqueue_indirect_dma source(%arg9 : memref<128x16xf32, #tpu.memory_space<vmem>>) target(%dma_start3A_194 : memref<10240x16xf32, #tpu.memory_space<vmem_shared>>) offsets(%dma_start3A_191 : memref<128xi32, #tpu.memory_space<vmem>>) semaphore(%run_scoped3A : memref<!tpu.dma_semaphore, #tpu.memory_space<semaphore_mem>>) {add = true}
        %dma_wait3A_195 = arith.constant 0 : i32
        %dma_wait3A_196 = tpu.memref_slice %arg7[%add3A_110, %dma_wait3A_195] : memref<80x128xi32, #tpu.memory_space<vmem>> -> memref<1x128xi32, #tpu.memory_space<vmem>>
        %dma_wait3A_197 = tpu.memref_squeeze %dma_wait3A_196 : memref<1x128xi32, #tpu.memory_space<vmem>> -> memref<128xi32, #tpu.memory_space<vmem>>
        %dma_wait3A_198 = arith.constant 0 : i32
        %dma_wait3A_199 = arith.constant 0 : i32
        %dma_wait3A_200 = tpu.memref_slice %arg13[%dma_wait3A_198, %dma_wait3A_199] : memref<10240x16xf32, #tpu.memory_space<vmem_shared>> -> memref<10240x16xf32, #tpu.memory_space<vmem_shared>>
        tpu.wait_indirect_dma semaphore(%run_scoped3A : memref<!tpu.dma_semaphore, #tpu.memory_space<semaphore_mem>>) src(%arg9 : memref<128x16xf32, #tpu.memory_space<vmem>>) dst(%dma_wait3A_200 : memref<10240x16xf32, #tpu.memory_space<vmem_shared>>)
        tpu.yield
      }) : () -> ()
      %add3A_111 = arith.constant 1 : i32
      %add3A_112 = arith.addi %mul3A_52, %add3A_111 : i32
      %add3A_113 = arith.constant 4 : i32
      %add3A_114 = arith.addi %add3A_112, %add3A_113 : i32
      %dma_start3A_115 = arith.constant 0 : i32
      %dma_start3A_116 = tpu.memref_slice %arg6[%add3A_114, %dma_start3A_115] : memref<80x128xi32, #tpu.memory_space<vmem>> -> memref<1x128xi32, #tpu.memory_space<vmem>>
      %dma_start3A_117 = tpu.memref_squeeze %dma_start3A_116 : memref<1x128xi32, #tpu.memory_space<vmem>> -> memref<128xi32, #tpu.memory_space<vmem>>
      %dma_start3A_118 = arith.constant 0 : i32
      %dma_start3A_119 = arith.constant 0 : i32
      %dma_start3A_120 = tpu.memref_slice %arg14[%dma_start3A_118, %dma_start3A_119] : memref<10240x16xf32, #tpu.memory_space<vmem_shared>> -> memref<10240x16xf32, #tpu.memory_space<vmem_shared>>
      tpu.enqueue_indirect_dma source(%dma_start3A_120 : memref<10240x16xf32, #tpu.memory_space<vmem_shared>>) target(%arg9 : memref<128x16xf32, #tpu.memory_space<vmem>>) offsets(%dma_start3A_117 : memref<128xi32, #tpu.memory_space<vmem>>) semaphore(%arg18 : memref<!tpu.dma_semaphore, #tpu.memory_space<semaphore_mem>>)
      %dma_wait3A_121 = arith.constant 0 : i32
      %dma_wait3A_122 = tpu.memref_slice %arg6[%add3A_70, %dma_wait3A_121] : memref<80x128xi32, #tpu.memory_space<vmem>> -> memref<1x128xi32, #tpu.memory_space<vmem>>
      %dma_wait3A_123 = tpu.memref_squeeze %dma_wait3A_122 : memref<1x128xi32, #tpu.memory_space<vmem>> -> memref<128xi32, #tpu.memory_space<vmem>>
      %dma_wait3A_124 = arith.constant 0 : i32
      %dma_wait3A_125 = arith.constant 0 : i32
      %dma_wait3A_126 = tpu.memref_slice %arg14[%dma_wait3A_124, %dma_wait3A_125] : memref<10240x16xf32, #tpu.memory_space<vmem_shared>> -> memref<10240x16xf32, #tpu.memory_space<vmem_shared>>
      tpu.wait_indirect_dma semaphore(%arg19 : memref<!tpu.dma_semaphore, #tpu.memory_space<semaphore_mem>>) src(%dma_wait3A_126 : memref<10240x16xf32, #tpu.memory_space<vmem_shared>>) dst(%arg10 : memref<128x16xf32, #tpu.memory_space<vmem>>)
      %add3A_127 = arith.constant 2 : i32
      %add3A_128 = arith.addi %mul3A_52, %add3A_127 : i32
      "tpu.region"() ({
        %run_scoped3A = tpu.sem_alloc : memref<!tpu.dma_semaphore, #tpu.memory_space<semaphore_mem>>
        %dma_start3A_189 = arith.constant 0 : i32
        %dma_start3A_190 = tpu.memref_slice %arg7[%add3A_128, %dma_start3A_189] : memref<80x128xi32, #tpu.memory_space<vmem>> -> memref<1x128xi32, #tpu.memory_space<vmem>>
        %dma_start3A_191 = tpu.memref_squeeze %dma_start3A_190 : memref<1x128xi32, #tpu.memory_space<vmem>> -> memref<128xi32, #tpu.memory_space<vmem>>
        %dma_start3A_192 = arith.constant 0 : i32
        %dma_start3A_193 = arith.constant 0 : i32
        %dma_start3A_194 = tpu.memref_slice %arg13[%dma_start3A_192, %dma_start3A_193] : memref<10240x16xf32, #tpu.memory_space<vmem_shared>> -> memref<10240x16xf32, #tpu.memory_space<vmem_shared>>
        tpu.enqueue_indirect_dma source(%arg10 : memref<128x16xf32, #tpu.memory_space<vmem>>) target(%dma_start3A_194 : memref<10240x16xf32, #tpu.memory_space<vmem_shared>>) offsets(%dma_start3A_191 : memref<128xi32, #tpu.memory_space<vmem>>) semaphore(%run_scoped3A : memref<!tpu.dma_semaphore, #tpu.memory_space<semaphore_mem>>) {add = true}
        %dma_wait3A_195 = arith.constant 0 : i32
        %dma_wait3A_196 = tpu.memref_slice %arg7[%add3A_128, %dma_wait3A_195] : memref<80x128xi32, #tpu.memory_space<vmem>> -> memref<1x128xi32, #tpu.memory_space<vmem>>
        %dma_wait3A_197 = tpu.memref_squeeze %dma_wait3A_196 : memref<1x128xi32, #tpu.memory_space<vmem>> -> memref<128xi32, #tpu.memory_space<vmem>>
        %dma_wait3A_198 = arith.constant 0 : i32
        %dma_wait3A_199 = arith.constant 0 : i32
        %dma_wait3A_200 = tpu.memref_slice %arg13[%dma_wait3A_198, %dma_wait3A_199] : memref<10240x16xf32, #tpu.memory_space<vmem_shared>> -> memref<10240x16xf32, #tpu.memory_space<vmem_shared>>
        tpu.wait_indirect_dma semaphore(%run_scoped3A : memref<!tpu.dma_semaphore, #tpu.memory_space<semaphore_mem>>) src(%arg10 : memref<128x16xf32, #tpu.memory_space<vmem>>) dst(%dma_wait3A_200 : memref<10240x16xf32, #tpu.memory_space<vmem_shared>>)
        tpu.yield
      }) : () -> ()
      %add3A_129 = arith.constant 2 : i32
      %add3A_130 = arith.addi %mul3A_52, %add3A_129 : i32
      %add3A_131 = arith.constant 4 : i32
      %add3A_132 = arith.addi %add3A_130, %add3A_131 : i32
      %dma_start3A_133 = arith.constant 0 : i32
      %dma_start3A_134 = tpu.memref_slice %arg6[%add3A_132, %dma_start3A_133] : memref<80x128xi32, #tpu.memory_space<vmem>> -> memref<1x128xi32, #tpu.memory_space<vmem>>
      %dma_start3A_135 = tpu.memref_squeeze %dma_start3A_134 : memref<1x128xi32, #tpu.memory_space<vmem>> -> memref<128xi32, #tpu.memory_space<vmem>>
      %dma_start3A_136 = arith.constant 0 : i32
      %dma_start3A_137 = arith.constant 0 : i32
      %dma_start3A_138 = tpu.memref_slice %arg14[%dma_start3A_136, %dma_start3A_137] : memref<10240x16xf32, #tpu.memory_space<vmem_shared>> -> memref<10240x16xf32, #tpu.memory_space<vmem_shared>>
      tpu.enqueue_indirect_dma source(%dma_start3A_138 : memref<10240x16xf32, #tpu.memory_space<vmem_shared>>) target(%arg10 : memref<128x16xf32, #tpu.memory_space<vmem>>) offsets(%dma_start3A_135 : memref<128xi32, #tpu.memory_space<vmem>>) semaphore(%arg19 : memref<!tpu.dma_semaphore, #tpu.memory_space<semaphore_mem>>)
      %dma_wait3A_139 = arith.constant 0 : i32
      %dma_wait3A_140 = tpu.memref_slice %arg6[%add3A_78, %dma_wait3A_139] : memref<80x128xi32, #tpu.memory_space<vmem>> -> memref<1x128xi32, #tpu.memory_space<vmem>>
      %dma_wait3A_141 = tpu.memref_squeeze %dma_wait3A_140 : memref<1x128xi32, #tpu.memory_space<vmem>> -> memref<128xi32, #tpu.memory_space<vmem>>
      %dma_wait3A_142 = arith.constant 0 : i32
      %dma_wait3A_143 = arith.constant 0 : i32
      %dma_wait3A_144 = tpu.memref_slice %arg14[%dma_wait3A_142, %dma_wait3A_143] : memref<10240x16xf32, #tpu.memory_space<vmem_shared>> -> memref<10240x16xf32, #tpu.memory_space<vmem_shared>>
      tpu.wait_indirect_dma semaphore(%arg20 : memref<!tpu.dma_semaphore, #tpu.memory_space<semaphore_mem>>) src(%dma_wait3A_144 : memref<10240x16xf32, #tpu.memory_space<vmem_shared>>) dst(%arg11 : memref<128x16xf32, #tpu.memory_space<vmem>>)
      %add3A_145 = arith.constant 3 : i32
      %add3A_146 = arith.addi %mul3A_52, %add3A_145 : i32
      "tpu.region"() ({
        %run_scoped3A = tpu.sem_alloc : memref<!tpu.dma_semaphore, #tpu.memory_space<semaphore_mem>>
        %dma_start3A_189 = arith.constant 0 : i32
        %dma_start3A_190 = tpu.memref_slice %arg7[%add3A_146, %dma_start3A_189] : memref<80x128xi32, #tpu.memory_space<vmem>> -> memref<1x128xi32, #tpu.memory_space<vmem>>
        %dma_start3A_191 = tpu.memref_squeeze %dma_start3A_190 : memref<1x128xi32, #tpu.memory_space<vmem>> -> memref<128xi32, #tpu.memory_space<vmem>>
        %dma_start3A_192 = arith.constant 0 : i32
        %dma_start3A_193 = arith.constant 0 : i32
        %dma_start3A_194 = tpu.memref_slice %arg13[%dma_start3A_192, %dma_start3A_193] : memref<10240x16xf32, #tpu.memory_space<vmem_shared>> -> memref<10240x16xf32, #tpu.memory_space<vmem_shared>>
        tpu.enqueue_indirect_dma source(%arg11 : memref<128x16xf32, #tpu.memory_space<vmem>>) target(%dma_start3A_194 : memref<10240x16xf32, #tpu.memory_space<vmem_shared>>) offsets(%dma_start3A_191 : memref<128xi32, #tpu.memory_space<vmem>>) semaphore(%run_scoped3A : memref<!tpu.dma_semaphore, #tpu.memory_space<semaphore_mem>>) {add = true}
        %dma_wait3A_195 = arith.constant 0 : i32
        %dma_wait3A_196 = tpu.memref_slice %arg7[%add3A_146, %dma_wait3A_195] : memref<80x128xi32, #tpu.memory_space<vmem>> -> memref<1x128xi32, #tpu.memory_space<vmem>>
        %dma_wait3A_197 = tpu.memref_squeeze %dma_wait3A_196 : memref<1x128xi32, #tpu.memory_space<vmem>> -> memref<128xi32, #tpu.memory_space<vmem>>
        %dma_wait3A_198 = arith.constant 0 : i32
        %dma_wait3A_199 = arith.constant 0 : i32
        %dma_wait3A_200 = tpu.memref_slice %arg13[%dma_wait3A_198, %dma_wait3A_199] : memref<10240x16xf32, #tpu.memory_space<vmem_shared>> -> memref<10240x16xf32, #tpu.memory_space<vmem_shared>>
        tpu.wait_indirect_dma semaphore(%run_scoped3A : memref<!tpu.dma_semaphore, #tpu.memory_space<semaphore_mem>>) src(%arg11 : memref<128x16xf32, #tpu.memory_space<vmem>>) dst(%dma_wait3A_200 : memref<10240x16xf32, #tpu.memory_space<vmem_shared>>)
        tpu.yield
      }) : () -> ()
      %add3A_147 = arith.constant 3 : i32
      %add3A_148 = arith.addi %mul3A_52, %add3A_147 : i32
      %add3A_149 = arith.constant 4 : i32
      %add3A_150 = arith.addi %add3A_148, %add3A_149 : i32
      %dma_start3A_151 = arith.constant 0 : i32
      %dma_start3A_152 = tpu.memref_slice %arg6[%add3A_150, %dma_start3A_151] : memref<80x128xi32, #tpu.memory_space<vmem>> -> memref<1x128xi32, #tpu.memory_space<vmem>>
      %dma_start3A_153 = tpu.memref_squeeze %dma_start3A_152 : memref<1x128xi32, #tpu.memory_space<vmem>> -> memref<128xi32, #tpu.memory_space<vmem>>
      %dma_start3A_154 = arith.constant 0 : i32
      %dma_start3A_155 = arith.constant 0 : i32
      %dma_start3A_156 = tpu.memref_slice %arg14[%dma_start3A_154, %dma_start3A_155] : memref<10240x16xf32, #tpu.memory_space<vmem_shared>> -> memref<10240x16xf32, #tpu.memory_space<vmem_shared>>
      tpu.enqueue_indirect_dma source(%dma_start3A_156 : memref<10240x16xf32, #tpu.memory_space<vmem_shared>>) target(%arg11 : memref<128x16xf32, #tpu.memory_space<vmem>>) offsets(%dma_start3A_153 : memref<128xi32, #tpu.memory_space<vmem>>) semaphore(%arg20 : memref<!tpu.dma_semaphore, #tpu.memory_space<semaphore_mem>>)
      %dma_wait3A_157 = arith.constant 0 : i32
      %dma_wait3A_158 = tpu.memref_slice %arg6[%add3A_96, %dma_wait3A_157] : memref<80x128xi32, #tpu.memory_space<vmem>> -> memref<1x128xi32, #tpu.memory_space<vmem>>
      %dma_wait3A_159 = tpu.memref_squeeze %dma_wait3A_158 : memref<1x128xi32, #tpu.memory_space<vmem>> -> memref<128xi32, #tpu.memory_space<vmem>>
      %dma_wait3A_160 = arith.constant 0 : i32
      %dma_wait3A_161 = arith.constant 0 : i32
      %dma_wait3A_162 = tpu.memref_slice %arg14[%dma_wait3A_160, %dma_wait3A_161] : memref<10240x16xf32, #tpu.memory_space<vmem_shared>> -> memref<10240x16xf32, #tpu.memory_space<vmem_shared>>
      tpu.wait_indirect_dma semaphore(%arg17 : memref<!tpu.dma_semaphore, #tpu.memory_space<semaphore_mem>>) src(%dma_wait3A_162 : memref<10240x16xf32, #tpu.memory_space<vmem_shared>>) dst(%arg8 : memref<128x16xf32, #tpu.memory_space<vmem>>)
      %add3A_163 = arith.constant 4 : i32
      %add3A_164 = arith.addi %mul3A_52, %add3A_163 : i32
      "tpu.region"() ({
        %run_scoped3A = tpu.sem_alloc : memref<!tpu.dma_semaphore, #tpu.memory_space<semaphore_mem>>
        %dma_start3A_189 = arith.constant 0 : i32
        %dma_start3A_190 = tpu.memref_slice %arg7[%add3A_164, %dma_start3A_189] : memref<80x128xi32, #tpu.memory_space<vmem>> -> memref<1x128xi32, #tpu.memory_space<vmem>>
        %dma_start3A_191 = tpu.memref_squeeze %dma_start3A_190 : memref<1x128xi32, #tpu.memory_space<vmem>> -> memref<128xi32, #tpu.memory_space<vmem>>
        %dma_start3A_192 = arith.constant 0 : i32
        %dma_start3A_193 = arith.constant 0 : i32
        %dma_start3A_194 = tpu.memref_slice %arg13[%dma_start3A_192, %dma_start3A_193] : memref<10240x16xf32, #tpu.memory_space<vmem_shared>> -> memref<10240x16xf32, #tpu.memory_space<vmem_shared>>
        tpu.enqueue_indirect_dma source(%arg8 : memref<128x16xf32, #tpu.memory_space<vmem>>) target(%dma_start3A_194 : memref<10240x16xf32, #tpu.memory_space<vmem_shared>>) offsets(%dma_start3A_191 : memref<128xi32, #tpu.memory_space<vmem>>) semaphore(%run_scoped3A : memref<!tpu.dma_semaphore, #tpu.memory_space<semaphore_mem>>) {add = true}
        %dma_wait3A_195 = arith.constant 0 : i32
        %dma_wait3A_196 = tpu.memref_slice %arg7[%add3A_164, %dma_wait3A_195] : memref<80x128xi32, #tpu.memory_space<vmem>> -> memref<1x128xi32, #tpu.memory_space<vmem>>
        %dma_wait3A_197 = tpu.memref_squeeze %dma_wait3A_196 : memref<1x128xi32, #tpu.memory_space<vmem>> -> memref<128xi32, #tpu.memory_space<vmem>>
        %dma_wait3A_198 = arith.constant 0 : i32
        %dma_wait3A_199 = arith.constant 0 : i32
        %dma_wait3A_200 = tpu.memref_slice %arg13[%dma_wait3A_198, %dma_wait3A_199] : memref<10240x16xf32, #tpu.memory_space<vmem_shared>> -> memref<10240x16xf32, #tpu.memory_space<vmem_shared>>
        tpu.wait_indirect_dma semaphore(%run_scoped3A : memref<!tpu.dma_semaphore, #tpu.memory_space<semaphore_mem>>) src(%arg8 : memref<128x16xf32, #tpu.memory_space<vmem>>) dst(%dma_wait3A_200 : memref<10240x16xf32, #tpu.memory_space<vmem_shared>>)
        tpu.yield
      }) : () -> ()
      %dma_wait3A_165 = arith.constant 0 : i32
      %dma_wait3A_166 = tpu.memref_slice %arg6[%add3A_114, %dma_wait3A_165] : memref<80x128xi32, #tpu.memory_space<vmem>> -> memref<1x128xi32, #tpu.memory_space<vmem>>
      %dma_wait3A_167 = tpu.memref_squeeze %dma_wait3A_166 : memref<1x128xi32, #tpu.memory_space<vmem>> -> memref<128xi32, #tpu.memory_space<vmem>>
      %dma_wait3A_168 = arith.constant 0 : i32
      %dma_wait3A_169 = arith.constant 0 : i32
      %dma_wait3A_170 = tpu.memref_slice %arg14[%dma_wait3A_168, %dma_wait3A_169] : memref<10240x16xf32, #tpu.memory_space<vmem_shared>> -> memref<10240x16xf32, #tpu.memory_space<vmem_shared>>
      tpu.wait_indirect_dma semaphore(%arg18 : memref<!tpu.dma_semaphore, #tpu.memory_space<semaphore_mem>>) src(%dma_wait3A_170 : memref<10240x16xf32, #tpu.memory_space<vmem_shared>>) dst(%arg9 : memref<128x16xf32, #tpu.memory_space<vmem>>)
      %add3A_171 = arith.constant 5 : i32
      %add3A_172 = arith.addi %mul3A_52, %add3A_171 : i32
      "tpu.region"() ({
        %run_scoped3A = tpu.sem_alloc : memref<!tpu.dma_semaphore, #tpu.memory_space<semaphore_mem>>
        %dma_start3A_189 = arith.constant 0 : i32
        %dma_start3A_190 = tpu.memref_slice %arg7[%add3A_172, %dma_start3A_189] : memref<80x128xi32, #tpu.memory_space<vmem>> -> memref<1x128xi32, #tpu.memory_space<vmem>>
        %dma_start3A_191 = tpu.memref_squeeze %dma_start3A_190 : memref<1x128xi32, #tpu.memory_space<vmem>> -> memref<128xi32, #tpu.memory_space<vmem>>
        %dma_start3A_192 = arith.constant 0 : i32
        %dma_start3A_193 = arith.constant 0 : i32
        %dma_start3A_194 = tpu.memref_slice %arg13[%dma_start3A_192, %dma_start3A_193] : memref<10240x16xf32, #tpu.memory_space<vmem_shared>> -> memref<10240x16xf32, #tpu.memory_space<vmem_shared>>
        tpu.enqueue_indirect_dma source(%arg9 : memref<128x16xf32, #tpu.memory_space<vmem>>) target(%dma_start3A_194 : memref<10240x16xf32, #tpu.memory_space<vmem_shared>>) offsets(%dma_start3A_191 : memref<128xi32, #tpu.memory_space<vmem>>) semaphore(%run_scoped3A : memref<!tpu.dma_semaphore, #tpu.memory_space<semaphore_mem>>) {add = true}
        %dma_wait3A_195 = arith.constant 0 : i32
        %dma_wait3A_196 = tpu.memref_slice %arg7[%add3A_172, %dma_wait3A_195] : memref<80x128xi32, #tpu.memory_space<vmem>> -> memref<1x128xi32, #tpu.memory_space<vmem>>
        %dma_wait3A_197 = tpu.memref_squeeze %dma_wait3A_196 : memref<1x128xi32, #tpu.memory_space<vmem>> -> memref<128xi32, #tpu.memory_space<vmem>>
        %dma_wait3A_198 = arith.constant 0 : i32
        %dma_wait3A_199 = arith.constant 0 : i32
        %dma_wait3A_200 = tpu.memref_slice %arg13[%dma_wait3A_198, %dma_wait3A_199] : memref<10240x16xf32, #tpu.memory_space<vmem_shared>> -> memref<10240x16xf32, #tpu.memory_space<vmem_shared>>
        tpu.wait_indirect_dma semaphore(%run_scoped3A : memref<!tpu.dma_semaphore, #tpu.memory_space<semaphore_mem>>) src(%arg9 : memref<128x16xf32, #tpu.memory_space<vmem>>) dst(%dma_wait3A_200 : memref<10240x16xf32, #tpu.memory_space<vmem_shared>>)
        tpu.yield
      }) : () -> ()
      %dma_wait3A_173 = arith.constant 0 : i32
      %dma_wait3A_174 = tpu.memref_slice %arg6[%add3A_132, %dma_wait3A_173] : memref<80x128xi32, #tpu.memory_space<vmem>> -> memref<1x128xi32, #tpu.memory_space<vmem>>
      %dma_wait3A_175 = tpu.memref_squeeze %dma_wait3A_174 : memref<1x128xi32, #tpu.memory_space<vmem>> -> memref<128xi32, #tpu.memory_space<vmem>>
      %dma_wait3A_176 = arith.constant 0 : i32
      %dma_wait3A_177 = arith.constant 0 : i32
      %dma_wait3A_178 = tpu.memref_slice %arg14[%dma_wait3A_176, %dma_wait3A_177] : memref<10240x16xf32, #tpu.memory_space<vmem_shared>> -> memref<10240x16xf32, #tpu.memory_space<vmem_shared>>
      tpu.wait_indirect_dma semaphore(%arg19 : memref<!tpu.dma_semaphore, #tpu.memory_space<semaphore_mem>>) src(%dma_wait3A_178 : memref<10240x16xf32, #tpu.memory_space<vmem_shared>>) dst(%arg10 : memref<128x16xf32, #tpu.memory_space<vmem>>)
      %add3A_179 = arith.constant 6 : i32
      %add3A_180 = arith.addi %mul3A_52, %add3A_179 : i32
      "tpu.region"() ({
        %run_scoped3A = tpu.sem_alloc : memref<!tpu.dma_semaphore, #tpu.memory_space<semaphore_mem>>
        %dma_start3A_189 = arith.constant 0 : i32
        %dma_start3A_190 = tpu.memref_slice %arg7[%add3A_180, %dma_start3A_189] : memref<80x128xi32, #tpu.memory_space<vmem>> -> memref<1x128xi32, #tpu.memory_space<vmem>>
        %dma_start3A_191 = tpu.memref_squeeze %dma_start3A_190 : memref<1x128xi32, #tpu.memory_space<vmem>> -> memref<128xi32, #tpu.memory_space<vmem>>
        %dma_start3A_192 = arith.constant 0 : i32
        %dma_start3A_193 = arith.constant 0 : i32
        %dma_start3A_194 = tpu.memref_slice %arg13[%dma_start3A_192, %dma_start3A_193] : memref<10240x16xf32, #tpu.memory_space<vmem_shared>> -> memref<10240x16xf32, #tpu.memory_space<vmem_shared>>
        tpu.enqueue_indirect_dma source(%arg10 : memref<128x16xf32, #tpu.memory_space<vmem>>) target(%dma_start3A_194 : memref<10240x16xf32, #tpu.memory_space<vmem_shared>>) offsets(%dma_start3A_191 : memref<128xi32, #tpu.memory_space<vmem>>) semaphore(%run_scoped3A : memref<!tpu.dma_semaphore, #tpu.memory_space<semaphore_mem>>) {add = true}
        %dma_wait3A_195 = arith.constant 0 : i32
        %dma_wait3A_196 = tpu.memref_slice %arg7[%add3A_180, %dma_wait3A_195] : memref<80x128xi32, #tpu.memory_space<vmem>> -> memref<1x128xi32, #tpu.memory_space<vmem>>
        %dma_wait3A_197 = tpu.memref_squeeze %dma_wait3A_196 : memref<1x128xi32, #tpu.memory_space<vmem>> -> memref<128xi32, #tpu.memory_space<vmem>>
        %dma_wait3A_198 = arith.constant 0 : i32
        %dma_wait3A_199 = arith.constant 0 : i32
        %dma_wait3A_200 = tpu.memref_slice %arg13[%dma_wait3A_198, %dma_wait3A_199] : memref<10240x16xf32, #tpu.memory_space<vmem_shared>> -> memref<10240x16xf32, #tpu.memory_space<vmem_shared>>
        tpu.wait_indirect_dma semaphore(%run_scoped3A : memref<!tpu.dma_semaphore, #tpu.memory_space<semaphore_mem>>) src(%arg10 : memref<128x16xf32, #tpu.memory_space<vmem>>) dst(%dma_wait3A_200 : memref<10240x16xf32, #tpu.memory_space<vmem_shared>>)
        tpu.yield
      }) : () -> ()
      %dma_wait3A_181 = arith.constant 0 : i32
      %dma_wait3A_182 = tpu.memref_slice %arg6[%add3A_150, %dma_wait3A_181] : memref<80x128xi32, #tpu.memory_space<vmem>> -> memref<1x128xi32, #tpu.memory_space<vmem>>
      %dma_wait3A_183 = tpu.memref_squeeze %dma_wait3A_182 : memref<1x128xi32, #tpu.memory_space<vmem>> -> memref<128xi32, #tpu.memory_space<vmem>>
      %dma_wait3A_184 = arith.constant 0 : i32
      %dma_wait3A_185 = arith.constant 0 : i32
      %dma_wait3A_186 = tpu.memref_slice %arg14[%dma_wait3A_184, %dma_wait3A_185] : memref<10240x16xf32, #tpu.memory_space<vmem_shared>> -> memref<10240x16xf32, #tpu.memory_space<vmem_shared>>
      tpu.wait_indirect_dma semaphore(%arg20 : memref<!tpu.dma_semaphore, #tpu.memory_space<semaphore_mem>>) src(%dma_wait3A_186 : memref<10240x16xf32, #tpu.memory_space<vmem_shared>>) dst(%arg11 : memref<128x16xf32, #tpu.memory_space<vmem>>)
      %add3A_187 = arith.constant 7 : i32
      %add3A_188 = arith.addi %mul3A_52, %add3A_187 : i32
      "tpu.region"() ({
        %run_scoped3A = tpu.sem_alloc : memref<!tpu.dma_semaphore, #tpu.memory_space<semaphore_mem>>
        %dma_start3A_189 = arith.constant 0 : i32
        %dma_start3A_190 = tpu.memref_slice %arg7[%add3A_188, %dma_start3A_189] : memref<80x128xi32, #tpu.memory_space<vmem>> -> memref<1x128xi32, #tpu.memory_space<vmem>>
        %dma_start3A_191 = tpu.memref_squeeze %dma_start3A_190 : memref<1x128xi32, #tpu.memory_space<vmem>> -> memref<128xi32, #tpu.memory_space<vmem>>
        %dma_start3A_192 = arith.constant 0 : i32
        %dma_start3A_193 = arith.constant 0 : i32
        %dma_start3A_194 = tpu.memref_slice %arg13[%dma_start3A_192, %dma_start3A_193] : memref<10240x16xf32, #tpu.memory_space<vmem_shared>> -> memref<10240x16xf32, #tpu.memory_space<vmem_shared>>
        tpu.enqueue_indirect_dma source(%arg11 : memref<128x16xf32, #tpu.memory_space<vmem>>) target(%dma_start3A_194 : memref<10240x16xf32, #tpu.memory_space<vmem_shared>>) offsets(%dma_start3A_191 : memref<128xi32, #tpu.memory_space<vmem>>) semaphore(%run_scoped3A : memref<!tpu.dma_semaphore, #tpu.memory_space<semaphore_mem>>) {add = true}
        %dma_wait3A_195 = arith.constant 0 : i32
        %dma_wait3A_196 = tpu.memref_slice %arg7[%add3A_188, %dma_wait3A_195] : memref<80x128xi32, #tpu.memory_space<vmem>> -> memref<1x128xi32, #tpu.memory_space<vmem>>
        %dma_wait3A_197 = tpu.memref_squeeze %dma_wait3A_196 : memref<1x128xi32, #tpu.memory_space<vmem>> -> memref<128xi32, #tpu.memory_space<vmem>>
        %dma_wait3A_198 = arith.constant 0 : i32
        %dma_wait3A_199 = arith.constant 0 : i32
        %dma_wait3A_200 = tpu.memref_slice %arg13[%dma_wait3A_198, %dma_wait3A_199] : memref<10240x16xf32, #tpu.memory_space<vmem_shared>> -> memref<10240x16xf32, #tpu.memory_space<vmem_shared>>
        tpu.wait_indirect_dma semaphore(%run_scoped3A : memref<!tpu.dma_semaphore, #tpu.memory_space<semaphore_mem>>) src(%arg11 : memref<128x16xf32, #tpu.memory_space<vmem>>) dst(%dma_wait3A_200 : memref<10240x16xf32, #tpu.memory_space<vmem_shared>>)
        tpu.yield
      }) : () -> ()
    }
    %scan3A_41 = arith.constant 10 : i32
    %barrier3A_42 = arith.constant 0 : index
    tpu.barrier barrier_id(%barrier3A_42)
    %mul3A_43 = arith.constant 640 : i32
    %mul3A_44 = arith.muli %arg1, %mul3A_43 : i32
    "tpu.region"() ({
      %run_scoped3A = tpu.sem_alloc : memref<!tpu.dma_semaphore, #tpu.memory_space<semaphore_mem>>
      %dma_start3A_50 = arith.constant 0 : i32
      %dma_start3A_51 = tpu.memref_slice %arg13[%mul3A_44, %dma_start3A_50] : memref<10240x16xf32, #tpu.memory_space<vmem_shared>> -> memref<640x16xf32, #tpu.memory_space<vmem_shared>>
      %dma_start3A_52 = arith.constant 0 : i32
      %dma_start3A_53 = tpu.memref_slice %arg13[%mul3A_44, %dma_start3A_52] : memref<10240x16xf32, #tpu.memory_space<vmem_shared>> -> memref<640x16xf32, #tpu.memory_space<vmem_shared>>
      tpu.enqueue_dma source(%dma_start3A_53 : memref<640x16xf32, #tpu.memory_space<vmem_shared>>) target(%arg12 : memref<640x16xf32, #tpu.memory_space<vmem>>) target_semaphore(%run_scoped3A : memref<!tpu.dma_semaphore, #tpu.memory_space<semaphore_mem>>)
      %dma_wait3A_54 = arith.constant 0 : i32
      %dma_wait3A_55 = tpu.memref_slice %arg13[%mul3A_44, %dma_wait3A_54] : memref<10240x16xf32, #tpu.memory_space<vmem_shared>> -> memref<640x16xf32, #tpu.memory_space<vmem_shared>>
      %dma_wait3A_56 = arith.constant 0 : i32
      %dma_wait3A_57 = tpu.memref_slice %arg13[%mul3A_44, %dma_wait3A_56] : memref<10240x16xf32, #tpu.memory_space<vmem_shared>> -> memref<640x16xf32, #tpu.memory_space<vmem_shared>>
      tpu.wait_dma2 semaphore(%run_scoped3A : memref<!tpu.dma_semaphore, #tpu.memory_space<semaphore_mem>>) src(%dma_wait3A_57 : memref<640x16xf32, #tpu.memory_space<vmem_shared>>) dst(%arg12 : memref<640x16xf32, #tpu.memory_space<vmem>>)
      tpu.yield
    }) : () -> ()
    %mul3A_45 = arith.constant 10240 : i32
    %mul3A_46 = arith.muli %arg0, %mul3A_45 : i32
    %mul3A_47 = arith.constant 640 : i32
    %mul3A_48 = arith.muli %arg1, %mul3A_47 : i32
    %add3A_49 = arith.addi %mul3A_46, %mul3A_48 : i32
    "tpu.region"() ({
      %run_scoped3A = tpu.sem_alloc : memref<!tpu.dma_semaphore, #tpu.memory_space<semaphore_mem>>
      %dma_start3A_50 = arith.constant 0 : i32
      %dma_start3A_51 = tpu.memref_slice %arg5[%add3A_49, %dma_start3A_50] : memref<20480x16xf32, #tpu.memory_space<hbm>> -> memref<640x16xf32, #tpu.memory_space<hbm>>
      %dma_start3A_52 = arith.constant 0 : i32
      %dma_start3A_53 = tpu.memref_slice %arg5[%add3A_49, %dma_start3A_52] : memref<20480x16xf32, #tpu.memory_space<hbm>> -> memref<640x16xf32, #tpu.memory_space<hbm>>
      tpu.enqueue_dma source(%arg12 : memref<640x16xf32, #tpu.memory_space<vmem>>) target(%dma_start3A_53 : memref<640x16xf32, #tpu.memory_space<hbm>>) target_semaphore(%run_scoped3A : memref<!tpu.dma_semaphore, #tpu.memory_space<semaphore_mem>>)
      %dma_wait3A_54 = arith.constant 0 : i32
      %dma_wait3A_55 = tpu.memref_slice %arg5[%add3A_49, %dma_wait3A_54] : memref<20480x16xf32, #tpu.memory_space<hbm>> -> memref<640x16xf32, #tpu.memory_space<hbm>>
      %dma_wait3A_56 = arith.constant 0 : i32
      %dma_wait3A_57 = tpu.memref_slice %arg5[%add3A_49, %dma_wait3A_56] : memref<20480x16xf32, #tpu.memory_space<hbm>> -> memref<640x16xf32, #tpu.memory_space<hbm>>
      tpu.wait_dma2 semaphore(%run_scoped3A : memref<!tpu.dma_semaphore, #tpu.memory_space<semaphore_mem>>) src(%arg12 : memref<640x16xf32, #tpu.memory_space<vmem>>) dst(%dma_wait3A_57 : memref<640x16xf32, #tpu.memory_space<hbm>>)
      tpu.yield
    }) : () -> ()
    return
  }
}

module attributes {stable_mosaic.version = 14 : i64} {
  func.func @tc1(%arg0: memref<10000x128xf32, #tpu.memory_space<vmem>>, %arg1: memref<128x4xf32, #tpu.memory_space<vmem>>, %arg2: memref<20480x1xf32, #tpu.memory_space<vmem>>, %arg3: memref<10240x16xf32, #tpu.memory_space<vmem>>, %arg4: memref<10240x1xf32, #tpu.memory_space<vmem>>) attributes {dimension_semantics = [], scalar_prefetch = 0 : i64, scratch_operands = 0 : i64, tpu.core_type = #tpu.core_type<tc>} {
    %get3A = arith.constant 0 : index
    %get3A_0 = arith.constant 0 : index
    %get3A_1 = vector.load %arg2[%get3A, %get3A_0] : memref<20480x1xf32, #tpu.memory_space<vmem>>, vector<10240x1xf32>
    %get3A_2 = arith.constant 10240 : index
    %get3A_3 = arith.constant 0 : index
    %get3A_4 = vector.load %arg2[%get3A_2, %get3A_3] : memref<20480x1xf32, #tpu.memory_space<vmem>>, vector<10240x1xf32>
    %add3A = arith.addf %get3A_1, %get3A_4 : vector<10240x1xf32>
    %add3A_5 = arith.constant 1.000000e+00 : f32
    %add3A_6 = vector.broadcast %add3A_5 : f32 to vector<10240x1xf32>
    %add3A_7 = arith.addf %add3A, %add3A_6 : vector<10240x1xf32>
    %rsqrt3A = math.rsqrt %add3A_7 : vector<10240x1xf32>
    %swap3A = arith.constant 0 : index
    %swap3A_8 = arith.constant 0 : index
    %swap3A_9 = vector.load %arg4[%swap3A, %swap3A_8] : memref<10240x1xf32, #tpu.memory_space<vmem>>, vector<10240x1xf32>
    tpu.vector_store %arg4[%swap3A, %swap3A_8], %rsqrt3A {strides = array<i32>} : memref<10240x1xf32, #tpu.memory_space<vmem>>, vector<10240x1xf32>,
    %get3A_10 = arith.constant 0 : index
    %get3A_11 = arith.constant 0 : index
    %get3A_12 = vector.load %arg0[%get3A_10, %get3A_11] : memref<10000x128xf32, #tpu.memory_space<vmem>>, vector<10000x128xf32>
    %get3A_13 = arith.constant 0 : index
    %get3A_14 = arith.constant 0 : index
    %get3A_15 = vector.load %arg1[%get3A_13, %get3A_14] : memref<128x4xf32, #tpu.memory_space<vmem>>, vector<128x4xf32>
    %dot_general3A = arith.constant dense<0.000000e+00> : vector<10000x4xf32>
    %dot_general3A_16 = tpu.matmul %get3A_12, %get3A_15, %dot_general3A {dimension_numbers = #tpu.dot_dimension_numbers<[1], [0], [0], [1], [0, 0, 1, 1], [], []>, transpose_lhs_hint = false} : vector<10000x128xf32>, vector<128x4xf32>, vector<10000x4xf32> -> vector<10000x4xf32>
    %slice3A = vector.extract_strided_slice %rsqrt3A {offsets = [0, 0], sizes = [10000, 1], strides = [1, 1]} : vector<10240x1xf32> to vector<10000x1xf32>
    %mul3A = vector.broadcast %slice3A : vector<10000x1xf32> to vector<10000x4xf32>
    %mul3A_17 = arith.mulf %dot_general3A_16, %mul3A : vector<10000x4xf32>
    %swap3A_18 = arith.constant 0 : index
    %swap3A_19 = arith.constant 0 : index
    %swap3A_20 = vector.load %arg3[%swap3A_18, %swap3A_19] : memref<10240x16xf32, #tpu.memory_space<vmem>>, vector<10000x4xf32>
    tpu.vector_store %arg3[%swap3A_18, %swap3A_19], %mul3A_17 {strides = array<i32>} : memref<10240x16xf32, #tpu.memory_space<vmem>>, vector<10000x4xf32>,
    %broadcast_in_dim3A = arith.constant 0.000000e+00 : f32
    %broadcast_in_dim3A_21 = vector.broadcast %broadcast_in_dim3A : f32 to vector<240x4xf32>
    %swap3A_22 = arith.constant 10000 : index
    %swap3A_23 = arith.constant 0 : index
    %swap3A_24 = vector.load %arg3[%swap3A_22, %swap3A_23] : memref<10240x16xf32, #tpu.memory_space<vmem>>, vector<240x4xf32>
    tpu.vector_store %arg3[%swap3A_22, %swap3A_23], %broadcast_in_dim3A_21 {strides = array<i32>} : memref<10240x16xf32, #tpu.memory_space<vmem>>, vector<240x4xf32>,
    %broadcast_in_dim3A_25 = arith.constant 0.000000e+00 : f32
    %broadcast_in_dim3A_26 = vector.broadcast %broadcast_in_dim3A_25 : f32 to vector<10240x12xf32>
    %swap3A_27 = arith.constant 0 : index
    %swap3A_28 = arith.constant 4 : index
    %swap3A_29 = vector.load %arg3[%swap3A_27, %swap3A_28] : memref<10240x16xf32, #tpu.memory_space<vmem>>, vector<10240x12xf32>
    tpu.vector_store %arg3[%swap3A_27, %swap3A_28], %broadcast_in_dim3A_26 {strides = array<i32>} : memref<10240x16xf32, #tpu.memory_space<vmem>>, vector<10240x12xf32>,
    return
  }
}

module attributes {stable_mosaic.version = 14 : i64} {
  func.func @tc2(%arg0: memref<20480x16xf32, #tpu.memory_space<vmem>>, %arg1: memref<10240x16xf32, #tpu.memory_space<vmem>>, %arg2: memref<10240x1xf32, #tpu.memory_space<vmem>>, %arg3: memref<1x4xf32, #tpu.memory_space<vmem>>, %arg4: memref<4x2xf32, #tpu.memory_space<vmem>>, %arg5: memref<10240x16xf32, #tpu.memory_space<vmem>>) attributes {dimension_semantics = [], scalar_prefetch = 0 : i64, scratch_operands = 0 : i64, tpu.core_type = #tpu.core_type<tc>} {
    %get3A = arith.constant 0 : index
    %get3A_0 = arith.constant 0 : index
    %get3A_1 = vector.load %arg0[%get3A, %get3A_0] : memref<20480x16xf32, #tpu.memory_space<vmem>>, vector<10240x4xf32>
    %get3A_2 = arith.constant 10240 : index
    %get3A_3 = arith.constant 0 : index
    %get3A_4 = vector.load %arg0[%get3A_2, %get3A_3] : memref<20480x16xf32, #tpu.memory_space<vmem>>, vector<10240x4xf32>
    %add3A = arith.addf %get3A_1, %get3A_4 : vector<10240x4xf32>
    %get3A_5 = arith.constant 0 : index
    %get3A_6 = arith.constant 0 : index
    %get3A_7 = vector.load %arg1[%get3A_5, %get3A_6] : memref<10240x16xf32, #tpu.memory_space<vmem>>, vector<10240x4xf32>
    %sub3A = arith.subf %add3A, %get3A_7 : vector<10240x4xf32>
    %get3A_8 = arith.constant 0 : index
    %get3A_9 = arith.constant 0 : index
    %get3A_10 = vector.load %arg2[%get3A_8, %get3A_9] : memref<10240x1xf32, #tpu.memory_space<vmem>>, vector<10000x1xf32>
    %slice3A = vector.extract_strided_slice %sub3A {offsets = [0, 0], sizes = [10000, 4], strides = [1, 1]} : vector<10240x4xf32> to vector<10000x4xf32>
    %mul3A = vector.broadcast %get3A_10 : vector<10000x1xf32> to vector<10000x4xf32>
    %mul3A_11 = arith.mulf %mul3A, %slice3A : vector<10000x4xf32>
    %get3A_12 = arith.constant 0 : index
    %get3A_13 = arith.constant 0 : index
    %get3A_14 = vector.load %arg3[%get3A_12, %get3A_13] : memref<1x4xf32, #tpu.memory_space<vmem>>, vector<1x4xf32>
    %add3A_15 = vector.broadcast %get3A_14 : vector<1x4xf32> to vector<10000x4xf32>
    %add3A_16 = arith.addf %mul3A_11, %add3A_15 : vector<10000x4xf32>
    %max3A = arith.constant 0.000000e+00 : f32
    %max3A_17 = vector.broadcast %max3A : f32 to vector<10000x4xf32>
    %max3A_18 = arith.maximumf %add3A_16, %max3A_17 : vector<10000x4xf32>
    %get3A_19 = arith.constant 0 : index
    %get3A_20 = arith.constant 0 : index
    %get3A_21 = vector.load %arg4[%get3A_19, %get3A_20] : memref<4x2xf32, #tpu.memory_space<vmem>>, vector<4x2xf32>
    %dot_general3A = arith.constant dense<0.000000e+00> : vector<10000x2xf32>
    %dot_general3A_22 = tpu.matmul %max3A_18, %get3A_21, %dot_general3A {dimension_numbers = #tpu.dot_dimension_numbers<[1], [0], [0], [1], [0, 0, 1, 1], [], []>, transpose_lhs_hint = false} : vector<10000x4xf32>, vector<4x2xf32>, vector<10000x2xf32> -> vector<10000x2xf32>
    %get3A_23 = arith.constant 0 : index
    %get3A_24 = arith.constant 0 : index
    %get3A_25 = vector.load %arg2[%get3A_23, %get3A_24] : memref<10240x1xf32, #tpu.memory_space<vmem>>, vector<10000x1xf32>
    %mul3A_26 = vector.broadcast %get3A_25 : vector<10000x1xf32> to vector<10000x2xf32>
    %mul3A_27 = arith.mulf %dot_general3A_22, %mul3A_26 : vector<10000x2xf32>
    %swap3A = arith.constant 0 : index
    %swap3A_28 = arith.constant 0 : index
    %swap3A_29 = vector.load %arg5[%swap3A, %swap3A_28] : memref<10240x16xf32, #tpu.memory_space<vmem>>, vector<10000x2xf32>
    tpu.vector_store %arg5[%swap3A, %swap3A_28], %mul3A_27 {strides = array<i32>} : memref<10240x16xf32, #tpu.memory_space<vmem>>, vector<10000x2xf32>,
    %broadcast_in_dim3A = arith.constant 0.000000e+00 : f32
    %broadcast_in_dim3A_30 = vector.broadcast %broadcast_in_dim3A : f32 to vector<240x2xf32>
    %swap3A_31 = arith.constant 10000 : index
    %swap3A_32 = arith.constant 0 : index
    %swap3A_33 = vector.load %arg5[%swap3A_31, %swap3A_32] : memref<10240x16xf32, #tpu.memory_space<vmem>>, vector<240x2xf32>
    tpu.vector_store %arg5[%swap3A_31, %swap3A_32], %broadcast_in_dim3A_30 {strides = array<i32>} : memref<10240x16xf32, #tpu.memory_space<vmem>>, vector<240x2xf32>,
    %broadcast_in_dim3A_34 = arith.constant 0.000000e+00 : f32
    %broadcast_in_dim3A_35 = vector.broadcast %broadcast_in_dim3A_34 : f32 to vector<10240x14xf32>
    %swap3A_36 = arith.constant 0 : index
    %swap3A_37 = arith.constant 2 : index
    %swap3A_38 = vector.load %arg5[%swap3A_36, %swap3A_37] : memref<10240x16xf32, #tpu.memory_space<vmem>>, vector<10240x14xf32>
    tpu.vector_store %arg5[%swap3A_36, %swap3A_37], %broadcast_in_dim3A_35 {strides = array<i32>} : memref<10240x16xf32, #tpu.memory_space<vmem>>, vector<10240x14xf32>,
    return
  }
}

module attributes {stable_mosaic.version = 14 : i64} {
  func.func @tc3(%arg0: memref<20480x16xf32, #tpu.memory_space<vmem>>, %arg1: memref<10240x16xf32, #tpu.memory_space<vmem>>, %arg2: memref<10240x1xf32, #tpu.memory_space<vmem>>, %arg3: memref<1x2xf32, #tpu.memory_space<vmem>>, %arg4: memref<2x1xf32, #tpu.memory_space<vmem>>, %arg5: memref<1x1xf32, #tpu.memory_space<vmem>>, %arg6: memref<10000x1xf32, #tpu.memory_space<vmem>>, %arg7: memref<10000x2xf32, #tpu.memory_space<vmem>>) attributes {dimension_semantics = [], scalar_prefetch = 0 : i64, scratch_operands = 0 : i64, tpu.core_type = #tpu.core_type<tc>} {
    %get3A = arith.constant 0 : index
    %get3A_0 = arith.constant 0 : index
    %get3A_1 = vector.load %arg0[%get3A, %get3A_0] : memref<20480x16xf32, #tpu.memory_space<vmem>>, vector<10240x2xf32>
    %get3A_2 = arith.constant 10240 : index
    %get3A_3 = arith.constant 0 : index
    %get3A_4 = vector.load %arg0[%get3A_2, %get3A_3] : memref<20480x16xf32, #tpu.memory_space<vmem>>, vector<10240x2xf32>
    %add3A = arith.addf %get3A_1, %get3A_4 : vector<10240x2xf32>
    %get3A_5 = arith.constant 0 : index
    %get3A_6 = arith.constant 0 : index
    %get3A_7 = vector.load %arg1[%get3A_5, %get3A_6] : memref<10240x16xf32, #tpu.memory_space<vmem>>, vector<10240x2xf32>
    %sub3A = arith.subf %add3A, %get3A_7 : vector<10240x2xf32>
    %get3A_8 = arith.constant 0 : index
    %get3A_9 = arith.constant 0 : index
    %get3A_10 = vector.load %arg2[%get3A_8, %get3A_9] : memref<10240x1xf32, #tpu.memory_space<vmem>>, vector<10000x1xf32>
    %slice3A = vector.extract_strided_slice %sub3A {offsets = [0, 0], sizes = [10000, 2], strides = [1, 1]} : vector<10240x2xf32> to vector<10000x2xf32>
    %mul3A = vector.broadcast %get3A_10 : vector<10000x1xf32> to vector<10000x2xf32>
    %mul3A_11 = arith.mulf %mul3A, %slice3A : vector<10000x2xf32>
    %get3A_12 = arith.constant 0 : index
    %get3A_13 = arith.constant 0 : index
    %get3A_14 = vector.load %arg3[%get3A_12, %get3A_13] : memref<1x2xf32, #tpu.memory_space<vmem>>, vector<1x2xf32>
    %add3A_15 = vector.broadcast %get3A_14 : vector<1x2xf32> to vector<10000x2xf32>
    %add3A_16 = arith.addf %mul3A_11, %add3A_15 : vector<10000x2xf32>
    %tanh3A = math.tanh %add3A_16 : vector<10000x2xf32>
    %swap3A = arith.constant 0 : index
    %swap3A_17 = arith.constant 0 : index
    %swap3A_18 = vector.load %arg7[%swap3A, %swap3A_17] : memref<10000x2xf32, #tpu.memory_space<vmem>>, vector<10000x2xf32>
    tpu.vector_store %arg7[%swap3A, %swap3A_17], %tanh3A {strides = array<i32>} : memref<10000x2xf32, #tpu.memory_space<vmem>>, vector<10000x2xf32>,
    %get3A_19 = arith.constant 0 : index
    %get3A_20 = arith.constant 0 : index
    %get3A_21 = vector.load %arg4[%get3A_19, %get3A_20] : memref<2x1xf32, #tpu.memory_space<vmem>>, vector<2x1xf32>
    %dot_general3A = arith.constant dense<0.000000e+00> : vector<10000x1xf32>
    %dot_general3A_22 = tpu.matmul %tanh3A, %get3A_21, %dot_general3A {dimension_numbers = #tpu.dot_dimension_numbers<[1], [0], [0], [1], [0, 0, 1, 1], [], []>, transpose_lhs_hint = false} : vector<10000x2xf32>, vector<2x1xf32>, vector<10000x1xf32> -> vector<10000x1xf32>
    %get3A_23 = arith.constant 0 : index
    %get3A_24 = arith.constant 0 : index
    %get3A_25 = vector.load %arg5[%get3A_23, %get3A_24] : memref<1x1xf32, #tpu.memory_space<vmem>>, vector<1x1xf32>
    %add3A_26 = vector.broadcast %get3A_25 : vector<1x1xf32> to vector<10000x1xf32>
    %add3A_27 = arith.addf %dot_general3A_22, %add3A_26 : vector<10000x1xf32>
    %logistic3A = arith.negf %add3A_27 : vector<10000x1xf32>
    %logistic3A_28 = math.exp %logistic3A : vector<10000x1xf32>
    %logistic3A_29 = arith.constant 1.000000e+00 : f32
    %logistic3A_30 = vector.broadcast %logistic3A_29 : f32 to vector<10000x1xf32>
    %logistic3A_31 = arith.addf %logistic3A_30, %logistic3A_28 : vector<10000x1xf32>
    %logistic3A_32 = arith.divf %logistic3A_30, %logistic3A_31 : vector<10000x1xf32>
    %swap3A_33 = arith.constant 0 : index
    %swap3A_34 = arith.constant 0 : index
    %swap3A_35 = vector.load %arg6[%swap3A_33, %swap3A_34] : memref<10000x1xf32, #tpu.memory_space<vmem>>, vector<10000x1xf32>
    tpu.vector_store %arg6[%swap3A_33, %swap3A_34], %logistic3A_32 {strides = array<i32>} : memref<10000x1xf32, #tpu.memory_space<vmem>>, vector<10000x1xf32>,
    return
  }
}

</mosaic_0001>

<sc_bundles>
// kernel: kernel.11.cloned.1.call-start
scs
__scs_entry_jumppad:
0x0: {  	(pc) =	sbr.rel $0x88, $3  }
0x1: {  	(tag) =	ssettag $0x0;
	lr =	simm.s32 $0x1  }
0x2: {  	[smem:$0x3F99] =	sst lr;
	_ =	strace $0xD0000000  }
0x3: {  	_ = 	snop  }
0x4: {  	_ = 	snop  }
0x5: {  	_ = 	snop  }
0x6: {  	_ = 	snop  }
0x7: {  	_ = 	snop  }
__scs_overlays_trampoline_lowered:
0x8: {  	[smem:$0x3FA8] =	sst s0  }
0x9: {  	[smem:$0x3FA9] =	sst s1  }
0xa: {  	[smem:$0x3FAA] =	sst s2  }
0xb: {  	[smem:$0x3FAB] =	sst s3  }
0xc: {  	[smem:$0x3FAC] =	sst s4  }
0xd: {  	[smem:$0x3FAD] =	sst s5  }
0xe: {  	[smem:$0x3FAE] =	sst s6  }
0xf: {  	[smem:$0x3FAF] =	sst s7  }
0x10: {  	[smem:$0x3FB0] =	sst s8  }
0x11: {  	[smem:$0x3FB1] =	sst s9;
	s0 =	simm.s32 @!p0 $0x0  }
0x12: {  	s1 =	sld [smem:$0x3F97];
	s0 =	simm.s32 @p0 $0x1  }
0x13: {  	[smem:$0x3FB2] =	sst s0;
	s0 =	simm.s32 @!p1 $0x0  }
0x14: {  	s2 =	sld [smem:$0x3F96];
	s0 =	simm.s32 @p1 $0x1  }
0x15: {  	[smem:$0x3FB3] =	sst s0;
	s0 =	simm.s32 @!p2 $0x0  }
0x16: {  	s3 =	sld [smem:$0x3FDB];
	s0 =	simm.s32 @p2 $0x1  }
0x17: {  	s4 =	simm.s32 $0x1BF5;
	[smem:$0x3FB5] =	sst s0  }
0x18: {  	s0 =	sld [smem:$0x3F98];
	_ =	swait.ge [sflag:s4], $0x0  }
0x19: {  	s7 =	sld [smem:$0x3F99]  }
0x1a: {  	s8 =	sadd.s32 $0xFFFFE003, lr  }
0x1b: {  	s9 =	sadd.s32 $0xFFFFFEF7, lr;
	s5 =	simm.s32 $0xFFFFFFFF;
	p2 =	slt.u32 s8, $0xFFFFF086  }
0x1c: {  	p1 =	slt.u32 s9, $0xF7A;
	s5 =	simm.s32 @!p2 $0x0  }
0x1d: {  	s5 =	simm.s32 @p1 $0x1;
	p0 =	seq.s32 s7, s2  }
0x1e: {  	s7 =	smul.u32 @!p0 $0xF7A, s2;
	p2 =	seq.s32 @!p0 s5, $0x0  }
0x1f: {  	s9 =	smul.u32 $0xF7A, s1;
	s8 =	simm.s32 @!p0 $0x1BF5;
	p2 =	por !p2, p0  }
0x20: {  	[sflag:s8] =	ssyncset.s32 @!p0 $0xFFFFF086;
	s6 =	sadd.s32 @!p0 s3, s7;
	s7 =	simm.s32 @!p0 $0x108  }
0x21: {  	s3 =	sadd.s32 s3, s9;
	s6 =	sadd.s32 @!p0 $0x88, s6;
	s7 =	simm.s32 @p2 $0x1082  }
0x22: {  	[simem:s7], [sflag:s8] =	dma.local @!p0 [hbm:s6], $0xF7A  }
0x23: {  	s9 =	sor.u32 $0xD0000000, s2;
	s6 =	simm.s32 $0x108;
	_ =	swait.ge @!p0 [sflag:s8], $0x0  }
0x24: {  	s3 =	sadd.s32 $0x88, s3;
	s6 =	simm.s32 @!p1 $0x1082;
	[sflag:s4] =	ssyncset.s32 $0xFFFFF086  }
0x25: {  	[simem:s6], [sflag:s4] =	dma.local [hbm:s3], $0xF7A  }
0x26: {  	[smem:$0x3F99] =	sst s1;
	(tag) =	ssettag s2;
	_ =	strace s9  }
0x27: {  	s1 =	sld [smem:$0x3FA9]  }
0x28: {  	s2 =	sld [smem:$0x3FAA]  }
0x29: {  	s4 =	sld [smem:$0x3FAC]  }
0x2a: {  	p0 =	seq.s32 s5, $0x0;
	s5 =	sld [smem:$0x3FAD]  }
0x2b: {  	s6 =	sld [smem:$0x3FAE]  }
0x2c: {  	s7 =	sld [smem:$0x3FAF]  }
0x2d: {  	s3 =	simm.s32 $0x108;
	s8 =	sld [smem:$0x3FB0]  }
0x2e: {  	s3 =	simm.s32 @!p0 $0x1082;
	s9 =	sld [smem:$0x3FB1]  }
0x2f: {  	lr =	sadd.s32 s0, s3;
	s0 =	sld [smem:$0x3FA8]  }
0x30: {  	s3 =	sld [smem:$0x3FAB]  }
0x31: {  	[smem:$0x3FB4] =	sst s10  }
0x32: {  	s10 =	sld [smem:$0x3FB2];
	_ =	sdelay $0x3  }
0x33: {  	p0 =	seq.s32 s10, $0x1;
	s10 =	sld [smem:$0x3FB4];
	_ =	sdelay $0x3  }
0x34: {  	[smem:$0x3FB4] =	sst s10  }
0x35: {  	s10 =	sld [smem:$0x3FB3];
	_ =	sdelay $0x3  }
0x36: {  	p1 =	seq.s32 s10, $0x1;
	s10 =	sld [smem:$0x3FB4];
	_ =	sdelay $0x3  }
0x37: {  	[smem:$0x3FB4] =	sst s10  }
0x38: {  	s10 =	sld [smem:$0x3FB5]  }
0x39: {  	_ = 	snop;
	(pc) =	sbr.ind lr, $3  }
0x3a: {  	_ = 	snop  }
0x3b: {  	_ = 	snop  }
0x3c: {  	p2 =	seq.s32 s10, $0x1;
	s10 =	sld [smem:$0x3FB4]  }
0x3d: {  	_ =	shalt  }
0x3e: {  	_ =	shalt  }
0x3f: {  	_ =	shalt  }
0x40: {  	_ =	shalt  }
0x41: {  	_ =	shalt  }
0x42: {  	_ =	shalt  }
0x43: {  	_ =	shalt  }
0x44: {  	_ =	shalt  }
0x45: {  	_ =	shalt  }
0x46: {  	_ =	shalt  }
0x47: {  	_ =	shalt  }
0x48: {  	_ =	shalt  }
0x49: {  	_ =	shalt  }
0x4a: {  	_ =	shalt  }
0x4b: {  	_ =	shalt  }
0x4c: {  	_ =	shalt  }
0x4d: {  	_ =	shalt  }
0x4e: {  	_ =	shalt  }
0x4f: {  	_ =	shalt  }
0x50: {  	_ =	shalt  }
0x51: {  	_ =	shalt  }
0x52: {  	_ =	shalt  }
0x53: {  	_ =	shalt  }
0x54: {  	_ =	shalt  }
0x55: {  	_ =	shalt  }
0x56: {  	_ =	shalt  }
0x57: {  	_ =	shalt  }
0x58: {  	_ =	shalt  }
0x59: {  	_ =	shalt  }
0x5a: {  	_ =	shalt  }
0x5b: {  	_ =	shalt  }
0x5c: {  	_ =	shalt  }
0x5d: {  	_ =	shalt  }
0x5e: {  	_ =	shalt  }
0x5f: {  	_ =	shalt  }
0x60: {  	_ =	shalt  }
0x61: {  	_ =	shalt  }
0x62: {  	_ =	shalt  }
0x63: {  	_ =	shalt  }
0x64: {  	_ =	shalt  }
0x65: {  	_ =	shalt  }
0x66: {  	_ =	shalt  }
0x67: {  	_ =	shalt  }
0x68: {  	_ =	shalt  }
0x69: {  	_ =	shalt  }
0x6a: {  	_ =	shalt  }
0x6b: {  	_ =	shalt  }
0x6c: {  	_ =	shalt  }
0x6d: {  	_ =	shalt  }
0x6e: {  	_ =	shalt  }
0x6f: {  	_ =	shalt  }
0x70: {  	_ =	shalt  }
0x71: {  	_ =	shalt  }
0x72: {  	_ =	shalt  }
0x73: {  	_ =	shalt  }
0x74: {  	_ =	shalt  }
0x75: {  	_ =	shalt  }
0x76: {  	_ =	shalt  }
0x77: {  	_ =	shalt  }
0x78: {  	_ =	shalt  }
0x79: {  	_ =	shalt  }
0x7a: {  	_ =	shalt  }
0x7b: {  	_ =	shalt  }
0x7c: {  	_ =	shalt  }
0x7d: {  	_ =	shalt  }
0x7e: {  	_ =	shalt  }
0x7f: {  	_ =	shalt  }
0x80: {  	_ =	shalt  }
0x81: {  	_ =	shalt  }
0x82: {  	_ =	shalt  }
0x83: {  	_ =	shalt  }
0x84: {  	_ =	shalt  }
0x85: {  	_ =	shalt  }
0x86: {  	_ =	shalt  }
0x87: {  	_ =	shalt  }
.Lfunc_end0:
.L_simem_size_0:
called_computation.1_lowered:
.L_overlay_start_0:
0x88: {  	s2 =	sld [smem:$0x3FD9]  }
0x89: {  	s3 =	sld [smem:$0x3FFE];
	_ =	sdelay $0x1  }
0x8a: {  	s1 =	srdreg.scid  }
0x8b: {  	s0 =	sand.u32 $0x1, s1  }
0x8c: {  	s16 =	sshll.u32 s0, $0xA;
	s2 =	sadd.s32 s3, s2  }
0x8d: {  	s2 =	sadd.s32 s2, s16  }
0x8e: {  	[smem:$0x3FC0] =	sst s2  }
0x8f: {  	_ = 	snop  }
0x90: {  	(tm) =	ssettm $0x1  }
0x91: {  	s17 =	sld [smem:$0x3FFB];
	_ =	sdelay $0x3  }
0x92: {  	_ =	strace s17  }
0x93: {  	s2 =	sld [smem:$0x3FFC];
	_ =	sdelay $0x3  }
0x94: {  	_ =	strace s2  }
0x95: {  	s2 =	sld [smem:$0x3FFD];
	_ =	sdelay $0x3  }
0x96: {  	_ =	strace s2  }
0x97: {  	_ =	strace $0x8FFFFFFF  }
0x98: {  	s18 =	sld [smem:$0x3FDB];
	_ =	sdelay $0x1  }
0x99: {  	s19 =	simm.s32 $_scs_section_size  }
0x9a: {  	s4 =	simm.s32 $_size__tile_overlayer_lowered;
	s5 =	simm.s32 $_tile_overlayer_lowered  }
0x9b: {  	s22 =	simm.s32 $0x1BFF;
	s21 =	sshll.u32 s5, $0x1;
	s2 =	sadd.s32 s19, s18  }
0x9c: {  	s6 =	simm.s32 $0x0;
	s20 =	sshll.u32 s4, $0x1;
	s4 =	sadd.s32 s21, s2  }
0x9d: {  	[timem:s6], [sflag:s22] =	dma.local [hbm:s4], s20  }
0x9e: {  	_ =	swait.ge [sflag:s22], s20  }
0x9f: {  	s3 =	ssub.s32 $0x0, s20;
	[sflag:s22] =	ssyncset.done $0x0  }
0xa0: {  	[sflag:s22] =	ssyncadd.s32 s3;
	_ =	sdelay $0x1  }
0xa1: {  	s23 =	simm.s32 $0x1B8B  }
0xa2: {  	_ =	swait.ge [sflag:s23], $0x1  }
0xa3: {  	[sflag:s23] =	ssyncset.done $0x0  }
0xa4: {  	s25 =	simm.s32 $0x1B8E;
	s24 =	sld [smem:$0x3FFE];
	[sflag:s23] =	ssyncadd.s32 $0xFFFFFFFF  }
0xa5: {  	s26 =	simm.s32 $execute0_lowered;
	[smem:$0x3FD2] =	sst s25  }
0xa6: {  	s4 =	sshll.u32 s26, $0x1;
	_ =	strace $0x80000049;
	[dreg:$0x1] =	wrdreg $0xFFFFFFFF  }
0xa7: {  	s28 =	simm.s32 $_size_execute0_lowered;
	s2 =	sadd.s32 s2, s4;
	[dreg:$0x0] =	wrdreg $0x0  }
0xa8: {  	s4 =	sshll.u32 s28, $0x1;
	[dreg:$0x2] =	wrdreg s2  }
0xa9: {  	[dreg:$0x3] =	wrdreg s4  }
0xaa: {  	[dreg:$0x4] =	wrdreg $0xC0  }
0xab: {  	_ =	task [dreg:s6], $0x5FFFF  }
0xac: {  	[dreg:$0x1] =	wrdreg $0xFFFFFFFF  }
0xad: {  	[dreg:$0x0] =	wrdreg $0x60  }
0xae: {  	[dreg:$0x2] =	wrdreg s24  }
0xaf: {  	[dreg:$0x3] =	wrdreg $0x98000  }
0xb0: {  	[dreg:$0x4] =	wrdreg $0xC0000  }
0xb1: {  	[dreg:$0x5] =	wrdreg $0x9  }
0xb2: {  	_ =	task.clear_ibuf [dreg:s6], $0x6FFFF;
	_ =	strace $0x90000049  }
0xb3: {  	s29 =	simm.s32 $0x9;
	_ =	strace $0x8000004B  }
0xb4: {  	_ =	swait.ge [sflag:s29], $0x1  }
0xb5: {  	[sflag:s29] =	ssyncadd.s32 $0xFFFFFFFF  }
0xb6: {  	_ =	strace $0x9000004B  }
0xb7: {  	_ =	sfence  }
0xb8: {  	s30 =	sld [smem:$0x0];
	_ =	sdelay $0x2  }
0xb9: {  	s31 =	sshll.u32 s1, $0xD;
	s1 =	sshrl.u32 s1, $0x2  }
0xba: {  	s3 =	sand.u32 $0x4000, s31;
	s1 =	sadd.s32 s1, s30  }
0xbb: {  	s0 =	sor.u32 s3, s0;
	s1 =	sshll.u32 s1, $0x11  }
0xbc: {  	s0 =	sor.u32 s1, s0  }
0xbd: {  	s0 =	sadd.s32 $0x8F2B, s0  }
0xbe: {  	[sflag:s0] =	ssyncadd.remote.s32 $0x1  }
0xbf: {  	_ =	sfence.sel $0xFFFF  }
0xc0: {  	[dreg:$0x0] =	wrdreg $0xFFFFFFFF;
	(pc) =	sbr.abs _section_cstart, $3  }
0xc1: {  	[dreg:$0x1] =	wrdreg $0xFFFFFFFF  }
0xc2: {  	_ =	task.clear_ibuf [dreg:s6], $0x2FFFF;
	_ =	strace $0x9FFFFFFF  }
0xc3: {  	(tm) =	ssettm $0x7FFFFFFF  }
tec
execute0_lowered:
.L_overlay_start_1:
0x0: {  	(tag) =	ssettag $0x1  }
0x1: {  	s1 =	srdreg.scid;
	s5 =	rddreg [dreg:$0x0]  }
0x2: {  	s0 =	stileid.u32;
	s2 =	rddreg [dreg:$0x1]  }
0x3: {  	s3 =	rddreg [dreg:$0x2];
	s4 =	simm.s32 $0x0;
	s14 =	simm.s32 $0x7  }
0x4: {  	s15 =	simm.s32 $0x1;
	s16 =	simm.s32 $0x2;
	s17 =	simm.s32 $0x80  }
0x5: {  	s18 =	simm.s32 $0x5000;
	s19 =	simm.s32 $0x5800;
	s20 =	simm.s32 $0x6000  }
0x6: {  	s21 =	simm.s32 $0x6800;
	s22 =	simm.s32 $0x3;
	s23 =	simm.s32 $0x4  }
0x7: {  	s24 =	simm.s32 $0x5;
	s25 =	simm.s32 $0x6;
	s9 =	smul.u32 $0x2800, s0  }
0x8: {  	s6 =	sand.u32 $0x1, s1;
	s30 =	sshll.u32 s0, $0x1;
	s8 =	smul.u32 $0x500, s0  }
0x9: {  	s26 =	simm.s32 $0x0;
	s1 =	sor.u32 s6, s30;
	s10 =	smul.u32 $0x5000, s6  }
0xa: {  	[smem:$0x7FF] =	sst s4;
	s6 =	ssub.s32 $0x2, s6;
	s7 =	smul.u32 $0x500, s1  }
0xb: {  	s1 =	rddreg [dreg:$0x3];
	_ =	strace $0x8000004A;
	s11 =	sshrl.u32 s9, $0x3  }
0xc: {  	s31 =	sshrl.u32 s6, $0x1;
	s11 =	sadd.s32 s11, s5;
	s8 =	sadd.s32 s8, s10  }
0xd: {  	s13 =	ssub.s32 s6, s31;
	s7 =	sadd.s32 s7, s5;
	s12 =	sadd.s32 s8, s5  }
0xe: {  	s8 =	sadd.s32 s9, s2;
	s9 =	sadd.s32 s9, s3;
	s5 =	sadd.s32 $0xC400, s7  }
0xf: {  	s6 =	sadd.s32 $0x1A00, s7;
	s7 =	sadd.s32 $0x16400, s11;
	s10 =	sadd.s32 $0x1B400, s12  }
0x10: {  	s11 =	smax.u32 s13, $0x1;
	s12 =	simm.s32 $0x2800;
	s13 =	simm.s32 $0x7000  }
.LBB2_1:
0x11: {  	[tilespmem:s4], [sflag:$0x1] =	stream.linear.gather [hbm4b:s5+s4], $0x2800, $0x38;
	[tilespmem:$0xE800] =	vst v63  }
0x12: {  	_ = 	snop  }
0x13: {  	[tilespmem:s12], [sflag:$0x2] =	stream.linear.gather [hbm4b:s6+s4], $0x2800, $0x38;
	[tilespmem:$0xE800] =	vst v63  }
0x14: {  	_ = 	snop  }
0x15: {  	[tilespmem:s13], [sflag:$0x7] =	stream.linear.gather [hbm4b:s7+s4], $0x2800, $0x38;
	[tilespmem:$0xE800] =	vst v63  }
0x16: {  	_ =	swait.ge [sflag:s14], $0x2800  }
0x17: {  	[sflag:s14] =	ssyncset.done $0x0  }
0x18: {  	[sflag:s14] =	ssyncadd.s32 $0xFFFFD800  }
0x19: {  	[spmem:s8] =	stream.linear.scatter [tilespmem:s13], [sflag:$0x7], $0x2800, $0x38;
	[tilespmem:$0xE800] =	vst v63  }
0x1a: {  	_ =	swait.ge [sflag:s14], $0x2800  }
0x1b: {  	[sflag:s14] =	ssyncset.done $0x0  }
0x1c: {  	[sflag:s14] =	ssyncadd.s32 $0xFFFFD800  }
0x1d: {  	[spmem:s9] =	stream.linear.scatter [tilespmem:s13], [sflag:$0x7], $0x2800, $0x38;
	[tilespmem:$0xE800] =	vst v63  }
0x1e: {  	_ =	swait.ge [sflag:s14], $0x2800  }
0x1f: {  	[sflag:s14] =	ssyncset.done $0x0  }
0x20: {  	[sflag:s14] =	ssyncadd.s32 $0xFFFFD800  }
0x21: {  	_ =	swait.ge [sflag:s15], $0x2800  }
0x22: {  	[sflag:s15] =	ssyncset.done $0x0  }
0x23: {  	[sflag:s15] =	ssyncadd.s32 $0xFFFFD800  }
0x24: {  	_ =	swait.ge [sflag:s16], $0x2800  }
0x25: {  	[sflag:s16] =	ssyncset.done $0x0  }
0x26: {  	[sflag:s16] =	ssyncadd.s32 $0xFFFFD800  }
0x27: {  	s28 =	simm.s32 $0x0;
	[bflag:$0x0] =	sbarrier.arrive $0xFFFF  }
0x28: {  	[tilespmem:s18], [sflag:$0x3] =	stream.indirect.gather [spmem:s3], $0x10, s28, s17, $0xb8;
	[tilespmem:$0xE800] =	vst v63  }
0x29: {  	s28 =	simm.s32 $0x80  }
0x2a: {  	[tilespmem:s19], [sflag:$0x4] =	stream.indirect.gather [spmem:s3], $0x10, s28, s17, $0xb8;
	[tilespmem:$0xE800] =	vst v63  }
0x2b: {  	s28 =	simm.s32 $0x100  }
0x2c: {  	[tilespmem:s20], [sflag:$0x5] =	stream.indirect.gather [spmem:s3], $0x10, s28, s17, $0xb8;
	[tilespmem:$0xE800] =	vst v63  }
0x2d: {  	s28 =	simm.s32 $0x180  }
0x2e: {  	[tilespmem:s21], [sflag:$0x6] =	stream.indirect.gather [spmem:s3], $0x10, s28, s17, $0xb8;
	[tilespmem:$0xE800] =	vst v63  }
0x2f: {  	_ =	swait.ge [sflag:s22], $0x800  }
0x30: {  	[sflag:s22] =	ssyncset.done $0x0  }
0x31: {  	s28 =	simm.s32 $0x2800;
	[sflag:s22] =	ssyncadd.s32 $0xFFFFF800  }
0x32: {  	[spmem:s2] =	stream.indirect.scatter.add.f32 [tilespmem:s18], [sflag:$0x7], $0x10, s28, s17, $0xb8;
	[tilespmem:$0xE800] =	vst v63  }
0x33: {  	_ =	swait.ge [sflag:s14], $0x800  }
0x34: {  	[sflag:s14] =	ssyncset.done $0x0  }
0x35: {  	s28 =	simm.s32 $0x200;
	[sflag:s14] =	ssyncadd.s32 $0xFFFFF800  }
0x36: {  	[tilespmem:s18], [sflag:$0x3] =	stream.indirect.gather [spmem:s3], $0x10, s28, s17, $0xb8;
	[tilespmem:$0xE800] =	vst v63  }
0x37: {  	_ =	swait.ge [sflag:s23], $0x800  }
0x38: {  	[sflag:s23] =	ssyncset.done $0x0  }
0x39: {  	s28 =	simm.s32 $0x2880;
	[sflag:s23] =	ssyncadd.s32 $0xFFFFF800  }
0x3a: {  	[spmem:s2] =	stream.indirect.scatter.add.f32 [tilespmem:s19], [sflag:$0x7], $0x10, s28, s17, $0xb8;
	[tilespmem:$0xE800] =	vst v63  }
0x3b: {  	_ =	swait.ge [sflag:s14], $0x800  }
0x3c: {  	[sflag:s14] =	ssyncset.done $0x0  }
0x3d: {  	s28 =	simm.s32 $0x280;
	[sflag:s14] =	ssyncadd.s32 $0xFFFFF800  }
0x3e: {  	[tilespmem:s19], [sflag:$0x4] =	stream.indirect.gather [spmem:s3], $0x10, s28, s17, $0xb8;
	[tilespmem:$0xE800] =	vst v63  }
0x3f: {  	_ =	swait.ge [sflag:s24], $0x800  }
0x40: {  	[sflag:s24] =	ssyncset.done $0x0  }
0x41: {  	s28 =	simm.s32 $0x2900;
	[sflag:s24] =	ssyncadd.s32 $0xFFFFF800  }
0x42: {  	[spmem:s2] =	stream.indirect.scatter.add.f32 [tilespmem:s20], [sflag:$0x7], $0x10, s28, s17, $0xb8;
	[tilespmem:$0xE800] =	vst v63  }
0x43: {  	_ =	swait.ge [sflag:s14], $0x800  }
0x44: {  	[sflag:s14] =	ssyncset.done $0x0  }
0x45: {  	s28 =	simm.s32 $0x300;
	[sflag:s14] =	ssyncadd.s32 $0xFFFFF800  }
0x46: {  	[tilespmem:s20], [sflag:$0x5] =	stream.indirect.gather [spmem:s3], $0x10, s28, s17, $0xb8;
	[tilespmem:$0xE800] =	vst v63  }
0x47: {  	_ =	swait.ge [sflag:s25], $0x800  }
0x48: {  	[sflag:s25] =	ssyncset.done $0x0  }
0x49: {  	s28 =	simm.s32 $0x2980;
	[sflag:s25] =	ssyncadd.s32 $0xFFFFF800  }
0x4a: {  	[spmem:s2] =	stream.indirect.scatter.add.f32 [tilespmem:s21], [sflag:$0x7], $0x10, s28, s17, $0xb8;
	[tilespmem:$0xE800] =	vst v63  }
0x4b: {  	_ =	swait.ge [sflag:s14], $0x800  }
0x4c: {  	[sflag:s14] =	ssyncset.done $0x0  }
0x4d: {  	s28 =	simm.s32 $0x380;
	[sflag:s14] =	ssyncadd.s32 $0xFFFFF800  }
0x4e: {  	[tilespmem:s21], [sflag:$0x6] =	stream.indirect.gather [spmem:s3], $0x10, s28, s17, $0xb8;
	[tilespmem:$0xE800] =	vst v63  }
0x4f: {  	_ =	swait.ge [sflag:s22], $0x800  }
0x50: {  	[sflag:s22] =	ssyncset.done $0x0  }
0x51: {  	s28 =	simm.s32 $0x2A00;
	[sflag:s22] =	ssyncadd.s32 $0xFFFFF800  }
0x52: {  	[spmem:s2] =	stream.indirect.scatter.add.f32 [tilespmem:s18], [sflag:$0x7], $0x10, s28, s17, $0xb8;
	[tilespmem:$0xE800] =	vst v63  }
0x53: {  	_ =	swait.ge [sflag:s14], $0x800  }
0x54: {  	[sflag:s14] =	ssyncset.done $0x0  }
0x55: {  	[sflag:s14] =	ssyncadd.s32 $0xFFFFF800  }
0x56: {  	_ =	swait.ge [sflag:s23], $0x800  }
0x57: {  	[sflag:s23] =	ssyncset.done $0x0  }
0x58: {  	s28 =	simm.s32 $0x2A80;
	[sflag:s23] =	ssyncadd.s32 $0xFFFFF800  }
0x59: {  	[spmem:s2] =	stream.indirect.scatter.add.f32 [tilespmem:s19], [sflag:$0x7], $0x10, s28, s17, $0xb8;
	[tilespmem:$0xE800] =	vst v63  }
0x5a: {  	_ =	swait.ge [sflag:s14], $0x800  }
0x5b: {  	[sflag:s14] =	ssyncset.done $0x0  }
0x5c: {  	[sflag:s14] =	ssyncadd.s32 $0xFFFFF800  }
0x5d: {  	_ =	swait.ge [sflag:s24], $0x800  }
0x5e: {  	[sflag:s24] =	ssyncset.done $0x0  }
0x5f: {  	s28 =	simm.s32 $0x2B00;
	[sflag:s24] =	ssyncadd.s32 $0xFFFFF800  }
0x60: {  	[spmem:s2] =	stream.indirect.scatter.add.f32 [tilespmem:s20], [sflag:$0x7], $0x10, s28, s17, $0xb8;
	[tilespmem:$0xE800] =	vst v63  }
0x61: {  	_ =	swait.ge [sflag:s14], $0x800  }
0x62: {  	[sflag:s14] =	ssyncset.done $0x0  }
0x63: {  	[sflag:s14] =	ssyncadd.s32 $0xFFFFF800  }
0x64: {  	_ =	swait.ge [sflag:s25], $0x800  }
0x65: {  	[sflag:s25] =	ssyncset.done $0x0  }
0x66: {  	s28 =	simm.s32 $0x2B80;
	[sflag:s25] =	ssyncadd.s32 $0xFFFFF800  }
0x67: {  	[spmem:s2] =	stream.indirect.scatter.add.f32 [tilespmem:s21], [sflag:$0x7], $0x10, s28, s17, $0xb8;
	[tilespmem:$0xE800] =	vst v63  }
0x68: {  	_ =	swait.ge [sflag:s14], $0x800  }
0x69: {  	s31 =	simm.s32 $0x2000;
	s28 =	simm.s32 $0x1000;
	[sflag:s14] =	ssyncset.done $0x0  }
.LBB2_2:
0x6a: {  	s30 =	sshra.s32 s28, $0x2  }
0x6b: {  	[sflag:s14] =	ssyncadd.s32 $0xFFFFF800;
	s28 =	smov.u32 s31;
	s29 =	sadd.s32 $0x1000, s31  }
0x6c: {  	[tilespmem:s18], [sflag:$0x3] =	stream.indirect.gather [spmem:s3], $0x10, s30, s17, $0xb8;
	[tilespmem:$0xE800] =	vst v63  }
0x6d: {  	p0 =	sne.s32 s31, $0x9000;
	s31 =	sadd.s32 $0x80, s30  }
0x6e: {  	[tilespmem:s19], [sflag:$0x4] =	stream.indirect.gather [spmem:s3], $0x10, s31, s17, $0xb8;
	[tilespmem:$0xE800] =	vst v63  }
0x6f: {  	s31 =	sadd.s32 $0x100, s30  }
0x70: {  	[tilespmem:s20], [sflag:$0x5] =	stream.indirect.gather [spmem:s3], $0x10, s31, s17, $0xb8;
	[tilespmem:$0xE800] =	vst v63  }
0x71: {  	s31 =	sadd.s32 $0x180, s30  }
0x72: {  	[tilespmem:s21], [sflag:$0x6] =	stream.indirect.gather [spmem:s3], $0x10, s31, s17, $0xb8;
	[tilespmem:$0xE800] =	vst v63  }
0x73: {  	_ =	swait.ge [sflag:s22], $0x800  }
0x74: {  	[sflag:s22] =	ssyncset.done $0x0  }
0x75: {  	s31 =	sadd.s32 $0x2800, s30;
	[sflag:s22] =	ssyncadd.s32 $0xFFFFF800  }
0x76: {  	[spmem:s2] =	stream.indirect.scatter.add.f32 [tilespmem:s18], [sflag:$0x7], $0x10, s31, s17, $0xb8;
	[tilespmem:$0xE800] =	vst v63  }
0x77: {  	_ =	swait.ge [sflag:s14], $0x800  }
0x78: {  	[sflag:s14] =	ssyncset.done $0x0  }
0x79: {  	s31 =	sadd.s32 $0x200, s30;
	[sflag:s14] =	ssyncadd.s32 $0xFFFFF800  }
0x7a: {  	[tilespmem:s18], [sflag:$0x3] =	stream.indirect.gather [spmem:s3], $0x10, s31, s17, $0xb8;
	[tilespmem:$0xE800] =	vst v63  }
0x7b: {  	_ =	swait.ge [sflag:s23], $0x800  }
0x7c: {  	[sflag:s23] =	ssyncset.done $0x0  }
0x7d: {  	s31 =	sadd.s32 $0x2880, s30;
	[sflag:s23] =	ssyncadd.s32 $0xFFFFF800  }
0x7e: {  	[spmem:s2] =	stream.indirect.scatter.add.f32 [tilespmem:s19], [sflag:$0x7], $0x10, s31, s17, $0xb8;
	[tilespmem:$0xE800] =	vst v63  }
0x7f: {  	_ =	swait.ge [sflag:s14], $0x800  }
0x80: {  	[sflag:s14] =	ssyncset.done $0x0  }
0x81: {  	s31 =	sadd.s32 $0x280, s30;
	[sflag:s14] =	ssyncadd.s32 $0xFFFFF800  }
0x82: {  	[tilespmem:s19], [sflag:$0x4] =	stream.indirect.gather [spmem:s3], $0x10, s31, s17, $0xb8;
	[tilespmem:$0xE800] =	vst v63  }
0x83: {  	_ =	swait.ge [sflag:s24], $0x800  }
0x84: {  	[sflag:s24] =	ssyncset.done $0x0  }
0x85: {  	s31 =	sadd.s32 $0x2900, s30;
	[sflag:s24] =	ssyncadd.s32 $0xFFFFF800  }
0x86: {  	[spmem:s2] =	stream.indirect.scatter.add.f32 [tilespmem:s20], [sflag:$0x7], $0x10, s31, s17, $0xb8;
	[tilespmem:$0xE800] =	vst v63  }
0x87: {  	_ =	swait.ge [sflag:s14], $0x800  }
0x88: {  	[sflag:s14] =	ssyncset.done $0x0  }
0x89: {  	s31 =	sadd.s32 $0x300, s30;
	[sflag:s14] =	ssyncadd.s32 $0xFFFFF800  }
0x8a: {  	[tilespmem:s20], [sflag:$0x5] =	stream.indirect.gather [spmem:s3], $0x10, s31, s17, $0xb8;
	[tilespmem:$0xE800] =	vst v63  }
0x8b: {  	_ =	swait.ge [sflag:s25], $0x800  }
0x8c: {  	[sflag:s25] =	ssyncset.done $0x0  }
0x8d: {  	s31 =	sadd.s32 $0x2980, s30;
	[sflag:s25] =	ssyncadd.s32 $0xFFFFF800  }
0x8e: {  	[spmem:s2] =	stream.indirect.scatter.add.f32 [tilespmem:s21], [sflag:$0x7], $0x10, s31, s17, $0xb8;
	[tilespmem:$0xE800] =	vst v63  }
0x8f: {  	_ =	swait.ge [sflag:s14], $0x800  }
0x90: {  	[sflag:s14] =	ssyncset.done $0x0  }
0x91: {  	s31 =	sadd.s32 $0x380, s30;
	[sflag:s14] =	ssyncadd.s32 $0xFFFFF800  }
0x92: {  	[tilespmem:s21], [sflag:$0x6] =	stream.indirect.gather [spmem:s3], $0x10, s31, s17, $0xb8;
	[tilespmem:$0xE800] =	vst v63  }
0x93: {  	_ =	swait.ge [sflag:s22], $0x800  }
0x94: {  	[sflag:s22] =	ssyncset.done $0x0  }
0x95: {  	s31 =	sadd.s32 $0x2A00, s30;
	[sflag:s22] =	ssyncadd.s32 $0xFFFFF800  }
0x96: {  	[spmem:s2] =	stream.indirect.scatter.add.f32 [tilespmem:s18], [sflag:$0x7], $0x10, s31, s17, $0xb8;
	[tilespmem:$0xE800] =	vst v63  }
0x97: {  	_ =	swait.ge [sflag:s14], $0x800  }
0x98: {  	[sflag:s14] =	ssyncset.done $0x0  }
0x99: {  	[sflag:s14] =	ssyncadd.s32 $0xFFFFF800  }
0x9a: {  	_ =	swait.ge [sflag:s23], $0x800  }
0x9b: {  	[sflag:s23] =	ssyncset.done $0x0  }
0x9c: {  	s31 =	sadd.s32 $0x2A80, s30;
	[sflag:s23] =	ssyncadd.s32 $0xFFFFF800  }
0x9d: {  	[spmem:s2] =	stream.indirect.scatter.add.f32 [tilespmem:s19], [sflag:$0x7], $0x10, s31, s17, $0xb8;
	[tilespmem:$0xE800] =	vst v63  }
0x9e: {  	_ =	swait.ge [sflag:s14], $0x800  }
0x9f: {  	[sflag:s14] =	ssyncset.done $0x0  }
0xa0: {  	[sflag:s14] =	ssyncadd.s32 $0xFFFFF800  }
0xa1: {  	_ =	swait.ge [sflag:s24], $0x800  }
0xa2: {  	[sflag:s24] =	ssyncset.done $0x0  }
0xa3: {  	s31 =	sadd.s32 $0x2B00, s30;
	[sflag:s24] =	ssyncadd.s32 $0xFFFFF800  }
0xa4: {  	[spmem:s2] =	stream.indirect.scatter.add.f32 [tilespmem:s20], [sflag:$0x7], $0x10, s31, s17, $0xb8;
	[tilespmem:$0xE800] =	vst v63  }
0xa5: {  	_ =	swait.ge [sflag:s14], $0x800  }
0xa6: {  	[sflag:s14] =	ssyncset.done $0x0  }
0xa7: {  	[sflag:s14] =	ssyncadd.s32 $0xFFFFF800  }
0xa8: {  	_ =	swait.ge [sflag:s25], $0x800  }
.Ltmp0:
0xa9: {  	[sflag:s25] =	ssyncset.done $0x0;
	(pc) =	sbr.rel @p0 .LBB2_2-.Ltmp0, $4  }
0xaa: {  	s30 =	sadd.s32 $0x2B80, s30;
	[sflag:s25] =	ssyncadd.s32 $0xFFFFF800  }
0xab: {  	[spmem:s2] =	stream.indirect.scatter.add.f32 [tilespmem:s21], [sflag:$0x7], $0x10, s30, s17, $0xb8;
	[tilespmem:$0xE800] =	vst v63  }
0xac: {  	_ =	swait.ge [sflag:s14], $0x800  }
0xad: {  	s31 =	smov.u32 s29;
	[sflag:s14] =	ssyncset.done $0x0  }
0xae: {  	s28 =	sshra.s32 s28, $0x2;
	[sflag:s14] =	ssyncadd.s32 $0xFFFFF800  }
0xaf: {  	[tilespmem:s18], [sflag:$0x3] =	stream.indirect.gather [spmem:s3], $0x10, s28, s17, $0xb8;
	[tilespmem:$0xE800] =	vst v63  }
0xb0: {  	s29 =	sadd.s32 $0x80, s28  }
0xb1: {  	[tilespmem:s19], [sflag:$0x4] =	stream.indirect.gather [spmem:s3], $0x10, s29, s17, $0xb8;
	[tilespmem:$0xE800] =	vst v63  }
0xb2: {  	s31 =	sadd.s32 $0x100, s28  }
0xb3: {  	[tilespmem:s20], [sflag:$0x5] =	stream.indirect.gather [spmem:s3], $0x10, s31, s17, $0xb8;
	[tilespmem:$0xE800] =	vst v63  }
0xb4: {  	s30 =	sadd.s32 $0x180, s28  }
0xb5: {  	[tilespmem:s21], [sflag:$0x6] =	stream.indirect.gather [spmem:s3], $0x10, s30, s17, $0xb8;
	[tilespmem:$0xE800] =	vst v63  }
0xb6: {  	_ =	swait.ge [sflag:s22], $0x800  }
0xb7: {  	[sflag:s22] =	ssyncset.done $0x0  }
0xb8: {  	s31 =	sadd.s32 $0x2800, s28;
	[sflag:s22] =	ssyncadd.s32 $0xFFFFF800  }
0xb9: {  	[spmem:s2] =	stream.indirect.scatter.add.f32 [tilespmem:s18], [sflag:$0x7], $0x10, s31, s17, $0xb8;
	[tilespmem:$0xE800] =	vst v63  }
0xba: {  	_ =	swait.ge [sflag:s14], $0x800  }
0xbb: {  	[sflag:s14] =	ssyncset.done $0x0  }
0xbc: {  	s30 =	sadd.s32 $0x200, s28;
	[sflag:s14] =	ssyncadd.s32 $0xFFFFF800  }
0xbd: {  	[tilespmem:s18], [sflag:$0x3] =	stream.indirect.gather [spmem:s3], $0x10, s30, s17, $0xb8;
	[tilespmem:$0xE800] =	vst v63  }
0xbe: {  	_ =	swait.ge [sflag:s23], $0x800  }
0xbf: {  	[sflag:s23] =	ssyncset.done $0x0  }
0xc0: {  	s31 =	sadd.s32 $0x2880, s28;
	[sflag:s23] =	ssyncadd.s32 $0xFFFFF800  }
0xc1: {  	[spmem:s2] =	stream.indirect.scatter.add.f32 [tilespmem:s19], [sflag:$0x7], $0x10, s31, s17, $0xb8;
	[tilespmem:$0xE800] =	vst v63  }
0xc2: {  	_ =	swait.ge [sflag:s14], $0x800  }
0xc3: {  	[sflag:s14] =	ssyncset.done $0x0  }
0xc4: {  	s30 =	sadd.s32 $0x280, s28;
	[sflag:s14] =	ssyncadd.s32 $0xFFFFF800  }
0xc5: {  	[tilespmem:s19], [sflag:$0x4] =	stream.indirect.gather [spmem:s3], $0x10, s30, s17, $0xb8;
	[tilespmem:$0xE800] =	vst v63  }
0xc6: {  	_ =	swait.ge [sflag:s24], $0x800  }
0xc7: {  	[sflag:s24] =	ssyncset.done $0x0  }
0xc8: {  	s31 =	sadd.s32 $0x2900, s28;
	[sflag:s24] =	ssyncadd.s32 $0xFFFFF800  }
0xc9: {  	[spmem:s2] =	stream.indirect.scatter.add.f32 [tilespmem:s20], [sflag:$0x7], $0x10, s31, s17, $0xb8;
	[tilespmem:$0xE800] =	vst v63  }
0xca: {  	_ =	swait.ge [sflag:s14], $0x800  }
0xcb: {  	[sflag:s14] =	ssyncset.done $0x0  }
0xcc: {  	s30 =	sadd.s32 $0x300, s28;
	[sflag:s14] =	ssyncadd.s32 $0xFFFFF800  }
0xcd: {  	[tilespmem:s20], [sflag:$0x5] =	stream.indirect.gather [spmem:s3], $0x10, s30, s17, $0xb8;
	[tilespmem:$0xE800] =	vst v63  }
0xce: {  	_ =	swait.ge [sflag:s25], $0x800  }
0xcf: {  	[sflag:s25] =	ssyncset.done $0x0  }
0xd0: {  	s31 =	sadd.s32 $0x2980, s28;
	[sflag:s25] =	ssyncadd.s32 $0xFFFFF800  }
0xd1: {  	[spmem:s2] =	stream.indirect.scatter.add.f32 [tilespmem:s21], [sflag:$0x7], $0x10, s31, s17, $0xb8;
	[tilespmem:$0xE800] =	vst v63  }
0xd2: {  	_ =	swait.ge [sflag:s14], $0x800  }
0xd3: {  	[sflag:s14] =	ssyncset.done $0x0  }
0xd4: {  	s30 =	sadd.s32 $0x380, s28;
	[sflag:s14] =	ssyncadd.s32 $0xFFFFF800  }
0xd5: {  	[tilespmem:s21], [sflag:$0x6] =	stream.indirect.gather [spmem:s3], $0x10, s30, s17, $0xb8;
	[tilespmem:$0xE800] =	vst v63  }
0xd6: {  	_ =	swait.ge [sflag:s22], $0x800  }
0xd7: {  	[sflag:s22] =	ssyncset.done $0x0  }
0xd8: {  	s31 =	sadd.s32 $0x2A00, s28;
	[sflag:s22] =	ssyncadd.s32 $0xFFFFF800  }
0xd9: {  	[spmem:s2] =	stream.indirect.scatter.add.f32 [tilespmem:s18], [sflag:$0x7], $0x10, s31, s17, $0xb8;
	[tilespmem:$0xE800] =	vst v63  }
0xda: {  	_ =	swait.ge [sflag:s14], $0x800  }
0xdb: {  	[sflag:s14] =	ssyncset.done $0x0  }
0xdc: {  	[sflag:s14] =	ssyncadd.s32 $0xFFFFF800  }
0xdd: {  	_ =	swait.ge [sflag:s23], $0x800  }
0xde: {  	[sflag:s23] =	ssyncset.done $0x0  }
0xdf: {  	s30 =	sadd.s32 $0x2A80, s28;
	[sflag:s23] =	ssyncadd.s32 $0xFFFFF800  }
0xe0: {  	[spmem:s2] =	stream.indirect.scatter.add.f32 [tilespmem:s19], [sflag:$0x7], $0x10, s30, s17, $0xb8;
	[tilespmem:$0xE800] =	vst v63  }
0xe1: {  	_ =	swait.ge [sflag:s14], $0x800  }
0xe2: {  	[sflag:s14] =	ssyncset.done $0x0  }
0xe3: {  	[sflag:s14] =	ssyncadd.s32 $0xFFFFF800  }
0xe4: {  	_ =	swait.ge [sflag:s24], $0x800  }
0xe5: {  	[sflag:s24] =	ssyncset.done $0x0  }
0xe6: {  	s31 =	sadd.s32 $0x2B00, s28;
	[sflag:s24] =	ssyncadd.s32 $0xFFFFF800  }
0xe7: {  	[spmem:s2] =	stream.indirect.scatter.add.f32 [tilespmem:s20], [sflag:$0x7], $0x10, s31, s17, $0xb8;
	[tilespmem:$0xE800] =	vst v63  }
0xe8: {  	_ =	swait.ge [sflag:s14], $0x800  }
0xe9: {  	[sflag:s14] =	ssyncset.done $0x0  }
0xea: {  	[sflag:s14] =	ssyncadd.s32 $0xFFFFF800  }
0xeb: {  	_ =	swait.ge [sflag:s25], $0x800  }
0xec: {  	[sflag:s25] =	ssyncset.done $0x0  }
0xed: {  	s28 =	sadd.s32 $0x2B80, s28;
	[sflag:s25] =	ssyncadd.s32 $0xFFFFF800  }
0xee: {  	[spmem:s2] =	stream.indirect.scatter.add.f32 [tilespmem:s21], [sflag:$0x7], $0x10, s28, s17, $0xb8;
	[tilespmem:$0xE800] =	vst v63  }
0xef: {  	_ =	swait.ge [sflag:s14], $0x800  }
0xf0: {  	[sflag:s14] =	ssyncset.done $0x0  }
0xf1: {  	[sflag:s14] =	ssyncadd.s32 $0xFFFFF800  }
0xf2: {  	[bflag:$0x0] =	sbarrier.arrive $0xFFFF  }
0xf3: {  	[tilespmem:s13], [sflag:$0x7] =	stream.linear.gather [spmem:s8], $0x2800, $0x38;
	[tilespmem:$0xE800] =	vst v63  }
0xf4: {  	s26 =	sadd.s32 $0x1, s26;
	_ =	swait.ge [sflag:s14], $0x2800  }
0xf5: {  	p0 =	sne.s32 s26, s11;
	[sflag:s14] =	ssyncset.done $0x0  }
.Ltmp1:
0xf6: {  	[sflag:s14] =	ssyncadd.s32 $0xFFFFD800;
	(pc) =	sbr.rel @p0 .LBB2_1-.Ltmp1, $4  }
0xf7: {  	[hbm4b:s10+s4] =	stream.linear.scatter [tilespmem:s13], [sflag:$0x7], $0x2800, $0x38;
	[tilespmem:$0xE800] =	vst v63  }
0xf8: {  	_ =	swait.ge [sflag:s14], $0x2800  }
0xf9: {  	[sflag:s14] =	ssyncset.done $0x0  }
0xfa: {  	[sflag:s14] =	ssyncadd.s32 $0xFFFFD800  }
0xfb: {  	_ =	sfence.sel $0x180000  }
0xfc: {  	[bflag:$0x0] =	sbarrier.arrive $0xFFFF  }
0xfd: {  	p0 =	sne.s32 s0, $0x0;
	_ =	strace $0x9000004A  }
0xfe: {  	s0 =	sadd.s32 @!p0 $0x100000, s1;
	[bflag:$0x2] =	sbarrier.arrive $0xFFFF  }
0xff: {  	[sflag:s0] =	ssyncadd.tile.s32 @!p0 $0x1;
	_ =	shalt  }
.Lfunc_end2:
_tile_overlayer_lowered:
.L_overlay_start_2:
0x100: {  	(tag) =	ssettag $0x2  }
0x101: {  	s0 =	rddreg [dreg:$0x0];
	s2 =	stileid.u32  }
0x102: {  	s1 =	rddreg [dreg:$0x1];
	p0 =	sne.s32 s2, $0x0  }
0x103: {  	s3 =	rddreg [dreg:$0x2];
	[bflag:$0x3] =	sbarrier.arrive $0xFFFF;
	s2 =	simm.s32 @!p0 $0x1C07  }
0x104: {  	[timem:s3], [sflag:s2] =	dma.local @!p0 [hbm:s0], s1  }
0x105: {  	s0 =	simm.s32 @!p0 $0x7  }
0x106: {  	_ =	swait.ge @!p0 [sflag:s0], s1  }
0x107: {  	s1 =	ssub.s32 @!p0 $0x0, s1;
	[sflag:s0] =	ssyncset.done @!p0 $0x0  }
0x108: {  	[sflag:s0] =	ssyncadd.s32 @!p0 s1  }
0x109: {  	[bflag:$0x3] =	sbarrier.arrive $0xFFFF  }
0x10a: {  	_ =	shalt  }

// kernel: kernel.14.cloned.1.call-start
scs
__scs_entry_jumppad:
0x0: {  	(pc) =	sbr.rel $0x88, $3  }
0x1: {  	(tag) =	ssettag $0x0;
	lr =	simm.s32 $0x1  }
0x2: {  	[smem:$0x3F99] =	sst lr;
	_ =	strace $0xD0000000  }
0x3: {  	_ = 	snop  }
0x4: {  	_ = 	snop  }
0x5: {  	_ = 	snop  }
0x6: {  	_ = 	snop  }
0x7: {  	_ = 	snop  }
__scs_overlays_trampoline_lowered:
0x8: {  	[smem:$0x3FA8] =	sst s0  }
0x9: {  	[smem:$0x3FA9] =	sst s1  }
0xa: {  	[smem:$0x3FAA] =	sst s2  }
0xb: {  	[smem:$0x3FAB] =	sst s3  }
0xc: {  	[smem:$0x3FAC] =	sst s4  }
0xd: {  	[smem:$0x3FAD] =	sst s5  }
0xe: {  	[smem:$0x3FAE] =	sst s6  }
0xf: {  	[smem:$0x3FAF] =	sst s7  }
0x10: {  	[smem:$0x3FB0] =	sst s8  }
0x11: {  	[smem:$0x3FB1] =	sst s9;
	s0 =	simm.s32 @!p0 $0x0  }
0x12: {  	s1 =	sld [smem:$0x3F97];
	s0 =	simm.s32 @p0 $0x1  }
0x13: {  	[smem:$0x3FB2] =	sst s0;
	s0 =	simm.s32 @!p1 $0x0  }
0x14: {  	s2 =	sld [smem:$0x3F96];
	s0 =	simm.s32 @p1 $0x1  }
0x15: {  	[smem:$0x3FB3] =	sst s0;
	s0 =	simm.s32 @!p2 $0x0  }
0x16: {  	s3 =	sld [smem:$0x3FDB];
	s0 =	simm.s32 @p2 $0x1  }
0x17: {  	s4 =	simm.s32 $0x1BF5;
	[smem:$0x3FB5] =	sst s0  }
0x18: {  	s0 =	sld [smem:$0x3F98];
	_ =	swait.ge [sflag:s4], $0x0  }
0x19: {  	s7 =	sld [smem:$0x3F99]  }
0x1a: {  	s8 =	sadd.s32 $0xFFFFE003, lr  }
0x1b: {  	s9 =	sadd.s32 $0xFFFFFEF7, lr;
	s5 =	simm.s32 $0xFFFFFFFF;
	p2 =	slt.u32 s8, $0xFFFFF086  }
0x1c: {  	p1 =	slt.u32 s9, $0xF7A;
	s5 =	simm.s32 @!p2 $0x0  }
0x1d: {  	s5 =	simm.s32 @p1 $0x1;
	p0 =	seq.s32 s7, s2  }
0x1e: {  	s7 =	smul.u32 @!p0 $0xF7A, s2;
	p2 =	seq.s32 @!p0 s5, $0x0  }
0x1f: {  	s9 =	smul.u32 $0xF7A, s1;
	s8 =	simm.s32 @!p0 $0x1BF5;
	p2 =	por !p2, p0  }
0x20: {  	[sflag:s8] =	ssyncset.s32 @!p0 $0xFFFFF086;
	s6 =	sadd.s32 @!p0 s3, s7;
	s7 =	simm.s32 @!p0 $0x108  }
0x21: {  	s3 =	sadd.s32 s3, s9;
	s6 =	sadd.s32 @!p0 $0x88, s6;
	s7 =	simm.s32 @p2 $0x1082  }
0x22: {  	[simem:s7], [sflag:s8] =	dma.local @!p0 [hbm:s6], $0xF7A  }
0x23: {  	s9 =	sor.u32 $0xD0000000, s2;
	s6 =	simm.s32 $0x108;
	_ =	swait.ge @!p0 [sflag:s8], $0x0  }
0x24: {  	s3 =	sadd.s32 $0x88, s3;
	s6 =	simm.s32 @!p1 $0x1082;
	[sflag:s4] =	ssyncset.s32 $0xFFFFF086  }
0x25: {  	[simem:s6], [sflag:s4] =	dma.local [hbm:s3], $0xF7A  }
0x26: {  	[smem:$0x3F99] =	sst s1;
	(tag) =	ssettag s2;
	_ =	strace s9  }
0x27: {  	s1 =	sld [smem:$0x3FA9]  }
0x28: {  	s2 =	sld [smem:$0x3FAA]  }
0x29: {  	s4 =	sld [smem:$0x3FAC]  }
0x2a: {  	p0 =	seq.s32 s5, $0x0;
	s5 =	sld [smem:$0x3FAD]  }
0x2b: {  	s6 =	sld [smem:$0x3FAE]  }
0x2c: {  	s7 =	sld [smem:$0x3FAF]  }
0x2d: {  	s3 =	simm.s32 $0x108;
	s8 =	sld [smem:$0x3FB0]  }
0x2e: {  	s3 =	simm.s32 @!p0 $0x1082;
	s9 =	sld [smem:$0x3FB1]  }
0x2f: {  	lr =	sadd.s32 s0, s3;
	s0 =	sld [smem:$0x3FA8]  }
0x30: {  	s3 =	sld [smem:$0x3FAB]  }
0x31: {  	[smem:$0x3FB4] =	sst s10  }
0x32: {  	s10 =	sld [smem:$0x3FB2];
	_ =	sdelay $0x3  }
0x33: {  	p0 =	seq.s32 s10, $0x1;
	s10 =	sld [smem:$0x3FB4];
	_ =	sdelay $0x3  }
0x34: {  	[smem:$0x3FB4] =	sst s10  }
0x35: {  	s10 =	sld [smem:$0x3FB3];
	_ =	sdelay $0x3  }
0x36: {  	p1 =	seq.s32 s10, $0x1;
	s10 =	sld [smem:$0x3FB4];
	_ =	sdelay $0x3  }
0x37: {  	[smem:$0x3FB4] =	sst s10  }
0x38: {  	s10 =	sld [smem:$0x3FB5]  }
0x39: {  	_ = 	snop;
	(pc) =	sbr.ind lr, $3  }
0x3a: {  	_ = 	snop  }
0x3b: {  	_ = 	snop  }
0x3c: {  	p2 =	seq.s32 s10, $0x1;
	s10 =	sld [smem:$0x3FB4]  }
0x3d: {  	_ =	shalt  }
0x3e: {  	_ =	shalt  }
0x3f: {  	_ =	shalt  }
0x40: {  	_ =	shalt  }
0x41: {  	_ =	shalt  }
0x42: {  	_ =	shalt  }
0x43: {  	_ =	shalt  }
0x44: {  	_ =	shalt  }
0x45: {  	_ =	shalt  }
0x46: {  	_ =	shalt  }
0x47: {  	_ =	shalt  }
0x48: {  	_ =	shalt  }
0x49: {  	_ =	shalt  }
0x4a: {  	_ =	shalt  }
0x4b: {  	_ =	shalt  }
0x4c: {  	_ =	shalt  }
0x4d: {  	_ =	shalt  }
0x4e: {  	_ =	shalt  }
0x4f: {  	_ =	shalt  }
0x50: {  	_ =	shalt  }
0x51: {  	_ =	shalt  }
0x52: {  	_ =	shalt  }
0x53: {  	_ =	shalt  }
0x54: {  	_ =	shalt  }
0x55: {  	_ =	shalt  }
0x56: {  	_ =	shalt  }
0x57: {  	_ =	shalt  }
0x58: {  	_ =	shalt  }
0x59: {  	_ =	shalt  }
0x5a: {  	_ =	shalt  }
0x5b: {  	_ =	shalt  }
0x5c: {  	_ =	shalt  }
0x5d: {  	_ =	shalt  }
0x5e: {  	_ =	shalt  }
0x5f: {  	_ =	shalt  }
0x60: {  	_ =	shalt  }
0x61: {  	_ =	shalt  }
0x62: {  	_ =	shalt  }
0x63: {  	_ =	shalt  }
0x64: {  	_ =	shalt  }
0x65: {  	_ =	shalt  }
0x66: {  	_ =	shalt  }
0x67: {  	_ =	shalt  }
0x68: {  	_ =	shalt  }
0x69: {  	_ =	shalt  }
0x6a: {  	_ =	shalt  }
0x6b: {  	_ =	shalt  }
0x6c: {  	_ =	shalt  }
0x6d: {  	_ =	shalt  }
0x6e: {  	_ =	shalt  }
0x6f: {  	_ =	shalt  }
0x70: {  	_ =	shalt  }
0x71: {  	_ =	shalt  }
0x72: {  	_ =	shalt  }
0x73: {  	_ =	shalt  }
0x74: {  	_ =	shalt  }
0x75: {  	_ =	shalt  }
0x76: {  	_ =	shalt  }
0x77: {  	_ =	shalt  }
0x78: {  	_ =	shalt  }
0x79: {  	_ =	shalt  }
0x7a: {  	_ =	shalt  }
0x7b: {  	_ =	shalt  }
0x7c: {  	_ =	shalt  }
0x7d: {  	_ =	shalt  }
0x7e: {  	_ =	shalt  }
0x7f: {  	_ =	shalt  }
0x80: {  	_ =	shalt  }
0x81: {  	_ =	shalt  }
0x82: {  	_ =	shalt  }
0x83: {  	_ =	shalt  }
0x84: {  	_ =	shalt  }
0x85: {  	_ =	shalt  }
0x86: {  	_ =	shalt  }
0x87: {  	_ =	shalt  }
.Lfunc_end0:
.L_simem_size_0:
called_computation.2_lowered:
.L_overlay_start_0:
0x88: {  	s2 =	sld [smem:$0x3FD9]  }
0x89: {  	s3 =	sld [smem:$0x3FFE];
	_ =	sdelay $0x1  }
0x8a: {  	s1 =	srdreg.scid  }
0x8b: {  	s0 =	sand.u32 $0x1, s1  }
0x8c: {  	s16 =	sshll.u32 s0, $0xA;
	s2 =	sadd.s32 s3, s2  }
0x8d: {  	s2 =	sadd.s32 s2, s16  }
0x8e: {  	[smem:$0x3FC0] =	sst s2  }
0x8f: {  	_ = 	snop  }
0x90: {  	(tm) =	ssettm $0x1  }
0x91: {  	s17 =	sld [smem:$0x3FFB];
	_ =	sdelay $0x3  }
0x92: {  	_ =	strace s17  }
0x93: {  	s2 =	sld [smem:$0x3FFC];
	_ =	sdelay $0x3  }
0x94: {  	_ =	strace s2  }
0x95: {  	s2 =	sld [smem:$0x3FFD];
	_ =	sdelay $0x3  }
0x96: {  	_ =	strace s2  }
0x97: {  	_ =	strace $0x8FFFFFFF  }
0x98: {  	s18 =	sld [smem:$0x3FDB];
	_ =	sdelay $0x1  }
0x99: {  	s19 =	simm.s32 $_scs_section_size  }
0x9a: {  	s4 =	simm.s32 $_size__tile_overlayer_lowered;
	s5 =	simm.s32 $_tile_overlayer_lowered  }
0x9b: {  	s22 =	simm.s32 $0x1BFF;
	s21 =	sshll.u32 s5, $0x1;
	s2 =	sadd.s32 s19, s18  }
0x9c: {  	s6 =	simm.s32 $0x0;
	s20 =	sshll.u32 s4, $0x1;
	s4 =	sadd.s32 s21, s2  }
0x9d: {  	[timem:s6], [sflag:s22] =	dma.local [hbm:s4], s20  }
0x9e: {  	_ =	swait.ge [sflag:s22], s20  }
0x9f: {  	s3 =	ssub.s32 $0x0, s20;
	[sflag:s22] =	ssyncset.done $0x0  }
0xa0: {  	[sflag:s22] =	ssyncadd.s32 s3;
	_ =	sdelay $0x1  }
0xa1: {  	s23 =	simm.s32 $0x1B8B  }
0xa2: {  	_ =	swait.ge [sflag:s23], $0x1  }
0xa3: {  	[sflag:s23] =	ssyncset.done $0x0  }
0xa4: {  	s25 =	simm.s32 $0x1B8E;
	s24 =	sld [smem:$0x3FFE];
	[sflag:s23] =	ssyncadd.s32 $0xFFFFFFFF  }
0xa5: {  	s26 =	simm.s32 $execute0_lowered;
	[smem:$0x3FD2] =	sst s25  }
0xa6: {  	s4 =	sshll.u32 s26, $0x1;
	_ =	strace $0x8000004C;
	[dreg:$0x1] =	wrdreg $0xFFFFFFFF  }
0xa7: {  	s28 =	simm.s32 $_size_execute0_lowered;
	s2 =	sadd.s32 s2, s4;
	[dreg:$0x0] =	wrdreg $0x0  }
0xa8: {  	s4 =	sshll.u32 s28, $0x1;
	[dreg:$0x2] =	wrdreg s2  }
0xa9: {  	[dreg:$0x3] =	wrdreg s4  }
0xaa: {  	[dreg:$0x4] =	wrdreg $0xC0  }
0xab: {  	_ =	task [dreg:s6], $0x5FFFF  }
0xac: {  	[dreg:$0x1] =	wrdreg $0xFFFFFFFF  }
0xad: {  	[dreg:$0x0] =	wrdreg $0x60  }
0xae: {  	[dreg:$0x2] =	wrdreg s24  }
0xaf: {  	[dreg:$0x3] =	wrdreg $0x98000  }
0xb0: {  	[dreg:$0x4] =	wrdreg $0xC0000  }
0xb1: {  	[dreg:$0x5] =	wrdreg $0x9  }
0xb2: {  	_ =	task.clear_ibuf [dreg:s6], $0x6FFFF;
	_ =	strace $0x9000004C  }
0xb3: {  	s29 =	simm.s32 $0x9;
	_ =	strace $0x8000004E  }
0xb4: {  	_ =	swait.ge [sflag:s29], $0x1  }
0xb5: {  	[sflag:s29] =	ssyncadd.s32 $0xFFFFFFFF  }
0xb6: {  	_ =	strace $0x9000004E  }
0xb7: {  	_ =	sfence  }
0xb8: {  	s30 =	sld [smem:$0x0];
	_ =	sdelay $0x2  }
0xb9: {  	s31 =	sshll.u32 s1, $0xD;
	s1 =	sshrl.u32 s1, $0x2  }
0xba: {  	s3 =	sand.u32 $0x4000, s31;
	s1 =	sadd.s32 s1, s30  }
0xbb: {  	s0 =	sor.u32 s3, s0;
	s1 =	sshll.u32 s1, $0x11  }
0xbc: {  	s0 =	sor.u32 s1, s0  }
0xbd: {  	s0 =	sadd.s32 $0x8F2B, s0  }
0xbe: {  	[sflag:s0] =	ssyncadd.remote.s32 $0x1  }
0xbf: {  	_ =	sfence.sel $0xFFFF  }
0xc0: {  	[dreg:$0x0] =	wrdreg $0xFFFFFFFF;
	(pc) =	sbr.abs _section_cstart, $3  }
0xc1: {  	[dreg:$0x1] =	wrdreg $0xFFFFFFFF  }
0xc2: {  	_ =	task.clear_ibuf [dreg:s6], $0x2FFFF;
	_ =	strace $0x9FFFFFFF  }
0xc3: {  	(tm) =	ssettm $0x7FFFFFFF  }
tec
execute0_lowered:
.L_overlay_start_1:
0x0: {  	(tag) =	ssettag $0x1  }
0x1: {  	s1 =	srdreg.scid;
	s5 =	rddreg [dreg:$0x0]  }
0x2: {  	s0 =	stileid.u32;
	s2 =	rddreg [dreg:$0x1]  }
0x3: {  	s3 =	rddreg [dreg:$0x2];
	s4 =	simm.s32 $0x0;
	s14 =	simm.s32 $0x7  }
0x4: {  	s15 =	simm.s32 $0x1;
	s16 =	simm.s32 $0x2;
	s17 =	simm.s32 $0x80  }
0x5: {  	s18 =	simm.s32 $0x5000;
	s19 =	simm.s32 $0x5800;
	s20 =	simm.s32 $0x6000  }
0x6: {  	s21 =	simm.s32 $0x6800;
	s22 =	simm.s32 $0x3;
	s23 =	simm.s32 $0x4  }
0x7: {  	s24 =	simm.s32 $0x5;
	s25 =	simm.s32 $0x6;
	s9 =	smul.u32 $0x2800, s0  }
0x8: {  	s6 =	sand.u32 $0x1, s1;
	s30 =	sshll.u32 s0, $0x1;
	s8 =	smul.u32 $0x500, s0  }
0x9: {  	s26 =	simm.s32 $0x0;
	s1 =	sor.u32 s6, s30;
	s10 =	smul.u32 $0x5000, s6  }
0xa: {  	[smem:$0x7FF] =	sst s4;
	s6 =	ssub.s32 $0x2, s6;
	s7 =	smul.u32 $0x500, s1  }
0xb: {  	s1 =	rddreg [dreg:$0x3];
	_ =	strace $0x8000004D;
	s11 =	sshrl.u32 s9, $0x3  }
0xc: {  	s31 =	sshrl.u32 s6, $0x1;
	s11 =	sadd.s32 s11, s5;
	s8 =	sadd.s32 s8, s10  }
0xd: {  	s13 =	ssub.s32 s6, s31;
	s7 =	sadd.s32 s7, s5;
	s12 =	sadd.s32 s8, s5  }
0xe: {  	s8 =	sadd.s32 s9, s2;
	s9 =	sadd.s32 s9, s3;
	s5 =	sadd.s32 $0xC400, s7  }
0xf: {  	s6 =	sadd.s32 $0x1A00, s7;
	s7 =	sadd.s32 $0x16400, s11;
	s10 =	sadd.s32 $0x1B400, s12  }
0x10: {  	s11 =	smax.u32 s13, $0x1;
	s12 =	simm.s32 $0x2800;
	s13 =	simm.s32 $0x7000  }
.LBB2_1:
0x11: {  	[tilespmem:s4], [sflag:$0x1] =	stream.linear.gather [hbm4b:s5+s4], $0x2800, $0x38;
	[tilespmem:$0xE800] =	vst v63  }
0x12: {  	_ = 	snop  }
0x13: {  	[tilespmem:s12], [sflag:$0x2] =	stream.linear.gather [hbm4b:s6+s4], $0x2800, $0x38;
	[tilespmem:$0xE800] =	vst v63  }
0x14: {  	_ = 	snop  }
0x15: {  	[tilespmem:s13], [sflag:$0x7] =	stream.linear.gather [hbm4b:s7+s4], $0x2800, $0x38;
	[tilespmem:$0xE800] =	vst v63  }
0x16: {  	_ =	swait.ge [sflag:s14], $0x2800  }
0x17: {  	[sflag:s14] =	ssyncset.done $0x0  }
0x18: {  	[sflag:s14] =	ssyncadd.s32 $0xFFFFD800  }
0x19: {  	[spmem:s8] =	stream.linear.scatter [tilespmem:s13], [sflag:$0x7], $0x2800, $0x38;
	[tilespmem:$0xE800] =	vst v63  }
0x1a: {  	_ =	swait.ge [sflag:s14], $0x2800  }
0x1b: {  	[sflag:s14] =	ssyncset.done $0x0  }
0x1c: {  	[sflag:s14] =	ssyncadd.s32 $0xFFFFD800  }
0x1d: {  	[spmem:s9] =	stream.linear.scatter [tilespmem:s13], [sflag:$0x7], $0x2800, $0x38;
	[tilespmem:$0xE800] =	vst v63  }
0x1e: {  	_ =	swait.ge [sflag:s14], $0x2800  }
0x1f: {  	[sflag:s14] =	ssyncset.done $0x0  }
0x20: {  	[sflag:s14] =	ssyncadd.s32 $0xFFFFD800  }
0x21: {  	_ =	swait.ge [sflag:s15], $0x2800  }
0x22: {  	[sflag:s15] =	ssyncset.done $0x0  }
0x23: {  	[sflag:s15] =	ssyncadd.s32 $0xFFFFD800  }
0x24: {  	_ =	swait.ge [sflag:s16], $0x2800  }
0x25: {  	[sflag:s16] =	ssyncset.done $0x0  }
0x26: {  	[sflag:s16] =	ssyncadd.s32 $0xFFFFD800  }
0x27: {  	s28 =	simm.s32 $0x0;
	[bflag:$0x0] =	sbarrier.arrive $0xFFFF  }
0x28: {  	[tilespmem:s18], [sflag:$0x3] =	stream.indirect.gather [spmem:s3], $0x10, s28, s17, $0xb8;
	[tilespmem:$0xE800] =	vst v63  }
0x29: {  	s28 =	simm.s32 $0x80  }
0x2a: {  	[tilespmem:s19], [sflag:$0x4] =	stream.indirect.gather [spmem:s3], $0x10, s28, s17, $0xb8;
	[tilespmem:$0xE800] =	vst v63  }
0x2b: {  	s28 =	simm.s32 $0x100  }
0x2c: {  	[tilespmem:s20], [sflag:$0x5] =	stream.indirect.gather [spmem:s3], $0x10, s28, s17, $0xb8;
	[tilespmem:$0xE800] =	vst v63  }
0x2d: {  	s28 =	simm.s32 $0x180  }
0x2e: {  	[tilespmem:s21], [sflag:$0x6] =	stream.indirect.gather [spmem:s3], $0x10, s28, s17, $0xb8;
	[tilespmem:$0xE800] =	vst v63  }
0x2f: {  	_ =	swait.ge [sflag:s22], $0x800  }
0x30: {  	[sflag:s22] =	ssyncset.done $0x0  }
0x31: {  	s28 =	simm.s32 $0x2800;
	[sflag:s22] =	ssyncadd.s32 $0xFFFFF800  }
0x32: {  	[spmem:s2] =	stream.indirect.scatter.add.f32 [tilespmem:s18], [sflag:$0x7], $0x10, s28, s17, $0xb8;
	[tilespmem:$0xE800] =	vst v63  }
0x33: {  	_ =	swait.ge [sflag:s14], $0x800  }
0x34: {  	[sflag:s14] =	ssyncset.done $0x0  }
0x35: {  	s28 =	simm.s32 $0x200;
	[sflag:s14] =	ssyncadd.s32 $0xFFFFF800  }
0x36: {  	[tilespmem:s18], [sflag:$0x3] =	stream.indirect.gather [spmem:s3], $0x10, s28, s17, $0xb8;
	[tilespmem:$0xE800] =	vst v63  }
0x37: {  	_ =	swait.ge [sflag:s23], $0x800  }
0x38: {  	[sflag:s23] =	ssyncset.done $0x0  }
0x39: {  	s28 =	simm.s32 $0x2880;
	[sflag:s23] =	ssyncadd.s32 $0xFFFFF800  }
0x3a: {  	[spmem:s2] =	stream.indirect.scatter.add.f32 [tilespmem:s19], [sflag:$0x7], $0x10, s28, s17, $0xb8;
	[tilespmem:$0xE800] =	vst v63  }
0x3b: {  	_ =	swait.ge [sflag:s14], $0x800  }
0x3c: {  	[sflag:s14] =	ssyncset.done $0x0  }
0x3d: {  	s28 =	simm.s32 $0x280;
	[sflag:s14] =	ssyncadd.s32 $0xFFFFF800  }
0x3e: {  	[tilespmem:s19], [sflag:$0x4] =	stream.indirect.gather [spmem:s3], $0x10, s28, s17, $0xb8;
	[tilespmem:$0xE800] =	vst v63  }
0x3f: {  	_ =	swait.ge [sflag:s24], $0x800  }
0x40: {  	[sflag:s24] =	ssyncset.done $0x0  }
0x41: {  	s28 =	simm.s32 $0x2900;
	[sflag:s24] =	ssyncadd.s32 $0xFFFFF800  }
0x42: {  	[spmem:s2] =	stream.indirect.scatter.add.f32 [tilespmem:s20], [sflag:$0x7], $0x10, s28, s17, $0xb8;
	[tilespmem:$0xE800] =	vst v63  }
0x43: {  	_ =	swait.ge [sflag:s14], $0x800  }
0x44: {  	[sflag:s14] =	ssyncset.done $0x0  }
0x45: {  	s28 =	simm.s32 $0x300;
	[sflag:s14] =	ssyncadd.s32 $0xFFFFF800  }
0x46: {  	[tilespmem:s20], [sflag:$0x5] =	stream.indirect.gather [spmem:s3], $0x10, s28, s17, $0xb8;
	[tilespmem:$0xE800] =	vst v63  }
0x47: {  	_ =	swait.ge [sflag:s25], $0x800  }
0x48: {  	[sflag:s25] =	ssyncset.done $0x0  }
0x49: {  	s28 =	simm.s32 $0x2980;
	[sflag:s25] =	ssyncadd.s32 $0xFFFFF800  }
0x4a: {  	[spmem:s2] =	stream.indirect.scatter.add.f32 [tilespmem:s21], [sflag:$0x7], $0x10, s28, s17, $0xb8;
	[tilespmem:$0xE800] =	vst v63  }
0x4b: {  	_ =	swait.ge [sflag:s14], $0x800  }
0x4c: {  	[sflag:s14] =	ssyncset.done $0x0  }
0x4d: {  	s28 =	simm.s32 $0x380;
	[sflag:s14] =	ssyncadd.s32 $0xFFFFF800  }
0x4e: {  	[tilespmem:s21], [sflag:$0x6] =	stream.indirect.gather [spmem:s3], $0x10, s28, s17, $0xb8;
	[tilespmem:$0xE800] =	vst v63  }
0x4f: {  	_ =	swait.ge [sflag:s22], $0x800  }
0x50: {  	[sflag:s22] =	ssyncset.done $0x0  }
0x51: {  	s28 =	simm.s32 $0x2A00;
	[sflag:s22] =	ssyncadd.s32 $0xFFFFF800  }
0x52: {  	[spmem:s2] =	stream.indirect.scatter.add.f32 [tilespmem:s18], [sflag:$0x7], $0x10, s28, s17, $0xb8;
	[tilespmem:$0xE800] =	vst v63  }
0x53: {  	_ =	swait.ge [sflag:s14], $0x800  }
0x54: {  	[sflag:s14] =	ssyncset.done $0x0  }
0x55: {  	[sflag:s14] =	ssyncadd.s32 $0xFFFFF800  }
0x56: {  	_ =	swait.ge [sflag:s23], $0x800  }
0x57: {  	[sflag:s23] =	ssyncset.done $0x0  }
0x58: {  	s28 =	simm.s32 $0x2A80;
	[sflag:s23] =	ssyncadd.s32 $0xFFFFF800  }
0x59: {  	[spmem:s2] =	stream.indirect.scatter.add.f32 [tilespmem:s19], [sflag:$0x7], $0x10, s28, s17, $0xb8;
	[tilespmem:$0xE800] =	vst v63  }
0x5a: {  	_ =	swait.ge [sflag:s14], $0x800  }
0x5b: {  	[sflag:s14] =	ssyncset.done $0x0  }
0x5c: {  	[sflag:s14] =	ssyncadd.s32 $0xFFFFF800  }
0x5d: {  	_ =	swait.ge [sflag:s24], $0x800  }
0x5e: {  	[sflag:s24] =	ssyncset.done $0x0  }
0x5f: {  	s28 =	simm.s32 $0x2B00;
	[sflag:s24] =	ssyncadd.s32 $0xFFFFF800  }
0x60: {  	[spmem:s2] =	stream.indirect.scatter.add.f32 [tilespmem:s20], [sflag:$0x7], $0x10, s28, s17, $0xb8;
	[tilespmem:$0xE800] =	vst v63  }
0x61: {  	_ =	swait.ge [sflag:s14], $0x800  }
0x62: {  	[sflag:s14] =	ssyncset.done $0x0  }
0x63: {  	[sflag:s14] =	ssyncadd.s32 $0xFFFFF800  }
0x64: {  	_ =	swait.ge [sflag:s25], $0x800  }
0x65: {  	[sflag:s25] =	ssyncset.done $0x0  }
0x66: {  	s28 =	simm.s32 $0x2B80;
	[sflag:s25] =	ssyncadd.s32 $0xFFFFF800  }
0x67: {  	[spmem:s2] =	stream.indirect.scatter.add.f32 [tilespmem:s21], [sflag:$0x7], $0x10, s28, s17, $0xb8;
	[tilespmem:$0xE800] =	vst v63  }
0x68: {  	_ =	swait.ge [sflag:s14], $0x800  }
0x69: {  	s31 =	simm.s32 $0x2000;
	s28 =	simm.s32 $0x1000;
	[sflag:s14] =	ssyncset.done $0x0  }
.LBB2_2:
0x6a: {  	s30 =	sshra.s32 s28, $0x2  }
0x6b: {  	[sflag:s14] =	ssyncadd.s32 $0xFFFFF800;
	s28 =	smov.u32 s31;
	s29 =	sadd.s32 $0x1000, s31  }
0x6c: {  	[tilespmem:s18], [sflag:$0x3] =	stream.indirect.gather [spmem:s3], $0x10, s30, s17, $0xb8;
	[tilespmem:$0xE800] =	vst v63  }
0x6d: {  	p0 =	sne.s32 s31, $0x9000;
	s31 =	sadd.s32 $0x80, s30  }
0x6e: {  	[tilespmem:s19], [sflag:$0x4] =	stream.indirect.gather [spmem:s3], $0x10, s31, s17, $0xb8;
	[tilespmem:$0xE800] =	vst v63  }
0x6f: {  	s31 =	sadd.s32 $0x100, s30  }
0x70: {  	[tilespmem:s20], [sflag:$0x5] =	stream.indirect.gather [spmem:s3], $0x10, s31, s17, $0xb8;
	[tilespmem:$0xE800] =	vst v63  }
0x71: {  	s31 =	sadd.s32 $0x180, s30  }
0x72: {  	[tilespmem:s21], [sflag:$0x6] =	stream.indirect.gather [spmem:s3], $0x10, s31, s17, $0xb8;
	[tilespmem:$0xE800] =	vst v63  }
0x73: {  	_ =	swait.ge [sflag:s22], $0x800  }
0x74: {  	[sflag:s22] =	ssyncset.done $0x0  }
0x75: {  	s31 =	sadd.s32 $0x2800, s30;
	[sflag:s22] =	ssyncadd.s32 $0xFFFFF800  }
0x76: {  	[spmem:s2] =	stream.indirect.scatter.add.f32 [tilespmem:s18], [sflag:$0x7], $0x10, s31, s17, $0xb8;
	[tilespmem:$0xE800] =	vst v63  }
0x77: {  	_ =	swait.ge [sflag:s14], $0x800  }
0x78: {  	[sflag:s14] =	ssyncset.done $0x0  }
0x79: {  	s31 =	sadd.s32 $0x200, s30;
	[sflag:s14] =	ssyncadd.s32 $0xFFFFF800  }
0x7a: {  	[tilespmem:s18], [sflag:$0x3] =	stream.indirect.gather [spmem:s3], $0x10, s31, s17, $0xb8;
	[tilespmem:$0xE800] =	vst v63  }
0x7b: {  	_ =	swait.ge [sflag:s23], $0x800  }
0x7c: {  	[sflag:s23] =	ssyncset.done $0x0  }
0x7d: {  	s31 =	sadd.s32 $0x2880, s30;
	[sflag:s23] =	ssyncadd.s32 $0xFFFFF800  }
0x7e: {  	[spmem:s2] =	stream.indirect.scatter.add.f32 [tilespmem:s19], [sflag:$0x7], $0x10, s31, s17, $0xb8;
	[tilespmem:$0xE800] =	vst v63  }
0x7f: {  	_ =	swait.ge [sflag:s14], $0x800  }
0x80: {  	[sflag:s14] =	ssyncset.done $0x0  }
0x81: {  	s31 =	sadd.s32 $0x280, s30;
	[sflag:s14] =	ssyncadd.s32 $0xFFFFF800  }
0x82: {  	[tilespmem:s19], [sflag:$0x4] =	stream.indirect.gather [spmem:s3], $0x10, s31, s17, $0xb8;
	[tilespmem:$0xE800] =	vst v63  }
0x83: {  	_ =	swait.ge [sflag:s24], $0x800  }
0x84: {  	[sflag:s24] =	ssyncset.done $0x0  }
0x85: {  	s31 =	sadd.s32 $0x2900, s30;
	[sflag:s24] =	ssyncadd.s32 $0xFFFFF800  }
0x86: {  	[spmem:s2] =	stream.indirect.scatter.add.f32 [tilespmem:s20], [sflag:$0x7], $0x10, s31, s17, $0xb8;
	[tilespmem:$0xE800] =	vst v63  }
0x87: {  	_ =	swait.ge [sflag:s14], $0x800  }
0x88: {  	[sflag:s14] =	ssyncset.done $0x0  }
0x89: {  	s31 =	sadd.s32 $0x300, s30;
	[sflag:s14] =	ssyncadd.s32 $0xFFFFF800  }
0x8a: {  	[tilespmem:s20], [sflag:$0x5] =	stream.indirect.gather [spmem:s3], $0x10, s31, s17, $0xb8;
	[tilespmem:$0xE800] =	vst v63  }
0x8b: {  	_ =	swait.ge [sflag:s25], $0x800  }
0x8c: {  	[sflag:s25] =	ssyncset.done $0x0  }
0x8d: {  	s31 =	sadd.s32 $0x2980, s30;
	[sflag:s25] =	ssyncadd.s32 $0xFFFFF800  }
0x8e: {  	[spmem:s2] =	stream.indirect.scatter.add.f32 [tilespmem:s21], [sflag:$0x7], $0x10, s31, s17, $0xb8;
	[tilespmem:$0xE800] =	vst v63  }
0x8f: {  	_ =	swait.ge [sflag:s14], $0x800  }
0x90: {  	[sflag:s14] =	ssyncset.done $0x0  }
0x91: {  	s31 =	sadd.s32 $0x380, s30;
	[sflag:s14] =	ssyncadd.s32 $0xFFFFF800  }
0x92: {  	[tilespmem:s21], [sflag:$0x6] =	stream.indirect.gather [spmem:s3], $0x10, s31, s17, $0xb8;
	[tilespmem:$0xE800] =	vst v63  }
0x93: {  	_ =	swait.ge [sflag:s22], $0x800  }
0x94: {  	[sflag:s22] =	ssyncset.done $0x0  }
0x95: {  	s31 =	sadd.s32 $0x2A00, s30;
	[sflag:s22] =	ssyncadd.s32 $0xFFFFF800  }
0x96: {  	[spmem:s2] =	stream.indirect.scatter.add.f32 [tilespmem:s18], [sflag:$0x7], $0x10, s31, s17, $0xb8;
	[tilespmem:$0xE800] =	vst v63  }
0x97: {  	_ =	swait.ge [sflag:s14], $0x800  }
0x98: {  	[sflag:s14] =	ssyncset.done $0x0  }
0x99: {  	[sflag:s14] =	ssyncadd.s32 $0xFFFFF800  }
0x9a: {  	_ =	swait.ge [sflag:s23], $0x800  }
0x9b: {  	[sflag:s23] =	ssyncset.done $0x0  }
0x9c: {  	s31 =	sadd.s32 $0x2A80, s30;
	[sflag:s23] =	ssyncadd.s32 $0xFFFFF800  }
0x9d: {  	[spmem:s2] =	stream.indirect.scatter.add.f32 [tilespmem:s19], [sflag:$0x7], $0x10, s31, s17, $0xb8;
	[tilespmem:$0xE800] =	vst v63  }
0x9e: {  	_ =	swait.ge [sflag:s14], $0x800  }
0x9f: {  	[sflag:s14] =	ssyncset.done $0x0  }
0xa0: {  	[sflag:s14] =	ssyncadd.s32 $0xFFFFF800  }
0xa1: {  	_ =	swait.ge [sflag:s24], $0x800  }
0xa2: {  	[sflag:s24] =	ssyncset.done $0x0  }
0xa3: {  	s31 =	sadd.s32 $0x2B00, s30;
	[sflag:s24] =	ssyncadd.s32 $0xFFFFF800  }
0xa4: {  	[spmem:s2] =	stream.indirect.scatter.add.f32 [tilespmem:s20], [sflag:$0x7], $0x10, s31, s17, $0xb8;
	[tilespmem:$0xE800] =	vst v63  }
0xa5: {  	_ =	swait.ge [sflag:s14], $0x800  }
0xa6: {  	[sflag:s14] =	ssyncset.done $0x0  }
0xa7: {  	[sflag:s14] =	ssyncadd.s32 $0xFFFFF800  }
0xa8: {  	_ =	swait.ge [sflag:s25], $0x800  }
.Ltmp0:
0xa9: {  	[sflag:s25] =	ssyncset.done $0x0;
	(pc) =	sbr.rel @p0 .LBB2_2-.Ltmp0, $4  }
0xaa: {  	s30 =	sadd.s32 $0x2B80, s30;
	[sflag:s25] =	ssyncadd.s32 $0xFFFFF800  }
0xab: {  	[spmem:s2] =	stream.indirect.scatter.add.f32 [tilespmem:s21], [sflag:$0x7], $0x10, s30, s17, $0xb8;
	[tilespmem:$0xE800] =	vst v63  }
0xac: {  	_ =	swait.ge [sflag:s14], $0x800  }
0xad: {  	s31 =	smov.u32 s29;
	[sflag:s14] =	ssyncset.done $0x0  }
0xae: {  	s28 =	sshra.s32 s28, $0x2;
	[sflag:s14] =	ssyncadd.s32 $0xFFFFF800  }
0xaf: {  	[tilespmem:s18], [sflag:$0x3] =	stream.indirect.gather [spmem:s3], $0x10, s28, s17, $0xb8;
	[tilespmem:$0xE800] =	vst v63  }
0xb0: {  	s29 =	sadd.s32 $0x80, s28  }
0xb1: {  	[tilespmem:s19], [sflag:$0x4] =	stream.indirect.gather [spmem:s3], $0x10, s29, s17, $0xb8;
	[tilespmem:$0xE800] =	vst v63  }
0xb2: {  	s31 =	sadd.s32 $0x100, s28  }
0xb3: {  	[tilespmem:s20], [sflag:$0x5] =	stream.indirect.gather [spmem:s3], $0x10, s31, s17, $0xb8;
	[tilespmem:$0xE800] =	vst v63  }
0xb4: {  	s30 =	sadd.s32 $0x180, s28  }
0xb5: {  	[tilespmem:s21], [sflag:$0x6] =	stream.indirect.gather [spmem:s3], $0x10, s30, s17, $0xb8;
	[tilespmem:$0xE800] =	vst v63  }
0xb6: {  	_ =	swait.ge [sflag:s22], $0x800  }
0xb7: {  	[sflag:s22] =	ssyncset.done $0x0  }
0xb8: {  	s31 =	sadd.s32 $0x2800, s28;
	[sflag:s22] =	ssyncadd.s32 $0xFFFFF800  }
0xb9: {  	[spmem:s2] =	stream.indirect.scatter.add.f32 [tilespmem:s18], [sflag:$0x7], $0x10, s31, s17, $0xb8;
	[tilespmem:$0xE800] =	vst v63  }
0xba: {  	_ =	swait.ge [sflag:s14], $0x800  }
0xbb: {  	[sflag:s14] =	ssyncset.done $0x0  }
0xbc: {  	s30 =	sadd.s32 $0x200, s28;
	[sflag:s14] =	ssyncadd.s32 $0xFFFFF800  }
0xbd: {  	[tilespmem:s18], [sflag:$0x3] =	stream.indirect.gather [spmem:s3], $0x10, s30, s17, $0xb8;
	[tilespmem:$0xE800] =	vst v63  }
0xbe: {  	_ =	swait.ge [sflag:s23], $0x800  }
0xbf: {  	[sflag:s23] =	ssyncset.done $0x0  }
0xc0: {  	s31 =	sadd.s32 $0x2880, s28;
	[sflag:s23] =	ssyncadd.s32 $0xFFFFF800  }
0xc1: {  	[spmem:s2] =	stream.indirect.scatter.add.f32 [tilespmem:s19], [sflag:$0x7], $0x10, s31, s17, $0xb8;
	[tilespmem:$0xE800] =	vst v63  }
0xc2: {  	_ =	swait.ge [sflag:s14], $0x800  }
0xc3: {  	[sflag:s14] =	ssyncset.done $0x0  }
0xc4: {  	s30 =	sadd.s32 $0x280, s28;
	[sflag:s14] =	ssyncadd.s32 $0xFFFFF800  }
0xc5: {  	[tilespmem:s19], [sflag:$0x4] =	stream.indirect.gather [spmem:s3], $0x10, s30, s17, $0xb8;
	[tilespmem:$0xE800] =	vst v63  }
0xc6: {  	_ =	swait.ge [sflag:s24], $0x800  }
0xc7: {  	[sflag:s24] =	ssyncset.done $0x0  }
0xc8: {  	s31 =	sadd.s32 $0x2900, s28;
	[sflag:s24] =	ssyncadd.s32 $0xFFFFF800  }
0xc9: {  	[spmem:s2] =	stream.indirect.scatter.add.f32 [tilespmem:s20], [sflag:$0x7], $0x10, s31, s17, $0xb8;
	[tilespmem:$0xE800] =	vst v63  }
0xca: {  	_ =	swait.ge [sflag:s14], $0x800  }
0xcb: {  	[sflag:s14] =	ssyncset.done $0x0  }
0xcc: {  	s30 =	sadd.s32 $0x300, s28;
	[sflag:s14] =	ssyncadd.s32 $0xFFFFF800  }
0xcd: {  	[tilespmem:s20], [sflag:$0x5] =	stream.indirect.gather [spmem:s3], $0x10, s30, s17, $0xb8;
	[tilespmem:$0xE800] =	vst v63  }
0xce: {  	_ =	swait.ge [sflag:s25], $0x800  }
0xcf: {  	[sflag:s25] =	ssyncset.done $0x0  }
0xd0: {  	s31 =	sadd.s32 $0x2980, s28;
	[sflag:s25] =	ssyncadd.s32 $0xFFFFF800  }
0xd1: {  	[spmem:s2] =	stream.indirect.scatter.add.f32 [tilespmem:s21], [sflag:$0x7], $0x10, s31, s17, $0xb8;
	[tilespmem:$0xE800] =	vst v63  }
0xd2: {  	_ =	swait.ge [sflag:s14], $0x800  }
0xd3: {  	[sflag:s14] =	ssyncset.done $0x0  }
0xd4: {  	s30 =	sadd.s32 $0x380, s28;
	[sflag:s14] =	ssyncadd.s32 $0xFFFFF800  }
0xd5: {  	[tilespmem:s21], [sflag:$0x6] =	stream.indirect.gather [spmem:s3], $0x10, s30, s17, $0xb8;
	[tilespmem:$0xE800] =	vst v63  }
0xd6: {  	_ =	swait.ge [sflag:s22], $0x800  }
0xd7: {  	[sflag:s22] =	ssyncset.done $0x0  }
0xd8: {  	s31 =	sadd.s32 $0x2A00, s28;
	[sflag:s22] =	ssyncadd.s32 $0xFFFFF800  }
0xd9: {  	[spmem:s2] =	stream.indirect.scatter.add.f32 [tilespmem:s18], [sflag:$0x7], $0x10, s31, s17, $0xb8;
	[tilespmem:$0xE800] =	vst v63  }
0xda: {  	_ =	swait.ge [sflag:s14], $0x800  }
0xdb: {  	[sflag:s14] =	ssyncset.done $0x0  }
0xdc: {  	[sflag:s14] =	ssyncadd.s32 $0xFFFFF800  }
0xdd: {  	_ =	swait.ge [sflag:s23], $0x800  }
0xde: {  	[sflag:s23] =	ssyncset.done $0x0  }
0xdf: {  	s30 =	sadd.s32 $0x2A80, s28;
	[sflag:s23] =	ssyncadd.s32 $0xFFFFF800  }
0xe0: {  	[spmem:s2] =	stream.indirect.scatter.add.f32 [tilespmem:s19], [sflag:$0x7], $0x10, s30, s17, $0xb8;
	[tilespmem:$0xE800] =	vst v63  }
0xe1: {  	_ =	swait.ge [sflag:s14], $0x800  }
0xe2: {  	[sflag:s14] =	ssyncset.done $0x0  }
0xe3: {  	[sflag:s14] =	ssyncadd.s32 $0xFFFFF800  }
0xe4: {  	_ =	swait.ge [sflag:s24], $0x800  }
0xe5: {  	[sflag:s24] =	ssyncset.done $0x0  }
0xe6: {  	s31 =	sadd.s32 $0x2B00, s28;
	[sflag:s24] =	ssyncadd.s32 $0xFFFFF800  }
0xe7: {  	[spmem:s2] =	stream.indirect.scatter.add.f32 [tilespmem:s20], [sflag:$0x7], $0x10, s31, s17, $0xb8;
	[tilespmem:$0xE800] =	vst v63  }
0xe8: {  	_ =	swait.ge [sflag:s14], $0x800  }
0xe9: {  	[sflag:s14] =	ssyncset.done $0x0  }
0xea: {  	[sflag:s14] =	ssyncadd.s32 $0xFFFFF800  }
0xeb: {  	_ =	swait.ge [sflag:s25], $0x800  }
0xec: {  	[sflag:s25] =	ssyncset.done $0x0  }
0xed: {  	s28 =	sadd.s32 $0x2B80, s28;
	[sflag:s25] =	ssyncadd.s32 $0xFFFFF800  }
0xee: {  	[spmem:s2] =	stream.indirect.scatter.add.f32 [tilespmem:s21], [sflag:$0x7], $0x10, s28, s17, $0xb8;
	[tilespmem:$0xE800] =	vst v63  }
0xef: {  	_ =	swait.ge [sflag:s14], $0x800  }
0xf0: {  	[sflag:s14] =	ssyncset.done $0x0  }
0xf1: {  	[sflag:s14] =	ssyncadd.s32 $0xFFFFF800  }
0xf2: {  	[bflag:$0x0] =	sbarrier.arrive $0xFFFF  }
0xf3: {  	[tilespmem:s13], [sflag:$0x7] =	stream.linear.gather [spmem:s8], $0x2800, $0x38;
	[tilespmem:$0xE800] =	vst v63  }
0xf4: {  	s26 =	sadd.s32 $0x1, s26;
	_ =	swait.ge [sflag:s14], $0x2800  }
0xf5: {  	p0 =	sne.s32 s26, s11;
	[sflag:s14] =	ssyncset.done $0x0  }
.Ltmp1:
0xf6: {  	[sflag:s14] =	ssyncadd.s32 $0xFFFFD800;
	(pc) =	sbr.rel @p0 .LBB2_1-.Ltmp1, $4  }
0xf7: {  	[hbm4b:s10+s4] =	stream.linear.scatter [tilespmem:s13], [sflag:$0x7], $0x2800, $0x38;
	[tilespmem:$0xE800] =	vst v63  }
0xf8: {  	_ =	swait.ge [sflag:s14], $0x2800  }
0xf9: {  	[sflag:s14] =	ssyncset.done $0x0  }
0xfa: {  	[sflag:s14] =	ssyncadd.s32 $0xFFFFD800  }
0xfb: {  	_ =	sfence.sel $0x180000  }
0xfc: {  	[bflag:$0x0] =	sbarrier.arrive $0xFFFF  }
0xfd: {  	p0 =	sne.s32 s0, $0x0;
	_ =	strace $0x9000004D  }
0xfe: {  	s0 =	sadd.s32 @!p0 $0x100000, s1;
	[bflag:$0x2] =	sbarrier.arrive $0xFFFF  }
0xff: {  	[sflag:s0] =	ssyncadd.tile.s32 @!p0 $0x1;
	_ =	shalt  }
.Lfunc_end2:
_tile_overlayer_lowered:
.L_overlay_start_2:
0x100: {  	(tag) =	ssettag $0x2  }
0x101: {  	s0 =	rddreg [dreg:$0x0];
	s2 =	stileid.u32  }
0x102: {  	s1 =	rddreg [dreg:$0x1];
	p0 =	sne.s32 s2, $0x0  }
0x103: {  	s3 =	rddreg [dreg:$0x2];
	[bflag:$0x3] =	sbarrier.arrive $0xFFFF;
	s2 =	simm.s32 @!p0 $0x1C07  }
0x104: {  	[timem:s3], [sflag:s2] =	dma.local @!p0 [hbm:s0], s1  }
0x105: {  	s0 =	simm.s32 @!p0 $0x7  }
0x106: {  	_ =	swait.ge @!p0 [sflag:s0], s1  }
0x107: {  	s1 =	ssub.s32 @!p0 $0x0, s1;
	[sflag:s0] =	ssyncset.done @!p0 $0x0  }
0x108: {  	[sflag:s0] =	ssyncadd.s32 @!p0 s1  }
0x109: {  	[bflag:$0x3] =	sbarrier.arrive $0xFFFF  }
0x10a: {  	_ =	shalt  }

// kernel: kernel.8.cloned.1.call-start
scs
__scs_entry_jumppad:
0x0: {  	(pc) =	sbr.rel $0x88, $3  }
0x1: {  	(tag) =	ssettag $0x0;
	lr =	simm.s32 $0x1  }
0x2: {  	[smem:$0x3F99] =	sst lr;
	_ =	strace $0xD0000000  }
0x3: {  	_ = 	snop  }
0x4: {  	_ = 	snop  }
0x5: {  	_ = 	snop  }
0x6: {  	_ = 	snop  }
0x7: {  	_ = 	snop  }
__scs_overlays_trampoline_lowered:
0x8: {  	[smem:$0x3FA8] =	sst s0  }
0x9: {  	[smem:$0x3FA9] =	sst s1  }
0xa: {  	[smem:$0x3FAA] =	sst s2  }
0xb: {  	[smem:$0x3FAB] =	sst s3  }
0xc: {  	[smem:$0x3FAC] =	sst s4  }
0xd: {  	[smem:$0x3FAD] =	sst s5  }
0xe: {  	[smem:$0x3FAE] =	sst s6  }
0xf: {  	[smem:$0x3FAF] =	sst s7  }
0x10: {  	[smem:$0x3FB0] =	sst s8  }
0x11: {  	[smem:$0x3FB1] =	sst s9;
	s0 =	simm.s32 @!p0 $0x0  }
0x12: {  	s1 =	sld [smem:$0x3F97];
	s0 =	simm.s32 @p0 $0x1  }
0x13: {  	[smem:$0x3FB2] =	sst s0;
	s0 =	simm.s32 @!p1 $0x0  }
0x14: {  	s2 =	sld [smem:$0x3F96];
	s0 =	simm.s32 @p1 $0x1  }
0x15: {  	[smem:$0x3FB3] =	sst s0;
	s0 =	simm.s32 @!p2 $0x0  }
0x16: {  	s3 =	sld [smem:$0x3FDB];
	s0 =	simm.s32 @p2 $0x1  }
0x17: {  	s4 =	simm.s32 $0x1BF5;
	[smem:$0x3FB5] =	sst s0  }
0x18: {  	s0 =	sld [smem:$0x3F98];
	_ =	swait.ge [sflag:s4], $0x0  }
0x19: {  	s7 =	sld [smem:$0x3F99]  }
0x1a: {  	s8 =	sadd.s32 $0xFFFFE003, lr  }
0x1b: {  	s9 =	sadd.s32 $0xFFFFFEF7, lr;
	s5 =	simm.s32 $0xFFFFFFFF;
	p2 =	slt.u32 s8, $0xFFFFF086  }
0x1c: {  	p1 =	slt.u32 s9, $0xF7A;
	s5 =	simm.s32 @!p2 $0x0  }
0x1d: {  	s5 =	simm.s32 @p1 $0x1;
	p0 =	seq.s32 s7, s2  }
0x1e: {  	s7 =	smul.u32 @!p0 $0xF7A, s2;
	p2 =	seq.s32 @!p0 s5, $0x0  }
0x1f: {  	s9 =	smul.u32 $0xF7A, s1;
	s8 =	simm.s32 @!p0 $0x1BF5;
	p2 =	por !p2, p0  }
0x20: {  	[sflag:s8] =	ssyncset.s32 @!p0 $0xFFFFF086;
	s6 =	sadd.s32 @!p0 s3, s7;
	s7 =	simm.s32 @!p0 $0x108  }
0x21: {  	s3 =	sadd.s32 s3, s9;
	s6 =	sadd.s32 @!p0 $0x88, s6;
	s7 =	simm.s32 @p2 $0x1082  }
0x22: {  	[simem:s7], [sflag:s8] =	dma.local @!p0 [hbm:s6], $0xF7A  }
0x23: {  	s9 =	sor.u32 $0xD0000000, s2;
	s6 =	simm.s32 $0x108;
	_ =	swait.ge @!p0 [sflag:s8], $0x0  }
0x24: {  	s3 =	sadd.s32 $0x88, s3;
	s6 =	simm.s32 @!p1 $0x1082;
	[sflag:s4] =	ssyncset.s32 $0xFFFFF086  }
0x25: {  	[simem:s6], [sflag:s4] =	dma.local [hbm:s3], $0xF7A  }
0x26: {  	[smem:$0x3F99] =	sst s1;
	(tag) =	ssettag s2;
	_ =	strace s9  }
0x27: {  	s1 =	sld [smem:$0x3FA9]  }
0x28: {  	s2 =	sld [smem:$0x3FAA]  }
0x29: {  	s4 =	sld [smem:$0x3FAC]  }
0x2a: {  	p0 =	seq.s32 s5, $0x0;
	s5 =	sld [smem:$0x3FAD]  }
0x2b: {  	s6 =	sld [smem:$0x3FAE]  }
0x2c: {  	s7 =	sld [smem:$0x3FAF]  }
0x2d: {  	s3 =	simm.s32 $0x108;
	s8 =	sld [smem:$0x3FB0]  }
0x2e: {  	s3 =	simm.s32 @!p0 $0x1082;
	s9 =	sld [smem:$0x3FB1]  }
0x2f: {  	lr =	sadd.s32 s0, s3;
	s0 =	sld [smem:$0x3FA8]  }
0x30: {  	s3 =	sld [smem:$0x3FAB]  }
0x31: {  	[smem:$0x3FB4] =	sst s10  }
0x32: {  	s10 =	sld [smem:$0x3FB2];
	_ =	sdelay $0x3  }
0x33: {  	p0 =	seq.s32 s10, $0x1;
	s10 =	sld [smem:$0x3FB4];
	_ =	sdelay $0x3  }
0x34: {  	[smem:$0x3FB4] =	sst s10  }
0x35: {  	s10 =	sld [smem:$0x3FB3];
	_ =	sdelay $0x3  }
0x36: {  	p1 =	seq.s32 s10, $0x1;
	s10 =	sld [smem:$0x3FB4];
	_ =	sdelay $0x3  }
0x37: {  	[smem:$0x3FB4] =	sst s10  }
0x38: {  	s10 =	sld [smem:$0x3FB5]  }
0x39: {  	_ = 	snop;
	(pc) =	sbr.ind lr, $3  }
0x3a: {  	_ = 	snop  }
0x3b: {  	_ = 	snop  }
0x3c: {  	p2 =	seq.s32 s10, $0x1;
	s10 =	sld [smem:$0x3FB4]  }
0x3d: {  	_ =	shalt  }
0x3e: {  	_ =	shalt  }
0x3f: {  	_ =	shalt  }
0x40: {  	_ =	shalt  }
0x41: {  	_ =	shalt  }
0x42: {  	_ =	shalt  }
0x43: {  	_ =	shalt  }
0x44: {  	_ =	shalt  }
0x45: {  	_ =	shalt  }
0x46: {  	_ =	shalt  }
0x47: {  	_ =	shalt  }
0x48: {  	_ =	shalt  }
0x49: {  	_ =	shalt  }
0x4a: {  	_ =	shalt  }
0x4b: {  	_ =	shalt  }
0x4c: {  	_ =	shalt  }
0x4d: {  	_ =	shalt  }
0x4e: {  	_ =	shalt  }
0x4f: {  	_ =	shalt  }
0x50: {  	_ =	shalt  }
0x51: {  	_ =	shalt  }
0x52: {  	_ =	shalt  }
0x53: {  	_ =	shalt  }
0x54: {  	_ =	shalt  }
0x55: {  	_ =	shalt  }
0x56: {  	_ =	shalt  }
0x57: {  	_ =	shalt  }
0x58: {  	_ =	shalt  }
0x59: {  	_ =	shalt  }
0x5a: {  	_ =	shalt  }
0x5b: {  	_ =	shalt  }
0x5c: {  	_ =	shalt  }
0x5d: {  	_ =	shalt  }
0x5e: {  	_ =	shalt  }
0x5f: {  	_ =	shalt  }
0x60: {  	_ =	shalt  }
0x61: {  	_ =	shalt  }
0x62: {  	_ =	shalt  }
0x63: {  	_ =	shalt  }
0x64: {  	_ =	shalt  }
0x65: {  	_ =	shalt  }
0x66: {  	_ =	shalt  }
0x67: {  	_ =	shalt  }
0x68: {  	_ =	shalt  }
0x69: {  	_ =	shalt  }
0x6a: {  	_ =	shalt  }
0x6b: {  	_ =	shalt  }
0x6c: {  	_ =	shalt  }
0x6d: {  	_ =	shalt  }
0x6e: {  	_ =	shalt  }
0x6f: {  	_ =	shalt  }
0x70: {  	_ =	shalt  }
0x71: {  	_ =	shalt  }
0x72: {  	_ =	shalt  }
0x73: {  	_ =	shalt  }
0x74: {  	_ =	shalt  }
0x75: {  	_ =	shalt  }
0x76: {  	_ =	shalt  }
0x77: {  	_ =	shalt  }
0x78: {  	_ =	shalt  }
0x79: {  	_ =	shalt  }
0x7a: {  	_ =	shalt  }
0x7b: {  	_ =	shalt  }
0x7c: {  	_ =	shalt  }
0x7d: {  	_ =	shalt  }
0x7e: {  	_ =	shalt  }
0x7f: {  	_ =	shalt  }
0x80: {  	_ =	shalt  }
0x81: {  	_ =	shalt  }
0x82: {  	_ =	shalt  }
0x83: {  	_ =	shalt  }
0x84: {  	_ =	shalt  }
0x85: {  	_ =	shalt  }
0x86: {  	_ =	shalt  }
0x87: {  	_ =	shalt  }
.Lfunc_end0:
.L_simem_size_0:
called_computation_lowered:
.L_overlay_start_0:
0x88: {  	s2 =	sld [smem:$0x3FD9]  }
0x89: {  	s3 =	sld [smem:$0x3FFE];
	_ =	sdelay $0x1  }
0x8a: {  	s1 =	srdreg.scid  }
0x8b: {  	s0 =	sand.u32 $0x1, s1  }
0x8c: {  	s16 =	sshll.u32 s0, $0xA;
	s2 =	sadd.s32 s3, s2  }
0x8d: {  	s2 =	sadd.s32 s2, s16  }
0x8e: {  	[smem:$0x3FC0] =	sst s2  }
0x8f: {  	_ = 	snop  }
0x90: {  	(tm) =	ssettm $0x1  }
0x91: {  	s17 =	sld [smem:$0x3FFB];
	_ =	sdelay $0x3  }
0x92: {  	_ =	strace s17  }
0x93: {  	s2 =	sld [smem:$0x3FFC];
	_ =	sdelay $0x3  }
0x94: {  	_ =	strace s2  }
0x95: {  	s2 =	sld [smem:$0x3FFD];
	_ =	sdelay $0x3  }
0x96: {  	_ =	strace s2  }
0x97: {  	_ =	strace $0x8FFFFFFF  }
0x98: {  	s18 =	sld [smem:$0x3FDB];
	_ =	sdelay $0x1  }
0x99: {  	s19 =	simm.s32 $_scs_section_size  }
0x9a: {  	s4 =	simm.s32 $_size__tile_overlayer_lowered;
	s5 =	simm.s32 $_tile_overlayer_lowered  }
0x9b: {  	s22 =	simm.s32 $0x1BFF;
	s21 =	sshll.u32 s5, $0x1;
	s2 =	sadd.s32 s19, s18  }
0x9c: {  	s6 =	simm.s32 $0x0;
	s20 =	sshll.u32 s4, $0x1;
	s4 =	sadd.s32 s21, s2  }
0x9d: {  	[timem:s6], [sflag:s22] =	dma.local [hbm:s4], s20  }
0x9e: {  	_ =	swait.ge [sflag:s22], s20  }
0x9f: {  	s3 =	ssub.s32 $0x0, s20;
	[sflag:s22] =	ssyncset.done $0x0  }
0xa0: {  	[sflag:s22] =	ssyncadd.s32 s3;
	_ =	sdelay $0x1  }
0xa1: {  	s23 =	simm.s32 $0x1B8B  }
0xa2: {  	_ =	swait.ge [sflag:s23], $0x1  }
0xa3: {  	[sflag:s23] =	ssyncset.done $0x0  }
0xa4: {  	s25 =	simm.s32 $0x1B8E;
	s24 =	sld [smem:$0x3FFE];
	[sflag:s23] =	ssyncadd.s32 $0xFFFFFFFF  }
0xa5: {  	s26 =	simm.s32 $execute0_lowered;
	[smem:$0x3FD2] =	sst s25  }
0xa6: {  	s4 =	sshll.u32 s26, $0x1;
	_ =	strace $0x80000046;
	[dreg:$0x1] =	wrdreg $0xFFFFFFFF  }
0xa7: {  	s28 =	simm.s32 $_size_execute0_lowered;
	s2 =	sadd.s32 s2, s4;
	[dreg:$0x0] =	wrdreg $0x0  }
0xa8: {  	s4 =	sshll.u32 s28, $0x1;
	[dreg:$0x2] =	wrdreg s2  }
0xa9: {  	[dreg:$0x3] =	wrdreg s4  }
0xaa: {  	[dreg:$0x4] =	wrdreg $0xC0  }
0xab: {  	_ =	task [dreg:s6], $0x5FFFF  }
0xac: {  	[dreg:$0x1] =	wrdreg $0xFFFFFFFF  }
0xad: {  	[dreg:$0x0] =	wrdreg $0x60  }
0xae: {  	[dreg:$0x2] =	wrdreg s24  }
0xaf: {  	[dreg:$0x3] =	wrdreg $0x2B000  }
0xb0: {  	[dreg:$0x4] =	wrdreg $0x9  }
0xb1: {  	_ =	task.clear_ibuf [dreg:s6], $0x5FFFF;
	_ =	strace $0x90000046  }
0xb2: {  	s29 =	simm.s32 $0x9;
	_ =	strace $0x80000048  }
0xb3: {  	_ =	swait.ge [sflag:s29], $0x1  }
0xb4: {  	[sflag:s29] =	ssyncadd.s32 $0xFFFFFFFF  }
0xb5: {  	_ =	strace $0x90000048  }
0xb6: {  	_ =	sfence  }
0xb7: {  	s30 =	sld [smem:$0x0];
	_ =	sdelay $0x2  }
0xb8: {  	s31 =	sshll.u32 s1, $0xD;
	s1 =	sshrl.u32 s1, $0x2  }
0xb9: {  	s3 =	sand.u32 $0x4000, s31;
	s1 =	sadd.s32 s1, s30  }
0xba: {  	s0 =	sor.u32 s3, s0;
	s1 =	sshll.u32 s1, $0x11  }
0xbb: {  	s0 =	sor.u32 s1, s0  }
0xbc: {  	s0 =	sadd.s32 $0x8F2B, s0  }
0xbd: {  	[sflag:s0] =	ssyncadd.remote.s32 $0x1  }
0xbe: {  	_ =	sfence.sel $0xFFFF  }
0xbf: {  	[dreg:$0x0] =	wrdreg $0xFFFFFFFF;
	(pc) =	sbr.abs _section_cstart, $3  }
0xc0: {  	[dreg:$0x1] =	wrdreg $0xFFFFFFFF  }
0xc1: {  	_ =	task.clear_ibuf [dreg:s6], $0x2FFFF;
	_ =	strace $0x9FFFFFFF  }
0xc2: {  	(tm) =	ssettm $0x7FFFFFFF  }
0xc3: {  	_ =	shalt  }
tec
execute0_lowered:
.L_overlay_start_1:
0x0: {  	(tag) =	ssettag $0x1  }
0x1: {  	s4 =	rddreg [dreg:$0x0]  }
0x2: {  	s2 =	rddreg [dreg:$0x1]  }
0x3: {  	s0 =	rddreg [dreg:$0x2];
	s3 =	srdreg.scid  }
0x4: {  	s1 =	stileid.u32;
	s10 =	simm.s32 $0x1;
	s11 =	simm.s32 $0x80  }
0x5: {  	s12 =	simm.s32 $0x2800;
	s13 =	simm.s32 $0x0;
	s5 =	sand.u32 $0x1, s3  }
0x6: {  	s6 =	sshll.u32 s1, $0x1;
	s7 =	smul.u32 $0x280, s1;
	s3 =	simm.s32 $0x0  }
0x7: {  	s6 =	sor.u32 s5, s6;
	s8 =	smul.u32 $0x2800, s5;
	s5 =	ssub.s32 $0x2, s5  }
0x8: {  	[smem:$0x7FF] =	sst s3;
	s6 =	smul.u32 $0x500, s6;
	s9 =	sshrl.u32 s5, $0x1  }
0x9: {  	_ =	strace $0x80000047;
	s8 =	sadd.s32 s7, s8;
	s9 =	ssub.s32 s5, s9  }
0xa: {  	s5 =	sadd.s32 s7, s2;
	s6 =	sadd.s32 s6, s4;
	s8 =	sshrl.u32 s8, $0x3  }
0xb: {  	s7 =	smax.u32 s9, $0x1;
	s9 =	simm.s32 $0x2;
	s8 =	sadd.s32 s8, s4  }
0xc: {  	v0 =	vimm.f32 $1.000000000e+00;
	v1 =	vimm.f32 $0.0e+00;
	s4 =	sadd.s32 $0x1A00, s6;
	s6 =	sadd.s32 $0xBA00, s8;
	s8 =	simm.s32 $0x2880  }
.LBB2_1:
0xd: {  	[tilespmem:s3], [sflag:$0x1] =	stream.linear.gather [hbm4b:s4+s3], $0x2800, $0x38;
	[tilespmem:$0x2D80] =	vst v63  }
0xe: {  	[tilespmem:$0x2800] =	vst v0  }
0xf: {  	[tilespmem:$0x2810] =	vst v0  }
0x10: {  	[tilespmem:$0x2820] =	vst v0  }
0x11: {  	[tilespmem:$0x2830] =	vst v0  }
0x12: {  	[tilespmem:$0x2840] =	vst v0  }
0x13: {  	[tilespmem:$0x2850] =	vst v0  }
0x14: {  	[tilespmem:$0x2860] =	vst v0  }
0x15: {  	[tilespmem:$0x2870] =	vst v0  }
0x16: {  	[tilespmem:$0x2880] =	vst v1  }
0x17: {  	[tilespmem:$0x2890] =	vst v1  }
0x18: {  	[tilespmem:$0x28A0] =	vst v1  }
0x19: {  	[tilespmem:$0x28B0] =	vst v1  }
0x1a: {  	[tilespmem:$0x28C0] =	vst v1  }
0x1b: {  	[tilespmem:$0x28D0] =	vst v1  }
0x1c: {  	[tilespmem:$0x28E0] =	vst v1  }
0x1d: {  	[tilespmem:$0x28F0] =	vst v1  }
0x1e: {  	[tilespmem:$0x2900] =	vst v1  }
0x1f: {  	[tilespmem:$0x2910] =	vst v1  }
0x20: {  	[tilespmem:$0x2920] =	vst v1  }
0x21: {  	[tilespmem:$0x2930] =	vst v1  }
0x22: {  	[tilespmem:$0x2940] =	vst v1  }
0x23: {  	[tilespmem:$0x2950] =	vst v1  }
0x24: {  	[tilespmem:$0x2960] =	vst v1  }
0x25: {  	[tilespmem:$0x2970] =	vst v1  }
0x26: {  	[tilespmem:$0x2980] =	vst v1  }
0x27: {  	[tilespmem:$0x2990] =	vst v1  }
0x28: {  	[tilespmem:$0x29A0] =	vst v1  }
0x29: {  	[tilespmem:$0x29B0] =	vst v1  }
0x2a: {  	[tilespmem:$0x29C0] =	vst v1  }
0x2b: {  	[tilespmem:$0x29D0] =	vst v1  }
0x2c: {  	[tilespmem:$0x29E0] =	vst v1  }
0x2d: {  	[tilespmem:$0x29F0] =	vst v1  }
0x2e: {  	[tilespmem:$0x2A00] =	vst v1  }
0x2f: {  	[tilespmem:$0x2A10] =	vst v1  }
0x30: {  	[tilespmem:$0x2A20] =	vst v1  }
0x31: {  	[tilespmem:$0x2A30] =	vst v1  }
0x32: {  	[tilespmem:$0x2A40] =	vst v1  }
0x33: {  	[tilespmem:$0x2A50] =	vst v1  }
0x34: {  	[tilespmem:$0x2A60] =	vst v1  }
0x35: {  	[tilespmem:$0x2A70] =	vst v1  }
0x36: {  	[tilespmem:$0x2A80] =	vst v1  }
0x37: {  	[tilespmem:$0x2A90] =	vst v1  }
0x38: {  	[tilespmem:$0x2AA0] =	vst v1  }
0x39: {  	[tilespmem:$0x2AB0] =	vst v1  }
0x3a: {  	[tilespmem:$0x2AC0] =	vst v1  }
0x3b: {  	[tilespmem:$0x2AD0] =	vst v1  }
0x3c: {  	[tilespmem:$0x2AE0] =	vst v1  }
0x3d: {  	[tilespmem:$0x2AF0] =	vst v1  }
0x3e: {  	[spmem:s5] =	stream.linear.scatter [tilespmem:s8], [sflag:$0x2], $0x280, $0x38;
	[tilespmem:$0x2D80] =	vst v63  }
0x3f: {  	_ =	swait.ge [sflag:s9], $0x280  }
0x40: {  	[sflag:s9] =	ssyncset.done $0x0  }
0x41: {  	[sflag:s9] =	ssyncadd.s32 $0xFFFFFD80  }
0x42: {  	_ =	swait.ge [sflag:s10], $0x2800  }
0x43: {  	[sflag:s10] =	ssyncset.done $0x0  }
0x44: {  	[sflag:s10] =	ssyncadd.s32 $0xFFFFD800  }
0x45: {  	s14 =	simm.s32 $0x0;
	[bflag:$0x0] =	sbarrier.arrive $0xFFFF  }
0x46: {  	[spmem:s2] =	stream.indirect.scatter.add.f32 [tilespmem:s12], [sflag:$0x2], $0x1, s14, s11, $0xb8;
	[tilespmem:$0x2D80] =	vst v63  }
0x47: {  	_ =	swait.ge [sflag:s9], $0x80  }
0x48: {  	s14 =	simm.s32 $0x200;
	[sflag:s9] =	ssyncset.done $0x0  }
.LBB2_2:
0x49: {  	s15 =	sshra.s32 s14, $0x2;
	[sflag:s9] =	ssyncadd.s32 $0xFFFFFF80;
	p0 =	sne.s32 s14, $0x9E00  }
0x4a: {  	[spmem:s2] =	stream.indirect.scatter.add.f32 [tilespmem:s12], [sflag:$0x2], $0x1, s15, s11, $0xb8;
	[tilespmem:$0x2D80] =	vst v63  }
.Ltmp0:
0x4b: {  	_ = 	snop;
	(pc) =	sbr.rel @p0 .LBB2_2-.Ltmp0, $4  }
0x4c: {  	_ = 	snop  }
0x4d: {  	s14 =	sadd.s32 $0x200, s14  }
0x4e: {  	_ =	swait.ge [sflag:s9], $0x80  }
0x4f: {  	[sflag:s9] =	ssyncset.done $0x0  }
0x50: {  	[sflag:s9] =	ssyncadd.s32 $0xFFFFFF80  }
0x51: {  	[bflag:$0x0] =	sbarrier.arrive $0xFFFF  }
0x52: {  	[tilespmem:s8], [sflag:$0x2] =	stream.linear.gather [spmem:s5], $0x280, $0x38;
	[tilespmem:$0x2D80] =	vst v63  }
0x53: {  	s13 =	sadd.s32 $0x1, s13;
	_ =	swait.ge [sflag:s9], $0x280  }
0x54: {  	p0 =	sne.s32 s13, s7;
	[sflag:s9] =	ssyncset.done $0x0  }
.Ltmp1:
0x55: {  	[sflag:s9] =	ssyncadd.s32 $0xFFFFFD80;
	(pc) =	sbr.rel @p0 .LBB2_1-.Ltmp1, $4  }
0x56: {  	[hbm4b:s6+s3] =	stream.linear.scatter [tilespmem:s8], [sflag:$0x2], $0x280, $0x38;
	[tilespmem:$0x2D80] =	vst v63  }
0x57: {  	_ =	swait.ge [sflag:s9], $0x280  }
0x58: {  	[sflag:s9] =	ssyncset.done $0x0  }
0x59: {  	[sflag:s9] =	ssyncadd.s32 $0xFFFFFD80  }
0x5a: {  	_ =	sfence.sel $0x180000  }
0x5b: {  	[bflag:$0x0] =	sbarrier.arrive $0xFFFF  }
0x5c: {  	p0 =	sne.s32 s1, $0x0;
	_ =	strace $0x90000047  }
0x5d: {  	s0 =	sadd.s32 @!p0 $0x100000, s0;
	[bflag:$0x2] =	sbarrier.arrive $0xFFFF  }
0x5e: {  	[sflag:s0] =	ssyncadd.tile.s32 @!p0 $0x1;
	_ =	shalt  }
.Lfunc_end2:
_tile_overlayer_lowered:
.L_overlay_start_2:
0x5f: {  	(tag) =	ssettag $0x2  }
0x60: {  	s0 =	rddreg [dreg:$0x0];
	s2 =	stileid.u32  }
0x61: {  	s1 =	rddreg [dreg:$0x1];
	p0 =	sne.s32 s2, $0x0  }
0x62: {  	s3 =	rddreg [dreg:$0x2];
	[bflag:$0x3] =	sbarrier.arrive $0xFFFF;
	s2 =	simm.s32 @!p0 $0x1C02  }
0x63: {  	[timem:s3], [sflag:s2] =	dma.local @!p0 [hbm:s0], s1  }
0x64: {  	s0 =	simm.s32 @!p0 $0x2  }
0x65: {  	_ =	swait.ge @!p0 [sflag:s0], s1  }
0x66: {  	s1 =	ssub.s32 @!p0 $0x0, s1;
	[sflag:s0] =	ssyncset.done @!p0 $0x0  }
0x67: {  	[sflag:s0] =	ssyncadd.s32 @!p0 s1  }
0x68: {  	[bflag:$0x3] =	sbarrier.arrive $0xFFFF  }
0x69: {  	_ =	shalt  }

</sc_bundles>
